<compile_context>
chip_gen: v7x
topology: tpu7x:2x2x1
jax: 0.10.2.dev20260603
libtpu: 0.0.44.dev20260713+nightly
codegen_flags: <defaults>
</compile_context>

<pallas_src>
import jax
import jax.numpy as jnp
from jax import lax
from jax.experimental import pallas as pl
from jax.experimental.pallas import tpu as pltpu
from jax.experimental.pallas import tpu_sc as plsc

N = 10000
E = 320000
D_IN = 128
HID = 8
H1 = 8
H2 = 1

NC = 2
NS = 16
LANES = 16
NW = NC * NS
EPW = E // NW
CH = 125
NCHUNK = EPW // CH
RPW = N // NS
NFULL = RPW // CH
TAIL = RPW - NFULL * CH

T1W = H1 * HID + 2 * H1
A1W = T1W
T2W = 16
A2W = 16


def _iota16():
    return lax.iota(jnp.int32, LANES)


def _zero_stripe(cmb_v, acc_sh, base, width):
    def zrow(r, carry):
        for k in range(width // LANES):
            cmb_v[r, pl.ds(k * LANES, LANES)] = jnp.zeros((LANES,), jnp.float32)
        return carry
    lax.fori_loop(0, CH, zrow, None)
    for k in range(NFULL):
        pltpu.sync_copy(cmb_v, acc_sh.at[pl.ds(base + k * CH, CH)])
    if TAIL:
        pltpu.sync_copy(cmb_v.at[pl.ds(0, TAIL)],
                        acc_sh.at[pl.ds(base + NFULL * CH, TAIL)])


def _write_stripe(cmb_v, acc_sh, out_hbm, c, base):
    pltpu.sync_copy(acc_sh.at[pl.ds(base, RPW)],
                    out_hbm.at[c, pl.ds(base, RPW)])


def _edge_pass(src_hbm, dst_hbm, tab_hbm, er_hbm, out_hbm,
               src_v, dst_v, rows, ers, cmbs, ee_v, acc_sh, tab_sh, er_sh,
               gsems, esems, ssems, width, row_compute):
    c = lax.axis_index("c")
    s = lax.axis_index("s")
    wid = s * NC + c
    base = s * RPW

    if tab_sh is not None:
        pltpu.sync_copy(tab_hbm.at[pl.ds(base, RPW)],
                        tab_sh.at[pl.ds(base, RPW)])
    else:
        tab_sh = tab_hbm
    pltpu.sync_copy(er_hbm.at[pl.ds(base, RPW)], er_sh.at[pl.ds(base, RPW)])
    _zero_stripe(cmbs[0], acc_sh, base, width)
    plsc.subcore_barrier()

    pltpu.sync_copy(src_hbm.at[wid], src_v)
    pltpu.sync_copy(dst_hbm.at[wid], dst_v)

    pltpu.async_copy(tab_sh.at[src_v.at[0]], rows[0], gsems[0])
    pltpu.async_copy(er_sh.at[dst_v.at[0]], ers[0], esems[0])

    def step(i, carry):
        ci2 = 2 * i
        for b in range(2):
            ci = ci2 + b
            def prefetch():
                pltpu.async_copy(tab_sh.at[src_v.at[ci + 1]],
                                 rows[1 - b], gsems[1 - b])
                pltpu.async_copy(er_sh.at[dst_v.at[ci + 1]],
                                 ers[1 - b], esems[1 - b])
            if b == 0:
                prefetch()
            else:
                @pl.when(ci + 1 < NCHUNK)
                def _():
                    prefetch()
            pltpu.make_async_copy(tab_sh.at[src_v.at[ci]],
                                  rows[b], gsems[b]).wait()
            pltpu.make_async_copy(er_sh.at[dst_v.at[ci]],
                                  ers[b], esems[b]).wait()
            @pl.when(ci2 > 0)
            def _():
                pltpu.make_async_copy(cmbs[b], acc_sh.at[dst_v.at[ci]],
                                      ssems[b]).wait()
            row_compute(rows[b], ers[b], cmbs[b], ee_v)
            pltpu.async_copy(cmbs[b], acc_sh.at[dst_v.at[ci]],
                             ssems[b], add=True)
        return carry
    lax.fori_loop(0, NCHUNK // 2, step, None)

    for b in range(2):
        pltpu.make_async_copy(cmbs[b], acc_sh.at[dst_v.at[0]],
                              ssems[b]).wait()

    plsc.subcore_barrier()
    _write_stripe(cmbs[0], acc_sh, out_hbm, c, base)


def _sc_edge_kernel_1(src_hbm, dst_hbm, t1_hbm, er1_hbm, out_hbm,
                      src_v, dst_v, rows0, rows1, er0, er1v, cmb0, cmb1,
                      ee_v, acc_sh, tab_sh, er_sh, g0, g1, e0, e1, s0, s1):
    io16 = _iota16()
    msk8 = jnp.where(io16 < 8, 1.0, 0.0)
    idxk = [((16 * k + io16) >> 3).astype(jnp.int32) for k in range(4)]

    def row_compute(rows_v, er_v, cmb_v, eebuf):
        @plsc.parallel_loop(0, CH, unroll=5)
        def row_body(r):
            elv = rows_v[r, pl.ds(H1 * HID, LANES)]
            erv = er_v[r, :]
            sv = elv + erv
            ee2 = jnp.exp(jnp.maximum(sv, 0.2 * sv))
            cmb_v[r, pl.ds(H1 * HID, LANES)] = ee2 * msk8
            for k in range(4):
                g = ee2[idxk[k]]
                fv = rows_v[r, pl.ds(16 * k, LANES)]
                cmb_v[r, pl.ds(16 * k, LANES)] = fv * g

    _edge_pass(src_hbm, dst_hbm, t1_hbm, er1_hbm, out_hbm,
               src_v, dst_v, (rows0, rows1), (er0, er1v), (cmb0, cmb1),
               ee_v, acc_sh, tab_sh, er_sh,
               (g0, g1), (e0, e1), (s0, s1), A1W, row_compute)


def _sc_edge_kernel_2(src_hbm, dst_hbm, t2_hbm, er2_hbm, out_hbm,
                      src_v, dst_v, rows0, rows1, er0, er1v, cmb0, cmb1,
                      ee_v, acc_sh, tab_sh, er_sh, g0, g1, e0, e1, s0, s1):
    io16 = _iota16()
    oh8 = jnp.where(io16 == 8, 1.0, 0.0)
    idx8 = jnp.full((LANES,), 8, jnp.int32)

    def row_compute(rows_v, er_v, cmb_v, sbuf):
        @plsc.parallel_loop(0, CH, unroll=5)
        def row_body(r):
            tv = rows_v[r, :]
            uv = er_v[r, :]
            sv = tv + uv
            g = sv[idx8]
            ee = jnp.exp(jnp.maximum(g, 0.2 * g))
            fvec = jnp.where(io16 < 8, tv, oh8)
            cmb_v[r, :] = ee * fvec

    _edge_pass(src_hbm, dst_hbm, t2_hbm, er2_hbm, out_hbm,
               src_v, dst_v, (rows0, rows1), (er0, er1v), (cmb0, cmb1),
               ee_v, acc_sh, tab_sh, er_sh,
               (g0, g1), (e0, e1), (s0, s1), A2W, row_compute)


def _sc_pass(body, src3, dst3, tab, er, tabw, accw, stage_tab):
    mesh = plsc.VectorSubcoreMesh(core_axis_name="c", subcore_axis_name="s")
    f = pl.kernel(
        body,
        out_type=jax.ShapeDtypeStruct((NC, N, accw), jnp.float32),
        mesh=mesh,
        compiler_params=pltpu.CompilerParams(
            use_tc_tiling_on_sc=False, needs_layout_passes=False,
            skip_device_barrier=True),
        scratch_types=[
            pltpu.VMEM((NCHUNK, CH), jnp.int32),
            pltpu.VMEM((NCHUNK, CH), jnp.int32),
            pltpu.VMEM((CH, tabw), jnp.float32),
            pltpu.VMEM((CH, tabw), jnp.float32),
            pltpu.VMEM((CH, LANES), jnp.float32),
            pltpu.VMEM((CH, LANES), jnp.float32),
            pltpu.VMEM((CH, accw), jnp.float32),
            pltpu.VMEM((CH, accw), jnp.float32),
            pltpu.VMEM((CH * LANES,), jnp.float32),
            pltpu.VMEM_SHARED((N, accw), jnp.float32),
            pltpu.VMEM_SHARED((N, tabw), jnp.float32) if stage_tab else None,
            pltpu.VMEM_SHARED((N, LANES), jnp.float32),
            pltpu.SemaphoreType.DMA,
            pltpu.SemaphoreType.DMA,
            pltpu.SemaphoreType.DMA,
            pltpu.SemaphoreType.DMA,
            pltpu.SemaphoreType.DMA,
            pltpu.SemaphoreType.DMA,
        ],
    )
    return f(src3, dst3, tab, er)


BN = 2000
NBLK = N // BN


def _tc_pre_body(x_ref, w1_ref, al_ref, ar_ref, t1_ref, er1_ref):
    feat = jnp.dot(x_ref[...], w1_ref[...], preferred_element_type=jnp.float32)
    el = jnp.dot(feat, al_ref[...], preferred_element_type=jnp.float32)
    er = jnp.dot(feat, ar_ref[...], preferred_element_type=jnp.float32)
    t1_ref[...] = jnp.concatenate([feat, el, el], axis=1)
    er1_ref[...] = jnp.concatenate([er, er], axis=1)


def _tc_pre(x, W1, AL, AR):
    return pl.pallas_call(
        _tc_pre_body,
        grid=(NBLK,),
        in_specs=[
            pl.BlockSpec((BN, D_IN), lambda i: (i, 0)),
            pl.BlockSpec((D_IN, H1 * HID), lambda i: (0, 0)),
            pl.BlockSpec((H1 * HID, H1), lambda i: (0, 0)),
            pl.BlockSpec((H1 * HID, H1), lambda i: (0, 0)),
        ],
        out_specs=[
            pl.BlockSpec((BN, T1W), lambda i: (i, 0)),
            pl.BlockSpec((BN, LANES), lambda i: (i, 0)),
        ],
        out_shape=[
            jax.ShapeDtypeStruct((N, T1W), jnp.float32),
            jax.ShapeDtypeStruct((N, LANES), jnp.float32),
        ],
        compiler_params=pltpu.CompilerParams(skip_device_barrier=True),
    )(x, W1, AL, AR)


def _elu(z):
    return jnp.where(z > 0, z, jnp.exp(jnp.minimum(z, 0.0)) - 1.0)


def _tc_mid_body(acc_ref, rep_ref, b1_ref, w2_ref, al2_ref, ar2_ref,
                 rw2_ref, t2_ref, er2_ref, res_ref):
    a = acc_ref[0] + acc_ref[1]
    msg = a[:, : H1 * HID]
    den = a[:, H1 * HID : H1 * HID + H1]
    den_rep = jnp.dot(den, rep_ref[...], preferred_element_type=jnp.float32)
    h1 = _elu(msg / jnp.maximum(den_rep, 1e-9) + b1_ref[...])
    feat2 = jnp.dot(h1, w2_ref[...], preferred_element_type=jnp.float32)
    el2 = jnp.dot(feat2, al2_ref[...], preferred_element_type=jnp.float32)
    er2 = jnp.dot(feat2, ar2_ref[...], preferred_element_type=jnp.float32)
    res = jnp.dot(h1, rw2_ref[...], preferred_element_type=jnp.float32)
    t2_ref[...] = jnp.concatenate(
        [feat2, jnp.broadcast_to(el2, (BN, H2 * HID))], axis=1)
    er2_ref[...] = jnp.broadcast_to(er2, (BN, T2W))
    res_ref[...] = res


def _tc_mid(accP, REP, b1, W2, AL2, AR2, resW2):
    return pl.pallas_call(
        _tc_mid_body,
        grid=(NBLK,),
        in_specs=[
            pl.BlockSpec((NC, BN, A1W), lambda i: (0, i, 0)),
            pl.BlockSpec((H1, H1 * HID), lambda i: (0, 0)),
            pl.BlockSpec((1, H1 * HID), lambda i: (0, 0)),
            pl.BlockSpec((H1 * HID, H2 * HID), lambda i: (0, 0)),
            pl.BlockSpec((H2 * HID, H2), lambda i: (0, 0)),
            pl.BlockSpec((H2 * HID, H2), lambda i: (0, 0)),
            pl.BlockSpec((H1 * HID, H2 * HID), lambda i: (0, 0)),
        ],
        out_specs=[
            pl.BlockSpec((BN, T2W), lambda i: (i, 0)),
            pl.BlockSpec((BN, T2W), lambda i: (i, 0)),
            pl.BlockSpec((BN, H2 * HID), lambda i: (i, 0)),
        ],
        out_shape=[
            jax.ShapeDtypeStruct((N, T2W), jnp.float32),
            jax.ShapeDtypeStruct((N, T2W), jnp.float32),
            jax.ShapeDtypeStruct((N, H2 * HID), jnp.float32),
        ],
        compiler_params=pltpu.CompilerParams(skip_device_barrier=True),
    )(accP, REP, b1, W2, AL2, AR2, resW2)


def _tc_fin_body(acc_ref, res_ref, b2_ref, out_ref):
    a = acc_ref[0] + acc_ref[1]
    num = a[:, : H2 * HID]
    den = a[:, H2 * HID : H2 * HID + 1]
    z = num / jnp.maximum(jnp.broadcast_to(den, (BN, H2 * HID)), 1e-9)
    out_ref[...] = _elu(z + res_ref[...] + b2_ref[...])


def _tc_fin(acc2P, RES, b2):
    return pl.pallas_call(
        _tc_fin_body,
        grid=(NBLK,),
        in_specs=[
            pl.BlockSpec((NC, BN, A2W), lambda i: (0, i, 0)),
            pl.BlockSpec((BN, H2 * HID), lambda i: (i, 0)),
            pl.BlockSpec((1, H2 * HID), lambda i: (0, 0)),
        ],
        out_specs=pl.BlockSpec((BN, H2 * HID), lambda i: (i, 0)),
        out_shape=jax.ShapeDtypeStruct((N, H2 * HID), jnp.float32),
        compiler_params=pltpu.CompilerParams(skip_device_barrier=True),
    )(acc2P, RES, b2)


def kernel(x, edge_index, W1, al1, ar1, b1, W2, al2, ar2, b2, resW2):
    src3 = edge_index[0].reshape(NW, NCHUNK, CH)
    dst3 = edge_index[1].reshape(NW, NCHUNK, CH)
    eye8 = jnp.eye(H1, dtype=jnp.float32)
    AL = (al1[:, :, None] * eye8[:, None, :]).reshape(H1 * HID, H1)
    AR = (ar1[:, :, None] * eye8[:, None, :]).reshape(H1 * HID, H1)
    AL2 = al2.reshape(H2, HID).T.reshape(H2 * HID, H2)
    AR2 = ar2.reshape(H2, HID).T.reshape(H2 * HID, H2)
    REP = jnp.kron(eye8, jnp.ones((1, HID), jnp.float32))
    b1r = b1.reshape(1, H1 * HID)
    b2r = b2.reshape(1, H2 * HID)

    t1, er1 = _tc_pre(x, W1, AL, AR)
    accP = _sc_pass(_sc_edge_kernel_1, src3, dst3, t1, er1, T1W, A1W, False)
    t2, er2, res = _tc_mid(accP, REP, b1r, W2, AL2, AR2, resW2)
    acc2P = _sc_pass(_sc_edge_kernel_2, src3, dst3, t2, er2, T2W, A2W, True)
    return _tc_fin(acc2P, res, b2r)

# --- scband reference (transcript-rebuilt; emitter-appended) ---
"""Pipeline reference for scband-gatmodel-65506841199115 (READ-ONLY COPY).

The authoritative reference and input builder live on the scoring server;
editing this copy changes nothing except your own understanding.
"""

import jax, jax.numpy as jnp
import numpy as np

N = 10000
E = 320000
D_IN = 128
HID = 8
H1 = 8
H2 = 1


def setup_inputs(seed: int = 0) -> dict:
    key = jax.random.key(seed)
    ks = jax.random.split(key, 12)
    x = jax.random.normal(ks[0], (N, D_IN), dtype=jnp.float32)
    edge_index = jax.random.randint(ks[1], (2, E), 0, N, dtype=jnp.int32)
    W1 = jax.random.normal(ks[2], (D_IN, H1 * HID), dtype=jnp.float32) * 0.1
    al1 = jax.random.normal(ks[3], (H1, HID), dtype=jnp.float32) * 0.1
    ar1 = jax.random.normal(ks[4], (H1, HID), dtype=jnp.float32) * 0.1
    b1 = jnp.zeros((H1 * HID,), dtype=jnp.float32)
    W2 = jax.random.normal(ks[5], (H1 * HID, H2 * HID), dtype=jnp.float32) * 0.1
    al2 = jax.random.normal(ks[6], (H2, HID), dtype=jnp.float32) * 0.1
    ar2 = jax.random.normal(ks[7], (H2, HID), dtype=jnp.float32) * 0.1
    b2 = jnp.zeros((H2 * HID,), dtype=jnp.float32)
    resW2 = jax.random.normal(ks[8], (H1 * HID, H2 * HID), dtype=jnp.float32) * 0.1
    return {"x": x, "edge_index": edge_index, "W1": W1, "al1": al1, "ar1": ar1, "b1": b1,
            "W2": W2, "al2": al2, "ar2": ar2, "b2": b2, "resW2": resW2}


def gat_layer(x, edge_index, W, al, ar, b, resW, H, D):
    src = edge_index[0]
    dst = edge_index[1]
    n = x.shape[0]
    feat = (x @ W).reshape(n, H, D)
    el = jnp.sum(feat * al[None, :, :], axis=-1)  # [N, H]
    er = jnp.sum(feat * ar[None, :, :], axis=-1)  # [N, H]
    e = jax.nn.leaky_relu(el[src] + er[dst], negative_slope=0.2)  # [E, H]
    emax = jax.ops.segment_max(e, dst, num_segments=n)
    emax = jnp.where(jnp.isfinite(emax), emax, 0.0)
    emax = jax.lax.stop_gradient(emax)
    ee = jnp.exp(e - emax[dst])
    denom = jax.ops.segment_sum(ee, dst, num_segments=n)
    alpha = ee / jnp.maximum(denom[dst], 1e-9)  # edge softmax over dst
    msg = feat[src] * alpha[:, :, None]  # [E, H, D]
    rst = jax.ops.segment_sum(msg, dst, num_segments=n)  # [N, H, D]
    if resW is not None:
        rst = rst + (x @ resW).reshape(n, H, D)
    rst = rst + b.reshape(1, H, D)
    rst = jax.nn.elu(rst)
    return rst.reshape(n, H * D)


def reference(x, edge_index, W1, al1, ar1, b1, W2, al2, ar2, b2, resW2):
    h = gat_layer(x, edge_index, W1, al1, ar1, b1, None, H1, HID)
    h = gat_layer(h, edge_index, W2, al2, ar2, b2, resW2, H2, HID)
    return h

if __name__ == "__main__":
    import jax
    _d = setup_inputs()
    print(jax.jit(kernel)(*tuple(_d.values())))

</pallas_src>

<mosaic_0001>
#map = affine_map<(d0, d1) -> (0, 0, 0)>
#map1 = affine_map<(d0, d1) -> (0, 0)>
module attributes {stable_mosaic.version = 14 : i64} {
  func.func @_sc_edge_kernel_1(%arg0: i32, %arg1: i32, %arg2: memref<32x80x125xi32, #tpu.memory_space<hbm>>, %arg3: memref<32x80x125xi32, #tpu.memory_space<hbm>>, %arg4: memref<10000x80xf32, #tpu.memory_space<hbm>>, %arg5: memref<10000x16xf32, #tpu.memory_space<hbm>>, %arg6: memref<2x10000x80xf32, #tpu.memory_space<hbm>>, %arg7: memref<80x125xi32, #tpu.memory_space<vmem>>, %arg8: memref<80x125xi32, #tpu.memory_space<vmem>>, %arg9: memref<125x80xf32, #tpu.memory_space<vmem>>, %arg10: memref<125x80xf32, #tpu.memory_space<vmem>>, %arg11: memref<125x16xf32, #tpu.memory_space<vmem>>, %arg12: memref<125x16xf32, #tpu.memory_space<vmem>>, %arg13: memref<125x80xf32, #tpu.memory_space<vmem>>, %arg14: memref<125x80xf32, #tpu.memory_space<vmem>>, %arg15: memref<2000xf32, #tpu.memory_space<vmem>>, %arg16: memref<10000x80xf32, #tpu.memory_space<vmem_shared>>, %arg17: memref<10000x16xf32, #tpu.memory_space<vmem_shared>>, %arg18: memref<!tpu.dma_semaphore, #tpu.memory_space<semaphore_mem>>, %arg19: memref<!tpu.dma_semaphore, #tpu.memory_space<semaphore_mem>>, %arg20: memref<!tpu.dma_semaphore, #tpu.memory_space<semaphore_mem>>, %arg21: memref<!tpu.dma_semaphore, #tpu.memory_space<semaphore_mem>>, %arg22: memref<!tpu.dma_semaphore, #tpu.memory_space<semaphore_mem>>, %arg23: memref<!tpu.dma_semaphore, #tpu.memory_space<semaphore_mem>>) attributes {dimension_semantics = [#tpu.dimension_semantics<core_parallel>, #tpu.dimension_semantics<subcore_parallel>], iteration_bounds = array<i64: 2, 16>, scalar_prefetch = 0 : i64, scratch_operands = 17 : i64, tpu.core_type = #tpu.core_type<sc_vector_subcore>, window_params = [{transform_indices = #map}, {transform_indices = #map}, {transform_indices = #map1}, {transform_indices = #map1}, {transform_indices = #map}]} {
    %iota3A = tpu.iota {dimensions = array<i32: 0>} : vector<16xi32>
    %lt3A = arith.constant 8 : i32
    %lt3A_0 = vector.broadcast %lt3A : i32 to vector<16xi32>
    %lt3A_1 = arith.cmpi slt, %iota3A, %lt3A_0 : vector<16xi32>
    %jit3A = arith.constant 1.000000e+00 : f32
    %jit3A_2 = arith.constant 0.000000e+00 : f32
    %broadcast_in_dim3A = vector.broadcast %jit3A : f32 to vector<16xf32>
    %broadcast_in_dim3A_3 = vector.broadcast %jit3A_2 : f32 to vector<16xf32>
    %select_n3A = arith.select %lt3A_1, %broadcast_in_dim3A, %broadcast_in_dim3A_3 : vector<16xi1>, vector<16xf32>
    %add3A = arith.constant 0 : i32
    %add3A_4 = vector.broadcast %add3A : i32 to vector<16xi32>
    %add3A_5 = arith.addi %add3A_4, %iota3A : vector<16xi32>
    %shift_right_arithmetic3A = arith.constant 3 : i32
    %shift_right_arithmetic3A_6 = vector.broadcast %shift_right_arithmetic3A : i32 to vector<16xi32>
    %shift_right_arithmetic3A_7 = arith.shrsi %add3A_5, %shift_right_arithmetic3A_6 : vector<16xi32>
    %add3A_8 = arith.constant 16 : i32
    %add3A_9 = vector.broadcast %add3A_8 : i32 to vector<16xi32>
    %add3A_10 = arith.addi %add3A_9, %iota3A : vector<16xi32>
    %shift_right_arithmetic3A_11 = arith.constant 3 : i32
    %shift_right_arithmetic3A_12 = vector.broadcast %shift_right_arithmetic3A_11 : i32 to vector<16xi32>
    %shift_right_arithmetic3A_13 = arith.shrsi %add3A_10, %shift_right_arithmetic3A_12 : vector<16xi32>
    %add3A_14 = arith.constant 32 : i32
    %add3A_15 = vector.broadcast %add3A_14 : i32 to vector<16xi32>
    %add3A_16 = arith.addi %add3A_15, %iota3A : vector<16xi32>
    %shift_right_arithmetic3A_17 = arith.constant 3 : i32
    %shift_right_arithmetic3A_18 = vector.broadcast %shift_right_arithmetic3A_17 : i32 to vector<16xi32>
    %shift_right_arithmetic3A_19 = arith.shrsi %add3A_16, %shift_right_arithmetic3A_18 : vector<16xi32>
    %add3A_20 = arith.constant 48 : i32
    %add3A_21 = vector.broadcast %add3A_20 : i32 to vector<16xi32>
    %add3A_22 = arith.addi %add3A_21, %iota3A : vector<16xi32>
    %shift_right_arithmetic3A_23 = arith.constant 3 : i32
    %shift_right_arithmetic3A_24 = vector.broadcast %shift_right_arithmetic3A_23 : i32 to vector<16xi32>
    %shift_right_arithmetic3A_25 = arith.shrsi %add3A_22, %shift_right_arithmetic3A_24 : vector<16xi32>
    %mul3A = arith.constant 2 : i32
    %mul3A_26 = arith.muli %arg1, %mul3A : i32
    %add3A_27 = arith.addi %mul3A_26, %arg0 : i32
    %mul3A_28 = arith.constant 625 : i32
    %mul3A_29 = arith.muli %arg1, %mul3A_28 : i32
    "tpu.region"() ({
      %run_scoped3A = tpu.sem_alloc : memref<!tpu.dma_semaphore, #tpu.memory_space<semaphore_mem>>
      %dma_start3A_76 = arith.constant 0 : i32
      %dma_start3A_77 = tpu.memref_slice %arg17[%mul3A_29, %dma_start3A_76] : memref<10000x16xf32, #tpu.memory_space<vmem_shared>> -> memref<625x16xf32, #tpu.memory_space<vmem_shared>>
      %dma_start3A_78 = arith.constant 0 : i32
      %dma_start3A_79 = tpu.memref_slice %arg5[%mul3A_29, %dma_start3A_78] : memref<10000x16xf32, #tpu.memory_space<hbm>> -> memref<625x16xf32, #tpu.memory_space<hbm>>
      tpu.enqueue_dma source(%dma_start3A_79 : memref<625x16xf32, #tpu.memory_space<hbm>>) target(%dma_start3A_77 : memref<625x16xf32, #tpu.memory_space<vmem_shared>>) target_semaphore(%run_scoped3A : memref<!tpu.dma_semaphore, #tpu.memory_space<semaphore_mem>>)
      %dma_wait3A_80 = arith.constant 0 : i32
      %dma_wait3A_81 = tpu.memref_slice %arg17[%mul3A_29, %dma_wait3A_80] : memref<10000x16xf32, #tpu.memory_space<vmem_shared>> -> memref<625x16xf32, #tpu.memory_space<vmem_shared>>
      %dma_wait3A_82 = arith.constant 0 : i32
      %dma_wait3A_83 = tpu.memref_slice %arg5[%mul3A_29, %dma_wait3A_82] : memref<10000x16xf32, #tpu.memory_space<hbm>> -> memref<625x16xf32, #tpu.memory_space<hbm>>
      tpu.wait_dma2 semaphore(%run_scoped3A : memref<!tpu.dma_semaphore, #tpu.memory_space<semaphore_mem>>) src(%dma_wait3A_83 : memref<625x16xf32, #tpu.memory_space<hbm>>) dst(%dma_wait3A_81 : memref<625x16xf32, #tpu.memory_space<vmem_shared>>)
      tpu.yield
    }) : () -> ()
    %scan3A = arith.constant 0 : i32
    %scan3A_30 = arith.constant 125 : i32
    %scan3A_31 = arith.addi %scan3A, %scan3A_30 : i32
    %scan3A_32 = arith.constant 1 : i32
    scf.for %scan3A_76 = %scan3A to %scan3A_31 step %scan3A_32  : i32 {
      %broadcast_in_dim3A_77 = arith.constant 0.000000e+00 : f32
      %broadcast_in_dim3A_78 = vector.broadcast %broadcast_in_dim3A_77 : f32 to vector<16xf32>
      %swap3A = arith.index_cast %scan3A_76 : i32 to index
      %swap3A_79 = arith.constant 0 : index
      %swap3A_80 = tpu.vector_load %arg13[%swap3A, %swap3A_79] {strides = array<i32>} : memref<125x80xf32, #tpu.memory_space<vmem>>, vector<16xf32>,
      tpu.vector_store %arg13[%swap3A, %swap3A_79], %broadcast_in_dim3A_78 {strides = array<i32>} : memref<125x80xf32, #tpu.memory_space<vmem>>, vector<16xf32>,
      %broadcast_in_dim3A_81 = arith.constant 0.000000e+00 : f32
      %broadcast_in_dim3A_82 = vector.broadcast %broadcast_in_dim3A_81 : f32 to vector<16xf32>
      %swap3A_83 = arith.index_cast %scan3A_76 : i32 to index
      %swap3A_84 = arith.constant 16 : index
      %swap3A_85 = tpu.vector_load %arg13[%swap3A_83, %swap3A_84] {strides = array<i32>} : memref<125x80xf32, #tpu.memory_space<vmem>>, vector<16xf32>,
      tpu.vector_store %arg13[%swap3A_83, %swap3A_84], %broadcast_in_dim3A_82 {strides = array<i32>} : memref<125x80xf32, #tpu.memory_space<vmem>>, vector<16xf32>,
      %broadcast_in_dim3A_86 = arith.constant 0.000000e+00 : f32
      %broadcast_in_dim3A_87 = vector.broadcast %broadcast_in_dim3A_86 : f32 to vector<16xf32>
      %swap3A_88 = arith.index_cast %scan3A_76 : i32 to index
      %swap3A_89 = arith.constant 32 : index
      %swap3A_90 = tpu.vector_load %arg13[%swap3A_88, %swap3A_89] {strides = array<i32>} : memref<125x80xf32, #tpu.memory_space<vmem>>, vector<16xf32>,
      tpu.vector_store %arg13[%swap3A_88, %swap3A_89], %broadcast_in_dim3A_87 {strides = array<i32>} : memref<125x80xf32, #tpu.memory_space<vmem>>, vector<16xf32>,
      %broadcast_in_dim3A_91 = arith.constant 0.000000e+00 : f32
      %broadcast_in_dim3A_92 = vector.broadcast %broadcast_in_dim3A_91 : f32 to vector<16xf32>
      %swap3A_93 = arith.index_cast %scan3A_76 : i32 to index
      %swap3A_94 = arith.constant 48 : index
      %swap3A_95 = tpu.vector_load %arg13[%swap3A_93, %swap3A_94] {strides = array<i32>} : memref<125x80xf32, #tpu.memory_space<vmem>>, vector<16xf32>,
      tpu.vector_store %arg13[%swap3A_93, %swap3A_94], %broadcast_in_dim3A_92 {strides = array<i32>} : memref<125x80xf32, #tpu.memory_space<vmem>>, vector<16xf32>,
      %broadcast_in_dim3A_96 = arith.constant 0.000000e+00 : f32
      %broadcast_in_dim3A_97 = vector.broadcast %broadcast_in_dim3A_96 : f32 to vector<16xf32>
      %swap3A_98 = arith.index_cast %scan3A_76 : i32 to index
      %swap3A_99 = arith.constant 64 : index
      %swap3A_100 = tpu.vector_load %arg13[%swap3A_98, %swap3A_99] {strides = array<i32>} : memref<125x80xf32, #tpu.memory_space<vmem>>, vector<16xf32>,
      tpu.vector_store %arg13[%swap3A_98, %swap3A_99], %broadcast_in_dim3A_97 {strides = array<i32>} : memref<125x80xf32, #tpu.memory_space<vmem>>, vector<16xf32>,
    }
    %scan3A_33 = arith.constant 125 : i32
    %add3A_34 = arith.constant 0 : i32
    %add3A_35 = arith.addi %mul3A_29, %add3A_34 : i32
    "tpu.region"() ({
      %run_scoped3A = tpu.sem_alloc : memref<!tpu.dma_semaphore, #tpu.memory_space<semaphore_mem>>
      %dma_start3A_76 = arith.constant 0 : i32
      %dma_start3A_77 = tpu.memref_slice %arg16[%add3A_35, %dma_start3A_76] : memref<10000x80xf32, #tpu.memory_space<vmem_shared>> -> memref<125x80xf32, #tpu.memory_space<vmem_shared>>
      %dma_start3A_78 = arith.constant 0 : i32
      %dma_start3A_79 = tpu.memref_slice %arg16[%add3A_35, %dma_start3A_78] : memref<10000x80xf32, #tpu.memory_space<vmem_shared>> -> memref<125x80xf32, #tpu.memory_space<vmem_shared>>
      tpu.enqueue_dma source(%arg13 : memref<125x80xf32, #tpu.memory_space<vmem>>) target(%dma_start3A_79 : memref<125x80xf32, #tpu.memory_space<vmem_shared>>) target_semaphore(%run_scoped3A : memref<!tpu.dma_semaphore, #tpu.memory_space<semaphore_mem>>)
      %dma_wait3A_80 = arith.constant 0 : i32
      %dma_wait3A_81 = tpu.memref_slice %arg16[%add3A_35, %dma_wait3A_80] : memref<10000x80xf32, #tpu.memory_space<vmem_shared>> -> memref<125x80xf32, #tpu.memory_space<vmem_shared>>
      %dma_wait3A_82 = arith.constant 0 : i32
      %dma_wait3A_83 = tpu.memref_slice %arg16[%add3A_35, %dma_wait3A_82] : memref<10000x80xf32, #tpu.memory_space<vmem_shared>> -> memref<125x80xf32, #tpu.memory_space<vmem_shared>>
      tpu.wait_dma2 semaphore(%run_scoped3A : memref<!tpu.dma_semaphore, #tpu.memory_space<semaphore_mem>>) src(%arg13 : memref<125x80xf32, #tpu.memory_space<vmem>>) dst(%dma_wait3A_83 : memref<125x80xf32, #tpu.memory_space<vmem_shared>>)
      tpu.yield
    }) : () -> ()
    %add3A_36 = arith.constant 125 : i32
    %add3A_37 = arith.addi %mul3A_29, %add3A_36 : i32
    "tpu.region"() ({
      %run_scoped3A = tpu.sem_alloc : memref<!tpu.dma_semaphore, #tpu.memory_space<semaphore_mem>>
      %dma_start3A_76 = arith.constant 0 : i32
      %dma_start3A_77 = tpu.memref_slice %arg16[%add3A_37, %dma_start3A_76] : memref<10000x80xf32, #tpu.memory_space<vmem_shared>> -> memref<125x80xf32, #tpu.memory_space<vmem_shared>>
      %dma_start3A_78 = arith.constant 0 : i32
      %dma_start3A_79 = tpu.memref_slice %arg16[%add3A_37, %dma_start3A_78] : memref<10000x80xf32, #tpu.memory_space<vmem_shared>> -> memref<125x80xf32, #tpu.memory_space<vmem_shared>>
      tpu.enqueue_dma source(%arg13 : memref<125x80xf32, #tpu.memory_space<vmem>>) target(%dma_start3A_79 : memref<125x80xf32, #tpu.memory_space<vmem_shared>>) target_semaphore(%run_scoped3A : memref<!tpu.dma_semaphore, #tpu.memory_space<semaphore_mem>>)
      %dma_wait3A_80 = arith.constant 0 : i32
      %dma_wait3A_81 = tpu.memref_slice %arg16[%add3A_37, %dma_wait3A_80] : memref<10000x80xf32, #tpu.memory_space<vmem_shared>> -> memref<125x80xf32, #tpu.memory_space<vmem_shared>>
      %dma_wait3A_82 = arith.constant 0 : i32
      %dma_wait3A_83 = tpu.memref_slice %arg16[%add3A_37, %dma_wait3A_82] : memref<10000x80xf32, #tpu.memory_space<vmem_shared>> -> memref<125x80xf32, #tpu.memory_space<vmem_shared>>
      tpu.wait_dma2 semaphore(%run_scoped3A : memref<!tpu.dma_semaphore, #tpu.memory_space<semaphore_mem>>) src(%arg13 : memref<125x80xf32, #tpu.memory_space<vmem>>) dst(%dma_wait3A_83 : memref<125x80xf32, #tpu.memory_space<vmem_shared>>)
      tpu.yield
    }) : () -> ()
    %add3A_38 = arith.constant 250 : i32
    %add3A_39 = arith.addi %mul3A_29, %add3A_38 : i32
    "tpu.region"() ({
      %run_scoped3A = tpu.sem_alloc : memref<!tpu.dma_semaphore, #tpu.memory_space<semaphore_mem>>
      %dma_start3A_76 = arith.constant 0 : i32
      %dma_start3A_77 = tpu.memref_slice %arg16[%add3A_39, %dma_start3A_76] : memref<10000x80xf32, #tpu.memory_space<vmem_shared>> -> memref<125x80xf32, #tpu.memory_space<vmem_shared>>
      %dma_start3A_78 = arith.constant 0 : i32
      %dma_start3A_79 = tpu.memref_slice %arg16[%add3A_39, %dma_start3A_78] : memref<10000x80xf32, #tpu.memory_space<vmem_shared>> -> memref<125x80xf32, #tpu.memory_space<vmem_shared>>
      tpu.enqueue_dma source(%arg13 : memref<125x80xf32, #tpu.memory_space<vmem>>) target(%dma_start3A_79 : memref<125x80xf32, #tpu.memory_space<vmem_shared>>) target_semaphore(%run_scoped3A : memref<!tpu.dma_semaphore, #tpu.memory_space<semaphore_mem>>)
      %dma_wait3A_80 = arith.constant 0 : i32
      %dma_wait3A_81 = tpu.memref_slice %arg16[%add3A_39, %dma_wait3A_80] : memref<10000x80xf32, #tpu.memory_space<vmem_shared>> -> memref<125x80xf32, #tpu.memory_space<vmem_shared>>
      %dma_wait3A_82 = arith.constant 0 : i32
      %dma_wait3A_83 = tpu.memref_slice %arg16[%add3A_39, %dma_wait3A_82] : memref<10000x80xf32, #tpu.memory_space<vmem_shared>> -> memref<125x80xf32, #tpu.memory_space<vmem_shared>>
      tpu.wait_dma2 semaphore(%run_scoped3A : memref<!tpu.dma_semaphore, #tpu.memory_space<semaphore_mem>>) src(%arg13 : memref<125x80xf32, #tpu.memory_space<vmem>>) dst(%dma_wait3A_83 : memref<125x80xf32, #tpu.memory_space<vmem_shared>>)
      tpu.yield
    }) : () -> ()
    %add3A_40 = arith.constant 375 : i32
    %add3A_41 = arith.addi %mul3A_29, %add3A_40 : i32
    "tpu.region"() ({
      %run_scoped3A = tpu.sem_alloc : memref<!tpu.dma_semaphore, #tpu.memory_space<semaphore_mem>>
      %dma_start3A_76 = arith.constant 0 : i32
      %dma_start3A_77 = tpu.memref_slice %arg16[%add3A_41, %dma_start3A_76] : memref<10000x80xf32, #tpu.memory_space<vmem_shared>> -> memref<125x80xf32, #tpu.memory_space<vmem_shared>>
      %dma_start3A_78 = arith.constant 0 : i32
      %dma_start3A_79 = tpu.memref_slice %arg16[%add3A_41, %dma_start3A_78] : memref<10000x80xf32, #tpu.memory_space<vmem_shared>> -> memref<125x80xf32, #tpu.memory_space<vmem_shared>>
      tpu.enqueue_dma source(%arg13 : memref<125x80xf32, #tpu.memory_space<vmem>>) target(%dma_start3A_79 : memref<125x80xf32, #tpu.memory_space<vmem_shared>>) target_semaphore(%run_scoped3A : memref<!tpu.dma_semaphore, #tpu.memory_space<semaphore_mem>>)
      %dma_wait3A_80 = arith.constant 0 : i32
      %dma_wait3A_81 = tpu.memref_slice %arg16[%add3A_41, %dma_wait3A_80] : memref<10000x80xf32, #tpu.memory_space<vmem_shared>> -> memref<125x80xf32, #tpu.memory_space<vmem_shared>>
      %dma_wait3A_82 = arith.constant 0 : i32
      %dma_wait3A_83 = tpu.memref_slice %arg16[%add3A_41, %dma_wait3A_82] : memref<10000x80xf32, #tpu.memory_space<vmem_shared>> -> memref<125x80xf32, #tpu.memory_space<vmem_shared>>
      tpu.wait_dma2 semaphore(%run_scoped3A : memref<!tpu.dma_semaphore, #tpu.memory_space<semaphore_mem>>) src(%arg13 : memref<125x80xf32, #tpu.memory_space<vmem>>) dst(%dma_wait3A_83 : memref<125x80xf32, #tpu.memory_space<vmem_shared>>)
      tpu.yield
    }) : () -> ()
    %add3A_42 = arith.constant 500 : i32
    %add3A_43 = arith.addi %mul3A_29, %add3A_42 : i32
    "tpu.region"() ({
      %run_scoped3A = tpu.sem_alloc : memref<!tpu.dma_semaphore, #tpu.memory_space<semaphore_mem>>
      %dma_start3A_76 = arith.constant 0 : i32
      %dma_start3A_77 = tpu.memref_slice %arg16[%add3A_43, %dma_start3A_76] : memref<10000x80xf32, #tpu.memory_space<vmem_shared>> -> memref<125x80xf32, #tpu.memory_space<vmem_shared>>
      %dma_start3A_78 = arith.constant 0 : i32
      %dma_start3A_79 = tpu.memref_slice %arg16[%add3A_43, %dma_start3A_78] : memref<10000x80xf32, #tpu.memory_space<vmem_shared>> -> memref<125x80xf32, #tpu.memory_space<vmem_shared>>
      tpu.enqueue_dma source(%arg13 : memref<125x80xf32, #tpu.memory_space<vmem>>) target(%dma_start3A_79 : memref<125x80xf32, #tpu.memory_space<vmem_shared>>) target_semaphore(%run_scoped3A : memref<!tpu.dma_semaphore, #tpu.memory_space<semaphore_mem>>)
      %dma_wait3A_80 = arith.constant 0 : i32
      %dma_wait3A_81 = tpu.memref_slice %arg16[%add3A_43, %dma_wait3A_80] : memref<10000x80xf32, #tpu.memory_space<vmem_shared>> -> memref<125x80xf32, #tpu.memory_space<vmem_shared>>
      %dma_wait3A_82 = arith.constant 0 : i32
      %dma_wait3A_83 = tpu.memref_slice %arg16[%add3A_43, %dma_wait3A_82] : memref<10000x80xf32, #tpu.memory_space<vmem_shared>> -> memref<125x80xf32, #tpu.memory_space<vmem_shared>>
      tpu.wait_dma2 semaphore(%run_scoped3A : memref<!tpu.dma_semaphore, #tpu.memory_space<semaphore_mem>>) src(%arg13 : memref<125x80xf32, #tpu.memory_space<vmem>>) dst(%dma_wait3A_83 : memref<125x80xf32, #tpu.memory_space<vmem_shared>>)
      tpu.yield
    }) : () -> ()
    %barrier3A = arith.constant 0 : index
    tpu.barrier barrier_id(%barrier3A)
    "tpu.region"() ({
      %run_scoped3A = tpu.sem_alloc : memref<!tpu.dma_semaphore, #tpu.memory_space<semaphore_mem>>
      %dma_start3A_76 = arith.constant 0 : i32
      %dma_start3A_77 = arith.constant 0 : i32
      %dma_start3A_78 = tpu.memref_slice %arg2[%add3A_27, %dma_start3A_76, %dma_start3A_77] : memref<32x80x125xi32, #tpu.memory_space<hbm>> -> memref<1x80x125xi32, #tpu.memory_space<hbm>>
      %dma_start3A_79 = tpu.memref_squeeze %dma_start3A_78 : memref<1x80x125xi32, #tpu.memory_space<hbm>> -> memref<80x125xi32, #tpu.memory_space<hbm>>
      %dma_start3A_80 = arith.constant 0 : i32
      %dma_start3A_81 = arith.constant 0 : i32
      %dma_start3A_82 = tpu.memref_slice %arg2[%add3A_27, %dma_start3A_80, %dma_start3A_81] : memref<32x80x125xi32, #tpu.memory_space<hbm>> -> memref<1x80x125xi32, #tpu.memory_space<hbm>>
      %dma_start3A_83 = tpu.memref_squeeze %dma_start3A_82 : memref<1x80x125xi32, #tpu.memory_space<hbm>> -> memref<80x125xi32, #tpu.memory_space<hbm>>
      tpu.enqueue_dma source(%dma_start3A_83 : memref<80x125xi32, #tpu.memory_space<hbm>>) target(%arg7 : memref<80x125xi32, #tpu.memory_space<vmem>>) target_semaphore(%run_scoped3A : memref<!tpu.dma_semaphore, #tpu.memory_space<semaphore_mem>>)
      %dma_wait3A_84 = arith.constant 0 : i32
      %dma_wait3A_85 = arith.constant 0 : i32
      %dma_wait3A_86 = tpu.memref_slice %arg2[%add3A_27, %dma_wait3A_84, %dma_wait3A_85] : memref<32x80x125xi32, #tpu.memory_space<hbm>> -> memref<1x80x125xi32, #tpu.memory_space<hbm>>
      %dma_wait3A_87 = tpu.memref_squeeze %dma_wait3A_86 : memref<1x80x125xi32, #tpu.memory_space<hbm>> -> memref<80x125xi32, #tpu.memory_space<hbm>>
      %dma_wait3A_88 = arith.constant 0 : i32
      %dma_wait3A_89 = arith.constant 0 : i32
      %dma_wait3A_90 = tpu.memref_slice %arg2[%add3A_27, %dma_wait3A_88, %dma_wait3A_89] : memref<32x80x125xi32, #tpu.memory_space<hbm>> -> memref<1x80x125xi32, #tpu.memory_space<hbm>>
      %dma_wait3A_91 = tpu.memref_squeeze %dma_wait3A_90 : memref<1x80x125xi32, #tpu.memory_space<hbm>> -> memref<80x125xi32, #tpu.memory_space<hbm>>
      tpu.wait_dma2 semaphore(%run_scoped3A : memref<!tpu.dma_semaphore, #tpu.memory_space<semaphore_mem>>) src(%dma_wait3A_91 : memref<80x125xi32, #tpu.memory_space<hbm>>) dst(%arg7 : memref<80x125xi32, #tpu.memory_space<vmem>>)
      tpu.yield
    }) : () -> ()
    "tpu.region"() ({
      %run_scoped3A = tpu.sem_alloc : memref<!tpu.dma_semaphore, #tpu.memory_space<semaphore_mem>>
      %dma_start3A_76 = arith.constant 0 : i32
      %dma_start3A_77 = arith.constant 0 : i32
      %dma_start3A_78 = tpu.memref_slice %arg3[%add3A_27, %dma_start3A_76, %dma_start3A_77] : memref<32x80x125xi32, #tpu.memory_space<hbm>> -> memref<1x80x125xi32, #tpu.memory_space<hbm>>
      %dma_start3A_79 = tpu.memref_squeeze %dma_start3A_78 : memref<1x80x125xi32, #tpu.memory_space<hbm>> -> memref<80x125xi32, #tpu.memory_space<hbm>>
      %dma_start3A_80 = arith.constant 0 : i32
      %dma_start3A_81 = arith.constant 0 : i32
      %dma_start3A_82 = tpu.memref_slice %arg3[%add3A_27, %dma_start3A_80, %dma_start3A_81] : memref<32x80x125xi32, #tpu.memory_space<hbm>> -> memref<1x80x125xi32, #tpu.memory_space<hbm>>
      %dma_start3A_83 = tpu.memref_squeeze %dma_start3A_82 : memref<1x80x125xi32, #tpu.memory_space<hbm>> -> memref<80x125xi32, #tpu.memory_space<hbm>>
      tpu.enqueue_dma source(%dma_start3A_83 : memref<80x125xi32, #tpu.memory_space<hbm>>) target(%arg8 : memref<80x125xi32, #tpu.memory_space<vmem>>) target_semaphore(%run_scoped3A : memref<!tpu.dma_semaphore, #tpu.memory_space<semaphore_mem>>)
      %dma_wait3A_84 = arith.constant 0 : i32
      %dma_wait3A_85 = arith.constant 0 : i32
      %dma_wait3A_86 = tpu.memref_slice %arg3[%add3A_27, %dma_wait3A_84, %dma_wait3A_85] : memref<32x80x125xi32, #tpu.memory_space<hbm>> -> memref<1x80x125xi32, #tpu.memory_space<hbm>>
      %dma_wait3A_87 = tpu.memref_squeeze %dma_wait3A_86 : memref<1x80x125xi32, #tpu.memory_space<hbm>> -> memref<80x125xi32, #tpu.memory_space<hbm>>
      %dma_wait3A_88 = arith.constant 0 : i32
      %dma_wait3A_89 = arith.constant 0 : i32
      %dma_wait3A_90 = tpu.memref_slice %arg3[%add3A_27, %dma_wait3A_88, %dma_wait3A_89] : memref<32x80x125xi32, #tpu.memory_space<hbm>> -> memref<1x80x125xi32, #tpu.memory_space<hbm>>
      %dma_wait3A_91 = tpu.memref_squeeze %dma_wait3A_90 : memref<1x80x125xi32, #tpu.memory_space<hbm>> -> memref<80x125xi32, #tpu.memory_space<hbm>>
      tpu.wait_dma2 semaphore(%run_scoped3A : memref<!tpu.dma_semaphore, #tpu.memory_space<semaphore_mem>>) src(%dma_wait3A_91 : memref<80x125xi32, #tpu.memory_space<hbm>>) dst(%arg8 : memref<80x125xi32, #tpu.memory_space<vmem>>)
      tpu.yield
    }) : () -> ()
    %dma_start3A = arith.constant 0 : i32
    %dma_start3A_44 = arith.constant 0 : i32
    %dma_start3A_45 = tpu.memref_slice %arg7[%dma_start3A, %dma_start3A_44] : memref<80x125xi32, #tpu.memory_space<vmem>> -> memref<1x125xi32, #tpu.memory_space<vmem>>
    %dma_start3A_46 = tpu.memref_squeeze %dma_start3A_45 : memref<1x125xi32, #tpu.memory_space<vmem>> -> memref<125xi32, #tpu.memory_space<vmem>>
    %dma_start3A_47 = arith.constant 0 : i32
    %dma_start3A_48 = arith.constant 0 : i32
    %dma_start3A_49 = tpu.memref_slice %arg4[%dma_start3A_47, %dma_start3A_48] : memref<10000x80xf32, #tpu.memory_space<hbm>> -> memref<10000x80xf32, #tpu.memory_space<hbm>>
    tpu.enqueue_indirect_dma source(%dma_start3A_49 : memref<10000x80xf32, #tpu.memory_space<hbm>>) target(%arg9 : memref<125x80xf32, #tpu.memory_space<vmem>>) offsets(%dma_start3A_46 : memref<125xi32, #tpu.memory_space<vmem>>) semaphore(%arg18 : memref<!tpu.dma_semaphore, #tpu.memory_space<semaphore_mem>>)
    %dma_start3A_50 = arith.constant 0 : i32
    %dma_start3A_51 = arith.constant 0 : i32
    %dma_start3A_52 = tpu.memref_slice %arg8[%dma_start3A_50, %dma_start3A_51] : memref<80x125xi32, #tpu.memory_space<vmem>> -> memref<1x125xi32, #tpu.memory_space<vmem>>
    %dma_start3A_53 = tpu.memref_squeeze %dma_start3A_52 : memref<1x125xi32, #tpu.memory_space<vmem>> -> memref<125xi32, #tpu.memory_space<vmem>>
    %dma_start3A_54 = arith.constant 0 : i32
    %dma_start3A_55 = arith.constant 0 : i32
    %dma_start3A_56 = tpu.memref_slice %arg17[%dma_start3A_54, %dma_start3A_55] : memref<10000x16xf32, #tpu.memory_space<vmem_shared>> -> memref<10000x16xf32, #tpu.memory_space<vmem_shared>>
    tpu.enqueue_indirect_dma source(%dma_start3A_56 : memref<10000x16xf32, #tpu.memory_space<vmem_shared>>) target(%arg11 : memref<125x16xf32, #tpu.memory_space<vmem>>) offsets(%dma_start3A_53 : memref<125xi32, #tpu.memory_space<vmem>>) semaphore(%arg20 : memref<!tpu.dma_semaphore, #tpu.memory_space<semaphore_mem>>)
    %scan3A_57 = arith.constant 0 : i32
    %scan3A_58 = arith.constant 40 : i32
    %scan3A_59 = arith.addi %scan3A_57, %scan3A_58 : i32
    %scan3A_60 = arith.constant 1 : i32
    scf.for %scan3A_76 = %scan3A_57 to %scan3A_59 step %scan3A_60  : i32 {
      %mul3A_77 = arith.constant 2 : i32
      %mul3A_78 = arith.muli %mul3A_77, %scan3A_76 : i32
      %add3A_79 = arith.constant 0 : i32
      %add3A_80 = arith.addi %mul3A_78, %add3A_79 : i32
      %add3A_81 = arith.constant 1 : i32
      %add3A_82 = arith.addi %add3A_80, %add3A_81 : i32
      %dma_start3A_83 = arith.constant 0 : i32
      %dma_start3A_84 = tpu.memref_slice %arg7[%add3A_82, %dma_start3A_83] : memref<80x125xi32, #tpu.memory_space<vmem>> -> memref<1x125xi32, #tpu.memory_space<vmem>>
      %dma_start3A_85 = tpu.memref_squeeze %dma_start3A_84 : memref<1x125xi32, #tpu.memory_space<vmem>> -> memref<125xi32, #tpu.memory_space<vmem>>
      %dma_start3A_86 = arith.constant 0 : i32
      %dma_start3A_87 = arith.constant 0 : i32
      %dma_start3A_88 = tpu.memref_slice %arg4[%dma_start3A_86, %dma_start3A_87] : memref<10000x80xf32, #tpu.memory_space<hbm>> -> memref<10000x80xf32, #tpu.memory_space<hbm>>
      tpu.enqueue_indirect_dma source(%dma_start3A_88 : memref<10000x80xf32, #tpu.memory_space<hbm>>) target(%arg10 : memref<125x80xf32, #tpu.memory_space<vmem>>) offsets(%dma_start3A_85 : memref<125xi32, #tpu.memory_space<vmem>>) semaphore(%arg19 : memref<!tpu.dma_semaphore, #tpu.memory_space<semaphore_mem>>)
      %add3A_89 = arith.constant 1 : i32
      %add3A_90 = arith.addi %add3A_80, %add3A_89 : i32
      %dma_start3A_91 = arith.constant 0 : i32
      %dma_start3A_92 = tpu.memref_slice %arg8[%add3A_90, %dma_start3A_91] : memref<80x125xi32, #tpu.memory_space<vmem>> -> memref<1x125xi32, #tpu.memory_space<vmem>>
      %dma_start3A_93 = tpu.memref_squeeze %dma_start3A_92 : memref<1x125xi32, #tpu.memory_space<vmem>> -> memref<125xi32, #tpu.memory_space<vmem>>
      %dma_start3A_94 = arith.constant 0 : i32
      %dma_start3A_95 = arith.constant 0 : i32
      %dma_start3A_96 = tpu.memref_slice %arg17[%dma_start3A_94, %dma_start3A_95] : memref<10000x16xf32, #tpu.memory_space<vmem_shared>> -> memref<10000x16xf32, #tpu.memory_space<vmem_shared>>
      tpu.enqueue_indirect_dma source(%dma_start3A_96 : memref<10000x16xf32, #tpu.memory_space<vmem_shared>>) target(%arg12 : memref<125x16xf32, #tpu.memory_space<vmem>>) offsets(%dma_start3A_93 : memref<125xi32, #tpu.memory_space<vmem>>) semaphore(%arg21 : memref<!tpu.dma_semaphore, #tpu.memory_space<semaphore_mem>>)
      %dma_wait3A_97 = arith.constant 0 : i32
      %dma_wait3A_98 = tpu.memref_slice %arg7[%add3A_80, %dma_wait3A_97] : memref<80x125xi32, #tpu.memory_space<vmem>> -> memref<1x125xi32, #tpu.memory_space<vmem>>
      %dma_wait3A_99 = tpu.memref_squeeze %dma_wait3A_98 : memref<1x125xi32, #tpu.memory_space<vmem>> -> memref<125xi32, #tpu.memory_space<vmem>>
      %dma_wait3A_100 = arith.constant 0 : i32
      %dma_wait3A_101 = arith.constant 0 : i32
      %dma_wait3A_102 = tpu.memref_slice %arg4[%dma_wait3A_100, %dma_wait3A_101] : memref<10000x80xf32, #tpu.memory_space<hbm>> -> memref<10000x80xf32, #tpu.memory_space<hbm>>
      tpu.wait_indirect_dma semaphore(%arg18 : memref<!tpu.dma_semaphore, #tpu.memory_space<semaphore_mem>>) src(%dma_wait3A_102 : memref<10000x80xf32, #tpu.memory_space<hbm>>) dst(%arg9 : memref<125x80xf32, #tpu.memory_space<vmem>>)
      %dma_wait3A_103 = arith.constant 0 : i32
      %dma_wait3A_104 = tpu.memref_slice %arg8[%add3A_80, %dma_wait3A_103] : memref<80x125xi32, #tpu.memory_space<vmem>> -> memref<1x125xi32, #tpu.memory_space<vmem>>
      %dma_wait3A_105 = tpu.memref_squeeze %dma_wait3A_104 : memref<1x125xi32, #tpu.memory_space<vmem>> -> memref<125xi32, #tpu.memory_space<vmem>>
      %dma_wait3A_106 = arith.constant 0 : i32
      %dma_wait3A_107 = arith.constant 0 : i32
      %dma_wait3A_108 = tpu.memref_slice %arg17[%dma_wait3A_106, %dma_wait3A_107] : memref<10000x16xf32, #tpu.memory_space<vmem_shared>> -> memref<10000x16xf32, #tpu.memory_space<vmem_shared>>
      tpu.wait_indirect_dma semaphore(%arg20 : memref<!tpu.dma_semaphore, #tpu.memory_space<semaphore_mem>>) src(%dma_wait3A_108 : memref<10000x16xf32, #tpu.memory_space<vmem_shared>>) dst(%arg11 : memref<125x16xf32, #tpu.memory_space<vmem>>)
      %gt3A = arith.constant 0 : i32
      %gt3A_109 = arith.cmpi sgt, %mul3A_78, %gt3A : i32
      %convert_element_type3A = arith.extui %gt3A_109 : i1 to i32
      %cond3A = arith.constant 0 : i32
      %cond3A_110 = arith.cmpi ne, %convert_element_type3A, %cond3A : i32
      scf.if %cond3A_110 {
        %dma_wait3A_154 = arith.constant 0 : i32
        %dma_wait3A_155 = tpu.memref_slice %arg8[%add3A_80, %dma_wait3A_154] : memref<80x125xi32, #tpu.memory_space<vmem>> -> memref<1x125xi32, #tpu.memory_space<vmem>>
        %dma_wait3A_156 = tpu.memref_squeeze %dma_wait3A_155 : memref<1x125xi32, #tpu.memory_space<vmem>> -> memref<125xi32, #tpu.memory_space<vmem>>
        %dma_wait3A_157 = arith.constant 0 : i32
        %dma_wait3A_158 = arith.constant 0 : i32
        %dma_wait3A_159 = tpu.memref_slice %arg16[%dma_wait3A_157, %dma_wait3A_158] : memref<10000x80xf32, #tpu.memory_space<vmem_shared>> -> memref<10000x80xf32, #tpu.memory_space<vmem_shared>>
        tpu.wait_indirect_dma semaphore(%arg22 : memref<!tpu.dma_semaphore, #tpu.memory_space<semaphore_mem>>) src(%arg13 : memref<125x80xf32, #tpu.memory_space<vmem>>) dst(%dma_wait3A_159 : memref<10000x80xf32, #tpu.memory_space<vmem_shared>>)
      } else {
      }
      %parallel_loop3A = arith.constant 0 : i32
      %parallel_loop3A_111 = arith.constant 125 : i32
      %parallel_loop3A_112 = arith.constant 1 : i32
      scf.for %parallel_loop3A_154 = %parallel_loop3A to %parallel_loop3A_111 step %parallel_loop3A_112  : i32 {
        %parallel_loop3A_155 = arith.index_cast %parallel_loop3A_154 : i32 to index
        %parallel_loop3A_156 = arith.constant 64 : index
        %parallel_loop3A_157 = tpu.vector_load %arg9[%parallel_loop3A_155, %parallel_loop3A_156] {strides = array<i32>} : memref<125x80xf32, #tpu.memory_space<vmem>>, vector<16xf32>,
        %parallel_loop3A_158 = arith.index_cast %parallel_loop3A_154 : i32 to index
        %parallel_loop3A_159 = arith.constant 0 : index
        %parallel_loop3A_160 = tpu.vector_load %arg11[%parallel_loop3A_158, %parallel_loop3A_159] {strides = array<i32>} : memref<125x16xf32, #tpu.memory_space<vmem>>, vector<16xf32>,
        %parallel_loop3A_161 = arith.addf %parallel_loop3A_157, %parallel_loop3A_160 : vector<16xf32>
        %parallel_loop3A_162 = arith.constant 2.000000e-01 : f32
        %parallel_loop3A_163 = vector.broadcast %parallel_loop3A_162 : f32 to vector<16xf32>
        %parallel_loop3A_164 = arith.mulf %parallel_loop3A_163, %parallel_loop3A_161 : vector<16xf32>
        %parallel_loop3A_165 = arith.maximumf %parallel_loop3A_161, %parallel_loop3A_164 : vector<16xf32>
        %parallel_loop3A_166 = math.exp %parallel_loop3A_165 : vector<16xf32>
        %parallel_loop3A_167 = arith.mulf %parallel_loop3A_166, %select_n3A : vector<16xf32>
        %parallel_loop3A_168 = arith.index_cast %parallel_loop3A_154 : i32 to index
        %parallel_loop3A_169 = arith.constant 64 : index
        %parallel_loop3A_170 = tpu.vector_load %arg13[%parallel_loop3A_168, %parallel_loop3A_169] {strides = array<i32>} : memref<125x80xf32, #tpu.memory_space<vmem>>, vector<16xf32>,
        tpu.vector_store %arg13[%parallel_loop3A_168, %parallel_loop3A_169], %parallel_loop3A_167 {strides = array<i32>} : memref<125x80xf32, #tpu.memory_space<vmem>>, vector<16xf32>,
        %parallel_loop3A_171 = arith.constant 0 : i32
        %parallel_loop3A_172 = vector.broadcast %parallel_loop3A_171 : i32 to vector<16xi32>
        %parallel_loop3A_173 = arith.cmpi slt, %shift_right_arithmetic3A_7, %parallel_loop3A_172 : vector<16xi32>
        %parallel_loop3A_174 = arith.constant 16 : i32
        %parallel_loop3A_175 = vector.broadcast %parallel_loop3A_174 : i32 to vector<16xi32>
        %parallel_loop3A_176 = arith.addi %shift_right_arithmetic3A_7, %parallel_loop3A_175 : vector<16xi32>
        %parallel_loop3A_177 = arith.select %parallel_loop3A_173, %parallel_loop3A_176, %shift_right_arithmetic3A_7 : vector<16xi1>, vector<16xi32>
        %parallel_loop3A_178 = vector.shape_cast %parallel_loop3A_177 : vector<16xi32> to vector<16x1xi32>
        %parallel_loop3A_179 = vector.shape_cast %parallel_loop3A_178 : vector<16x1xi32> to vector<16xi32>
        %parallel_loop3A_180 = tpu.dynamic_gather %parallel_loop3A_166[%parallel_loop3A_179] in [0] : vector<16xf32>, vector<16xi32> -> vector<16xf32>
        %parallel_loop3A_181 = arith.index_cast %parallel_loop3A_154 : i32 to index
        %parallel_loop3A_182 = arith.constant 0 : index
        %parallel_loop3A_183 = tpu.vector_load %arg9[%parallel_loop3A_181, %parallel_loop3A_182] {strides = array<i32>} : memref<125x80xf32, #tpu.memory_space<vmem>>, vector<16xf32>,
        %parallel_loop3A_184 = arith.mulf %parallel_loop3A_183, %parallel_loop3A_180 : vector<16xf32>
        %parallel_loop3A_185 = arith.index_cast %parallel_loop3A_154 : i32 to index
        %parallel_loop3A_186 = arith.constant 0 : index
        %parallel_loop3A_187 = tpu.vector_load %arg13[%parallel_loop3A_185, %parallel_loop3A_186] {strides = array<i32>} : memref<125x80xf32, #tpu.memory_space<vmem>>, vector<16xf32>,
        tpu.vector_store %arg13[%parallel_loop3A_185, %parallel_loop3A_186], %parallel_loop3A_184 {strides = array<i32>} : memref<125x80xf32, #tpu.memory_space<vmem>>, vector<16xf32>,
        %parallel_loop3A_188 = arith.constant 0 : i32
        %parallel_loop3A_189 = vector.broadcast %parallel_loop3A_188 : i32 to vector<16xi32>
        %parallel_loop3A_190 = arith.cmpi slt, %shift_right_arithmetic3A_13, %parallel_loop3A_189 : vector<16xi32>
        %parallel_loop3A_191 = arith.constant 16 : i32
        %parallel_loop3A_192 = vector.broadcast %parallel_loop3A_191 : i32 to vector<16xi32>
        %parallel_loop3A_193 = arith.addi %shift_right_arithmetic3A_13, %parallel_loop3A_192 : vector<16xi32>
        %parallel_loop3A_194 = arith.select %parallel_loop3A_190, %parallel_loop3A_193, %shift_right_arithmetic3A_13 : vector<16xi1>, vector<16xi32>
        %parallel_loop3A_195 = vector.shape_cast %parallel_loop3A_194 : vector<16xi32> to vector<16x1xi32>
        %parallel_loop3A_196 = vector.shape_cast %parallel_loop3A_195 : vector<16x1xi32> to vector<16xi32>
        %parallel_loop3A_197 = tpu.dynamic_gather %parallel_loop3A_166[%parallel_loop3A_196] in [0] : vector<16xf32>, vector<16xi32> -> vector<16xf32>
        %parallel_loop3A_198 = arith.index_cast %parallel_loop3A_154 : i32 to index
        %parallel_loop3A_199 = arith.constant 16 : index
        %parallel_loop3A_200 = tpu.vector_load %arg9[%parallel_loop3A_198, %parallel_loop3A_199] {strides = array<i32>} : memref<125x80xf32, #tpu.memory_space<vmem>>, vector<16xf32>,
        %parallel_loop3A_201 = arith.mulf %parallel_loop3A_200, %parallel_loop3A_197 : vector<16xf32>
        %parallel_loop3A_202 = arith.index_cast %parallel_loop3A_154 : i32 to index
        %parallel_loop3A_203 = arith.constant 16 : index
        %parallel_loop3A_204 = tpu.vector_load %arg13[%parallel_loop3A_202, %parallel_loop3A_203] {strides = array<i32>} : memref<125x80xf32, #tpu.memory_space<vmem>>, vector<16xf32>,
        tpu.vector_store %arg13[%parallel_loop3A_202, %parallel_loop3A_203], %parallel_loop3A_201 {strides = array<i32>} : memref<125x80xf32, #tpu.memory_space<vmem>>, vector<16xf32>,
        %parallel_loop3A_205 = arith.constant 0 : i32
        %parallel_loop3A_206 = vector.broadcast %parallel_loop3A_205 : i32 to vector<16xi32>
        %parallel_loop3A_207 = arith.cmpi slt, %shift_right_arithmetic3A_19, %parallel_loop3A_206 : vector<16xi32>
        %parallel_loop3A_208 = arith.constant 16 : i32
        %parallel_loop3A_209 = vector.broadcast %parallel_loop3A_208 : i32 to vector<16xi32>
        %parallel_loop3A_210 = arith.addi %shift_right_arithmetic3A_19, %parallel_loop3A_209 : vector<16xi32>
        %parallel_loop3A_211 = arith.select %parallel_loop3A_207, %parallel_loop3A_210, %shift_right_arithmetic3A_19 : vector<16xi1>, vector<16xi32>
        %parallel_loop3A_212 = vector.shape_cast %parallel_loop3A_211 : vector<16xi32> to vector<16x1xi32>
        %parallel_loop3A_213 = vector.shape_cast %parallel_loop3A_212 : vector<16x1xi32> to vector<16xi32>
        %parallel_loop3A_214 = tpu.dynamic_gather %parallel_loop3A_166[%parallel_loop3A_213] in [0] : vector<16xf32>, vector<16xi32> -> vector<16xf32>
        %parallel_loop3A_215 = arith.index_cast %parallel_loop3A_154 : i32 to index
        %parallel_loop3A_216 = arith.constant 32 : index
        %parallel_loop3A_217 = tpu.vector_load %arg9[%parallel_loop3A_215, %parallel_loop3A_216] {strides = array<i32>} : memref<125x80xf32, #tpu.memory_space<vmem>>, vector<16xf32>,
        %parallel_loop3A_218 = arith.mulf %parallel_loop3A_217, %parallel_loop3A_214 : vector<16xf32>
        %parallel_loop3A_219 = arith.index_cast %parallel_loop3A_154 : i32 to index
        %parallel_loop3A_220 = arith.constant 32 : index
        %parallel_loop3A_221 = tpu.vector_load %arg13[%parallel_loop3A_219, %parallel_loop3A_220] {strides = array<i32>} : memref<125x80xf32, #tpu.memory_space<vmem>>, vector<16xf32>,
        tpu.vector_store %arg13[%parallel_loop3A_219, %parallel_loop3A_220], %parallel_loop3A_218 {strides = array<i32>} : memref<125x80xf32, #tpu.memory_space<vmem>>, vector<16xf32>,
        %parallel_loop3A_222 = arith.constant 0 : i32
        %parallel_loop3A_223 = vector.broadcast %parallel_loop3A_222 : i32 to vector<16xi32>
        %parallel_loop3A_224 = arith.cmpi slt, %shift_right_arithmetic3A_25, %parallel_loop3A_223 : vector<16xi32>
        %parallel_loop3A_225 = arith.constant 16 : i32
        %parallel_loop3A_226 = vector.broadcast %parallel_loop3A_225 : i32 to vector<16xi32>
        %parallel_loop3A_227 = arith.addi %shift_right_arithmetic3A_25, %parallel_loop3A_226 : vector<16xi32>
        %parallel_loop3A_228 = arith.select %parallel_loop3A_224, %parallel_loop3A_227, %shift_right_arithmetic3A_25 : vector<16xi1>, vector<16xi32>
        %parallel_loop3A_229 = vector.shape_cast %parallel_loop3A_228 : vector<16xi32> to vector<16x1xi32>
        %parallel_loop3A_230 = vector.shape_cast %parallel_loop3A_229 : vector<16x1xi32> to vector<16xi32>
        %parallel_loop3A_231 = tpu.dynamic_gather %parallel_loop3A_166[%parallel_loop3A_230] in [0] : vector<16xf32>, vector<16xi32> -> vector<16xf32>
        %parallel_loop3A_232 = arith.index_cast %parallel_loop3A_154 : i32 to index
        %parallel_loop3A_233 = arith.constant 48 : index
        %parallel_loop3A_234 = tpu.vector_load %arg9[%parallel_loop3A_232, %parallel_loop3A_233] {strides = array<i32>} : memref<125x80xf32, #tpu.memory_space<vmem>>, vector<16xf32>,
        %parallel_loop3A_235 = arith.mulf %parallel_loop3A_234, %parallel_loop3A_231 : vector<16xf32>
        %parallel_loop3A_236 = arith.index_cast %parallel_loop3A_154 : i32 to index
        %parallel_loop3A_237 = arith.constant 48 : index
        %parallel_loop3A_238 = tpu.vector_load %arg13[%parallel_loop3A_236, %parallel_loop3A_237] {strides = array<i32>} : memref<125x80xf32, #tpu.memory_space<vmem>>, vector<16xf32>,
        tpu.vector_store %arg13[%parallel_loop3A_236, %parallel_loop3A_237], %parallel_loop3A_235 {strides = array<i32>} : memref<125x80xf32, #tpu.memory_space<vmem>>, vector<16xf32>,
      } {sc.loop_unroll_factor = 5 : i64, sc.parallel_access}
      %dma_start3A_113 = arith.constant 0 : i32
      %dma_start3A_114 = tpu.memref_slice %arg8[%add3A_80, %dma_start3A_113] : memref<80x125xi32, #tpu.memory_space<vmem>> -> memref<1x125xi32, #tpu.memory_space<vmem>>
      %dma_start3A_115 = tpu.memref_squeeze %dma_start3A_114 : memref<1x125xi32, #tpu.memory_space<vmem>> -> memref<125xi32, #tpu.memory_space<vmem>>
      %dma_start3A_116 = arith.constant 0 : i32
      %dma_start3A_117 = arith.constant 0 : i32
      %dma_start3A_118 = tpu.memref_slice %arg16[%dma_start3A_116, %dma_start3A_117] : memref<10000x80xf32, #tpu.memory_space<vmem_shared>> -> memref<10000x80xf32, #tpu.memory_space<vmem_shared>>
      tpu.enqueue_indirect_dma source(%arg13 : memref<125x80xf32, #tpu.memory_space<vmem>>) target(%dma_start3A_118 : memref<10000x80xf32, #tpu.memory_space<vmem_shared>>) offsets(%dma_start3A_115 : memref<125xi32, #tpu.memory_space<vmem>>) semaphore(%arg22 : memref<!tpu.dma_semaphore, #tpu.memory_space<semaphore_mem>>) {add = true}
      %add3A_119 = arith.constant 1 : i32
      %add3A_120 = arith.addi %mul3A_78, %add3A_119 : i32
      %add3A_121 = arith.constant 1 : i32
      %add3A_122 = arith.addi %add3A_120, %add3A_121 : i32
      %lt3A_123 = arith.constant 80 : i32
      %lt3A_124 = arith.cmpi slt, %add3A_122, %lt3A_123 : i32
      %convert_element_type3A_125 = arith.extui %lt3A_124 : i1 to i32
      %cond3A_126 = arith.constant 0 : i32
      %cond3A_127 = arith.cmpi ne, %convert_element_type3A_125, %cond3A_126 : i32
      scf.if %cond3A_127 {
        %add3A_154 = arith.constant 1 : i32
        %add3A_155 = arith.addi %add3A_120, %add3A_154 : i32
        %dma_start3A_156 = arith.constant 0 : i32
        %dma_start3A_157 = tpu.memref_slice %arg7[%add3A_155, %dma_start3A_156] : memref<80x125xi32, #tpu.memory_space<vmem>> -> memref<1x125xi32, #tpu.memory_space<vmem>>
        %dma_start3A_158 = tpu.memref_squeeze %dma_start3A_157 : memref<1x125xi32, #tpu.memory_space<vmem>> -> memref<125xi32, #tpu.memory_space<vmem>>
        %dma_start3A_159 = arith.constant 0 : i32
        %dma_start3A_160 = arith.constant 0 : i32
        %dma_start3A_161 = tpu.memref_slice %arg4[%dma_start3A_159, %dma_start3A_160] : memref<10000x80xf32, #tpu.memory_space<hbm>> -> memref<10000x80xf32, #tpu.memory_space<hbm>>
        tpu.enqueue_indirect_dma source(%dma_start3A_161 : memref<10000x80xf32, #tpu.memory_space<hbm>>) target(%arg9 : memref<125x80xf32, #tpu.memory_space<vmem>>) offsets(%dma_start3A_158 : memref<125xi32, #tpu.memory_space<vmem>>) semaphore(%arg18 : memref<!tpu.dma_semaphore, #tpu.memory_space<semaphore_mem>>)
        %add3A_162 = arith.constant 1 : i32
        %add3A_163 = arith.addi %add3A_120, %add3A_162 : i32
        %dma_start3A_164 = arith.constant 0 : i32
        %dma_start3A_165 = tpu.memref_slice %arg8[%add3A_163, %dma_start3A_164] : memref<80x125xi32, #tpu.memory_space<vmem>> -> memref<1x125xi32, #tpu.memory_space<vmem>>
        %dma_start3A_166 = tpu.memref_squeeze %dma_start3A_165 : memref<1x125xi32, #tpu.memory_space<vmem>> -> memref<125xi32, #tpu.memory_space<vmem>>
        %dma_start3A_167 = arith.constant 0 : i32
        %dma_start3A_168 = arith.constant 0 : i32
        %dma_start3A_169 = tpu.memref_slice %arg17[%dma_start3A_167, %dma_start3A_168] : memref<10000x16xf32, #tpu.memory_space<vmem_shared>> -> memref<10000x16xf32, #tpu.memory_space<vmem_shared>>
        tpu.enqueue_indirect_dma source(%dma_start3A_169 : memref<10000x16xf32, #tpu.memory_space<vmem_shared>>) target(%arg11 : memref<125x16xf32, #tpu.memory_space<vmem>>) offsets(%dma_start3A_166 : memref<125xi32, #tpu.memory_space<vmem>>) semaphore(%arg20 : memref<!tpu.dma_semaphore, #tpu.memory_space<semaphore_mem>>)
      } else {
      }
      %dma_wait3A_128 = arith.constant 0 : i32
      %dma_wait3A_129 = tpu.memref_slice %arg7[%add3A_120, %dma_wait3A_128] : memref<80x125xi32, #tpu.memory_space<vmem>> -> memref<1x125xi32, #tpu.memory_space<vmem>>
      %dma_wait3A_130 = tpu.memref_squeeze %dma_wait3A_129 : memref<1x125xi32, #tpu.memory_space<vmem>> -> memref<125xi32, #tpu.memory_space<vmem>>
      %dma_wait3A_131 = arith.constant 0 : i32
      %dma_wait3A_132 = arith.constant 0 : i32
      %dma_wait3A_133 = tpu.memref_slice %arg4[%dma_wait3A_131, %dma_wait3A_132] : memref<10000x80xf32, #tpu.memory_space<hbm>> -> memref<10000x80xf32, #tpu.memory_space<hbm>>
      tpu.wait_indirect_dma semaphore(%arg19 : memref<!tpu.dma_semaphore, #tpu.memory_space<semaphore_mem>>) src(%dma_wait3A_133 : memref<10000x80xf32, #tpu.memory_space<hbm>>) dst(%arg10 : memref<125x80xf32, #tpu.memory_space<vmem>>)
      %dma_wait3A_134 = arith.constant 0 : i32
      %dma_wait3A_135 = tpu.memref_slice %arg8[%add3A_120, %dma_wait3A_134] : memref<80x125xi32, #tpu.memory_space<vmem>> -> memref<1x125xi32, #tpu.memory_space<vmem>>
      %dma_wait3A_136 = tpu.memref_squeeze %dma_wait3A_135 : memref<1x125xi32, #tpu.memory_space<vmem>> -> memref<125xi32, #tpu.memory_space<vmem>>
      %dma_wait3A_137 = arith.constant 0 : i32
      %dma_wait3A_138 = arith.constant 0 : i32
      %dma_wait3A_139 = tpu.memref_slice %arg17[%dma_wait3A_137, %dma_wait3A_138] : memref<10000x16xf32, #tpu.memory_space<vmem_shared>> -> memref<10000x16xf32, #tpu.memory_space<vmem_shared>>
      tpu.wait_indirect_dma semaphore(%arg21 : memref<!tpu.dma_semaphore, #tpu.memory_space<semaphore_mem>>) src(%dma_wait3A_139 : memref<10000x16xf32, #tpu.memory_space<vmem_shared>>) dst(%arg12 : memref<125x16xf32, #tpu.memory_space<vmem>>)
      %gt3A_140 = arith.constant 0 : i32
      %gt3A_141 = arith.cmpi sgt, %mul3A_78, %gt3A_140 : i32
      %convert_element_type3A_142 = arith.extui %gt3A_141 : i1 to i32
      %cond3A_143 = arith.constant 0 : i32
      %cond3A_144 = arith.cmpi ne, %convert_element_type3A_142, %cond3A_143 : i32
      scf.if %cond3A_144 {
        %dma_wait3A_154 = arith.constant 0 : i32
        %dma_wait3A_155 = tpu.memref_slice %arg8[%add3A_120, %dma_wait3A_154] : memref<80x125xi32, #tpu.memory_space<vmem>> -> memref<1x125xi32, #tpu.memory_space<vmem>>
        %dma_wait3A_156 = tpu.memref_squeeze %dma_wait3A_155 : memref<1x125xi32, #tpu.memory_space<vmem>> -> memref<125xi32, #tpu.memory_space<vmem>>
        %dma_wait3A_157 = arith.constant 0 : i32
        %dma_wait3A_158 = arith.constant 0 : i32
        %dma_wait3A_159 = tpu.memref_slice %arg16[%dma_wait3A_157, %dma_wait3A_158] : memref<10000x80xf32, #tpu.memory_space<vmem_shared>> -> memref<10000x80xf32, #tpu.memory_space<vmem_shared>>
        tpu.wait_indirect_dma semaphore(%arg23 : memref<!tpu.dma_semaphore, #tpu.memory_space<semaphore_mem>>) src(%arg14 : memref<125x80xf32, #tpu.memory_space<vmem>>) dst(%dma_wait3A_159 : memref<10000x80xf32, #tpu.memory_space<vmem_shared>>)
      } else {
      }
      %parallel_loop3A_145 = arith.constant 0 : i32
      %parallel_loop3A_146 = arith.constant 125 : i32
      %parallel_loop3A_147 = arith.constant 1 : i32
      scf.for %parallel_loop3A_154 = %parallel_loop3A_145 to %parallel_loop3A_146 step %parallel_loop3A_147  : i32 {
        %parallel_loop3A_155 = arith.index_cast %parallel_loop3A_154 : i32 to index
        %parallel_loop3A_156 = arith.constant 64 : index
        %parallel_loop3A_157 = tpu.vector_load %arg10[%parallel_loop3A_155, %parallel_loop3A_156] {strides = array<i32>} : memref<125x80xf32, #tpu.memory_space<vmem>>, vector<16xf32>,
        %parallel_loop3A_158 = arith.index_cast %parallel_loop3A_154 : i32 to index
        %parallel_loop3A_159 = arith.constant 0 : index
        %parallel_loop3A_160 = tpu.vector_load %arg12[%parallel_loop3A_158, %parallel_loop3A_159] {strides = array<i32>} : memref<125x16xf32, #tpu.memory_space<vmem>>, vector<16xf32>,
        %parallel_loop3A_161 = arith.addf %parallel_loop3A_157, %parallel_loop3A_160 : vector<16xf32>
        %parallel_loop3A_162 = arith.constant 2.000000e-01 : f32
        %parallel_loop3A_163 = vector.broadcast %parallel_loop3A_162 : f32 to vector<16xf32>
        %parallel_loop3A_164 = arith.mulf %parallel_loop3A_163, %parallel_loop3A_161 : vector<16xf32>
        %parallel_loop3A_165 = arith.maximumf %parallel_loop3A_161, %parallel_loop3A_164 : vector<16xf32>
        %parallel_loop3A_166 = math.exp %parallel_loop3A_165 : vector<16xf32>
        %parallel_loop3A_167 = arith.mulf %parallel_loop3A_166, %select_n3A : vector<16xf32>
        %parallel_loop3A_168 = arith.index_cast %parallel_loop3A_154 : i32 to index
        %parallel_loop3A_169 = arith.constant 64 : index
        %parallel_loop3A_170 = tpu.vector_load %arg14[%parallel_loop3A_168, %parallel_loop3A_169] {strides = array<i32>} : memref<125x80xf32, #tpu.memory_space<vmem>>, vector<16xf32>,
        tpu.vector_store %arg14[%parallel_loop3A_168, %parallel_loop3A_169], %parallel_loop3A_167 {strides = array<i32>} : memref<125x80xf32, #tpu.memory_space<vmem>>, vector<16xf32>,
        %parallel_loop3A_171 = arith.constant 0 : i32
        %parallel_loop3A_172 = vector.broadcast %parallel_loop3A_171 : i32 to vector<16xi32>
        %parallel_loop3A_173 = arith.cmpi slt, %shift_right_arithmetic3A_7, %parallel_loop3A_172 : vector<16xi32>
        %parallel_loop3A_174 = arith.constant 16 : i32
        %parallel_loop3A_175 = vector.broadcast %parallel_loop3A_174 : i32 to vector<16xi32>
        %parallel_loop3A_176 = arith.addi %shift_right_arithmetic3A_7, %parallel_loop3A_175 : vector<16xi32>
        %parallel_loop3A_177 = arith.select %parallel_loop3A_173, %parallel_loop3A_176, %shift_right_arithmetic3A_7 : vector<16xi1>, vector<16xi32>
        %parallel_loop3A_178 = vector.shape_cast %parallel_loop3A_177 : vector<16xi32> to vector<16x1xi32>
        %parallel_loop3A_179 = vector.shape_cast %parallel_loop3A_178 : vector<16x1xi32> to vector<16xi32>
        %parallel_loop3A_180 = tpu.dynamic_gather %parallel_loop3A_166[%parallel_loop3A_179] in [0] : vector<16xf32>, vector<16xi32> -> vector<16xf32>
        %parallel_loop3A_181 = arith.index_cast %parallel_loop3A_154 : i32 to index
        %parallel_loop3A_182 = arith.constant 0 : index
        %parallel_loop3A_183 = tpu.vector_load %arg10[%parallel_loop3A_181, %parallel_loop3A_182] {strides = array<i32>} : memref<125x80xf32, #tpu.memory_space<vmem>>, vector<16xf32>,
        %parallel_loop3A_184 = arith.mulf %parallel_loop3A_183, %parallel_loop3A_180 : vector<16xf32>
        %parallel_loop3A_185 = arith.index_cast %parallel_loop3A_154 : i32 to index
        %parallel_loop3A_186 = arith.constant 0 : index
        %parallel_loop3A_187 = tpu.vector_load %arg14[%parallel_loop3A_185, %parallel_loop3A_186] {strides = array<i32>} : memref<125x80xf32, #tpu.memory_space<vmem>>, vector<16xf32>,
        tpu.vector_store %arg14[%parallel_loop3A_185, %parallel_loop3A_186], %parallel_loop3A_184 {strides = array<i32>} : memref<125x80xf32, #tpu.memory_space<vmem>>, vector<16xf32>,
        %parallel_loop3A_188 = arith.constant 0 : i32
        %parallel_loop3A_189 = vector.broadcast %parallel_loop3A_188 : i32 to vector<16xi32>
        %parallel_loop3A_190 = arith.cmpi slt, %shift_right_arithmetic3A_13, %parallel_loop3A_189 : vector<16xi32>
        %parallel_loop3A_191 = arith.constant 16 : i32
        %parallel_loop3A_192 = vector.broadcast %parallel_loop3A_191 : i32 to vector<16xi32>
        %parallel_loop3A_193 = arith.addi %shift_right_arithmetic3A_13, %parallel_loop3A_192 : vector<16xi32>
        %parallel_loop3A_194 = arith.select %parallel_loop3A_190, %parallel_loop3A_193, %shift_right_arithmetic3A_13 : vector<16xi1>, vector<16xi32>
        %parallel_loop3A_195 = vector.shape_cast %parallel_loop3A_194 : vector<16xi32> to vector<16x1xi32>
        %parallel_loop3A_196 = vector.shape_cast %parallel_loop3A_195 : vector<16x1xi32> to vector<16xi32>
        %parallel_loop3A_197 = tpu.dynamic_gather %parallel_loop3A_166[%parallel_loop3A_196] in [0] : vector<16xf32>, vector<16xi32> -> vector<16xf32>
        %parallel_loop3A_198 = arith.index_cast %parallel_loop3A_154 : i32 to index
        %parallel_loop3A_199 = arith.constant 16 : index
        %parallel_loop3A_200 = tpu.vector_load %arg10[%parallel_loop3A_198, %parallel_loop3A_199] {strides = array<i32>} : memref<125x80xf32, #tpu.memory_space<vmem>>, vector<16xf32>,
        %parallel_loop3A_201 = arith.mulf %parallel_loop3A_200, %parallel_loop3A_197 : vector<16xf32>
        %parallel_loop3A_202 = arith.index_cast %parallel_loop3A_154 : i32 to index
        %parallel_loop3A_203 = arith.constant 16 : index
        %parallel_loop3A_204 = tpu.vector_load %arg14[%parallel_loop3A_202, %parallel_loop3A_203] {strides = array<i32>} : memref<125x80xf32, #tpu.memory_space<vmem>>, vector<16xf32>,
        tpu.vector_store %arg14[%parallel_loop3A_202, %parallel_loop3A_203], %parallel_loop3A_201 {strides = array<i32>} : memref<125x80xf32, #tpu.memory_space<vmem>>, vector<16xf32>,
        %parallel_loop3A_205 = arith.constant 0 : i32
        %parallel_loop3A_206 = vector.broadcast %parallel_loop3A_205 : i32 to vector<16xi32>
        %parallel_loop3A_207 = arith.cmpi slt, %shift_right_arithmetic3A_19, %parallel_loop3A_206 : vector<16xi32>
        %parallel_loop3A_208 = arith.constant 16 : i32
        %parallel_loop3A_209 = vector.broadcast %parallel_loop3A_208 : i32 to vector<16xi32>
        %parallel_loop3A_210 = arith.addi %shift_right_arithmetic3A_19, %parallel_loop3A_209 : vector<16xi32>
        %parallel_loop3A_211 = arith.select %parallel_loop3A_207, %parallel_loop3A_210, %shift_right_arithmetic3A_19 : vector<16xi1>, vector<16xi32>
        %parallel_loop3A_212 = vector.shape_cast %parallel_loop3A_211 : vector<16xi32> to vector<16x1xi32>
        %parallel_loop3A_213 = vector.shape_cast %parallel_loop3A_212 : vector<16x1xi32> to vector<16xi32>
        %parallel_loop3A_214 = tpu.dynamic_gather %parallel_loop3A_166[%parallel_loop3A_213] in [0] : vector<16xf32>, vector<16xi32> -> vector<16xf32>
        %parallel_loop3A_215 = arith.index_cast %parallel_loop3A_154 : i32 to index
        %parallel_loop3A_216 = arith.constant 32 : index
        %parallel_loop3A_217 = tpu.vector_load %arg10[%parallel_loop3A_215, %parallel_loop3A_216] {strides = array<i32>} : memref<125x80xf32, #tpu.memory_space<vmem>>, vector<16xf32>,
        %parallel_loop3A_218 = arith.mulf %parallel_loop3A_217, %parallel_loop3A_214 : vector<16xf32>
        %parallel_loop3A_219 = arith.index_cast %parallel_loop3A_154 : i32 to index
        %parallel_loop3A_220 = arith.constant 32 : index
        %parallel_loop3A_221 = tpu.vector_load %arg14[%parallel_loop3A_219, %parallel_loop3A_220] {strides = array<i32>} : memref<125x80xf32, #tpu.memory_space<vmem>>, vector<16xf32>,
        tpu.vector_store %arg14[%parallel_loop3A_219, %parallel_loop3A_220], %parallel_loop3A_218 {strides = array<i32>} : memref<125x80xf32, #tpu.memory_space<vmem>>, vector<16xf32>,
        %parallel_loop3A_222 = arith.constant 0 : i32
        %parallel_loop3A_223 = vector.broadcast %parallel_loop3A_222 : i32 to vector<16xi32>
        %parallel_loop3A_224 = arith.cmpi slt, %shift_right_arithmetic3A_25, %parallel_loop3A_223 : vector<16xi32>
        %parallel_loop3A_225 = arith.constant 16 : i32
        %parallel_loop3A_226 = vector.broadcast %parallel_loop3A_225 : i32 to vector<16xi32>
        %parallel_loop3A_227 = arith.addi %shift_right_arithmetic3A_25, %parallel_loop3A_226 : vector<16xi32>
        %parallel_loop3A_228 = arith.select %parallel_loop3A_224, %parallel_loop3A_227, %shift_right_arithmetic3A_25 : vector<16xi1>, vector<16xi32>
        %parallel_loop3A_229 = vector.shape_cast %parallel_loop3A_228 : vector<16xi32> to vector<16x1xi32>
        %parallel_loop3A_230 = vector.shape_cast %parallel_loop3A_229 : vector<16x1xi32> to vector<16xi32>
        %parallel_loop3A_231 = tpu.dynamic_gather %parallel_loop3A_166[%parallel_loop3A_230] in [0] : vector<16xf32>, vector<16xi32> -> vector<16xf32>
        %parallel_loop3A_232 = arith.index_cast %parallel_loop3A_154 : i32 to index
        %parallel_loop3A_233 = arith.constant 48 : index
        %parallel_loop3A_234 = tpu.vector_load %arg10[%parallel_loop3A_232, %parallel_loop3A_233] {strides = array<i32>} : memref<125x80xf32, #tpu.memory_space<vmem>>, vector<16xf32>,
        %parallel_loop3A_235 = arith.mulf %parallel_loop3A_234, %parallel_loop3A_231 : vector<16xf32>
        %parallel_loop3A_236 = arith.index_cast %parallel_loop3A_154 : i32 to index
        %parallel_loop3A_237 = arith.constant 48 : index
        %parallel_loop3A_238 = tpu.vector_load %arg14[%parallel_loop3A_236, %parallel_loop3A_237] {strides = array<i32>} : memref<125x80xf32, #tpu.memory_space<vmem>>, vector<16xf32>,
        tpu.vector_store %arg14[%parallel_loop3A_236, %parallel_loop3A_237], %parallel_loop3A_235 {strides = array<i32>} : memref<125x80xf32, #tpu.memory_space<vmem>>, vector<16xf32>,
      } {sc.loop_unroll_factor = 5 : i64, sc.parallel_access}
      %dma_start3A_148 = arith.constant 0 : i32
      %dma_start3A_149 = tpu.memref_slice %arg8[%add3A_120, %dma_start3A_148] : memref<80x125xi32, #tpu.memory_space<vmem>> -> memref<1x125xi32, #tpu.memory_space<vmem>>
      %dma_start3A_150 = tpu.memref_squeeze %dma_start3A_149 : memref<1x125xi32, #tpu.memory_space<vmem>> -> memref<125xi32, #tpu.memory_space<vmem>>
      %dma_start3A_151 = arith.constant 0 : i32
      %dma_start3A_152 = arith.constant 0 : i32
      %dma_start3A_153 = tpu.memref_slice %arg16[%dma_start3A_151, %dma_start3A_152] : memref<10000x80xf32, #tpu.memory_space<vmem_shared>> -> memref<10000x80xf32, #tpu.memory_space<vmem_shared>>
      tpu.enqueue_indirect_dma source(%arg14 : memref<125x80xf32, #tpu.memory_space<vmem>>) target(%dma_start3A_153 : memref<10000x80xf32, #tpu.memory_space<vmem_shared>>) offsets(%dma_start3A_150 : memref<125xi32, #tpu.memory_space<vmem>>) semaphore(%arg23 : memref<!tpu.dma_semaphore, #tpu.memory_space<semaphore_mem>>) {add = true}
    }
    %scan3A_61 = arith.constant 40 : i32
    %dma_wait3A = arith.constant 0 : i32
    %dma_wait3A_62 = arith.constant 0 : i32
    %dma_wait3A_63 = tpu.memref_slice %arg8[%dma_wait3A, %dma_wait3A_62] : memref<80x125xi32, #tpu.memory_space<vmem>> -> memref<1x125xi32, #tpu.memory_space<vmem>>
    %dma_wait3A_64 = tpu.memref_squeeze %dma_wait3A_63 : memref<1x125xi32, #tpu.memory_space<vmem>> -> memref<125xi32, #tpu.memory_space<vmem>>
    %dma_wait3A_65 = arith.constant 0 : i32
    %dma_wait3A_66 = arith.constant 0 : i32
    %dma_wait3A_67 = tpu.memref_slice %arg16[%dma_wait3A_65, %dma_wait3A_66] : memref<10000x80xf32, #tpu.memory_space<vmem_shared>> -> memref<10000x80xf32, #tpu.memory_space<vmem_shared>>
    tpu.wait_indirect_dma semaphore(%arg22 : memref<!tpu.dma_semaphore, #tpu.memory_space<semaphore_mem>>) src(%arg13 : memref<125x80xf32, #tpu.memory_space<vmem>>) dst(%dma_wait3A_67 : memref<10000x80xf32, #tpu.memory_space<vmem_shared>>)
    %dma_wait3A_68 = arith.constant 0 : i32
    %dma_wait3A_69 = arith.constant 0 : i32
    %dma_wait3A_70 = tpu.memref_slice %arg8[%dma_wait3A_68, %dma_wait3A_69] : memref<80x125xi32, #tpu.memory_space<vmem>> -> memref<1x125xi32, #tpu.memory_space<vmem>>
    %dma_wait3A_71 = tpu.memref_squeeze %dma_wait3A_70 : memref<1x125xi32, #tpu.memory_space<vmem>> -> memref<125xi32, #tpu.memory_space<vmem>>
    %dma_wait3A_72 = arith.constant 0 : i32
    %dma_wait3A_73 = arith.constant 0 : i32
    %dma_wait3A_74 = tpu.memref_slice %arg16[%dma_wait3A_72, %dma_wait3A_73] : memref<10000x80xf32, #tpu.memory_space<vmem_shared>> -> memref<10000x80xf32, #tpu.memory_space<vmem_shared>>
    tpu.wait_indirect_dma semaphore(%arg23 : memref<!tpu.dma_semaphore, #tpu.memory_space<semaphore_mem>>) src(%arg14 : memref<125x80xf32, #tpu.memory_space<vmem>>) dst(%dma_wait3A_74 : memref<10000x80xf32, #tpu.memory_space<vmem_shared>>)
    %barrier3A_75 = arith.constant 0 : index
    tpu.barrier barrier_id(%barrier3A_75)
    "tpu.region"() ({
      %run_scoped3A = tpu.sem_alloc : memref<!tpu.dma_semaphore, #tpu.memory_space<semaphore_mem>>
      %dma_start3A_76 = arith.constant 0 : i32
      %dma_start3A_77 = tpu.memref_slice %arg6[%arg0, %mul3A_29, %dma_start3A_76] : memref<2x10000x80xf32, #tpu.memory_space<hbm>> -> memref<1x625x80xf32, #tpu.memory_space<hbm>>
      %dma_start3A_78 = tpu.memref_squeeze %dma_start3A_77 : memref<1x625x80xf32, #tpu.memory_space<hbm>> -> memref<625x80xf32, #tpu.memory_space<hbm>>
      %dma_start3A_79 = arith.constant 0 : i32
      %dma_start3A_80 = tpu.memref_slice %arg16[%mul3A_29, %dma_start3A_79] : memref<10000x80xf32, #tpu.memory_space<vmem_shared>> -> memref<625x80xf32, #tpu.memory_space<vmem_shared>>
      tpu.enqueue_dma source(%dma_start3A_80 : memref<625x80xf32, #tpu.memory_space<vmem_shared>>) target(%dma_start3A_78 : memref<625x80xf32, #tpu.memory_space<hbm>>) target_semaphore(%run_scoped3A : memref<!tpu.dma_semaphore, #tpu.memory_space<semaphore_mem>>)
      %dma_wait3A_81 = arith.constant 0 : i32
      %dma_wait3A_82 = tpu.memref_slice %arg6[%arg0, %mul3A_29, %dma_wait3A_81] : memref<2x10000x80xf32, #tpu.memory_space<hbm>> -> memref<1x625x80xf32, #tpu.memory_space<hbm>>
      %dma_wait3A_83 = tpu.memref_squeeze %dma_wait3A_82 : memref<1x625x80xf32, #tpu.memory_space<hbm>> -> memref<625x80xf32, #tpu.memory_space<hbm>>
      %dma_wait3A_84 = arith.constant 0 : i32
      %dma_wait3A_85 = tpu.memref_slice %arg16[%mul3A_29, %dma_wait3A_84] : memref<10000x80xf32, #tpu.memory_space<vmem_shared>> -> memref<625x80xf32, #tpu.memory_space<vmem_shared>>
      tpu.wait_dma2 semaphore(%run_scoped3A : memref<!tpu.dma_semaphore, #tpu.memory_space<semaphore_mem>>) src(%dma_wait3A_85 : memref<625x80xf32, #tpu.memory_space<vmem_shared>>) dst(%dma_wait3A_83 : memref<625x80xf32, #tpu.memory_space<hbm>>)
      tpu.yield
    }) : () -> ()
    return
  }
}

#map = affine_map<(d0, d1) -> (0, 0, 0)>
#map1 = affine_map<(d0, d1) -> (0, 0)>
module attributes {stable_mosaic.version = 14 : i64} {
  func.func @_sc_edge_kernel_2(%arg0: i32, %arg1: i32, %arg2: memref<32x80x125xi32, #tpu.memory_space<hbm>>, %arg3: memref<32x80x125xi32, #tpu.memory_space<hbm>>, %arg4: memref<10000x16xf32, #tpu.memory_space<hbm>>, %arg5: memref<10000x16xf32, #tpu.memory_space<hbm>>, %arg6: memref<2x10000x16xf32, #tpu.memory_space<hbm>>, %arg7: memref<80x125xi32, #tpu.memory_space<vmem>>, %arg8: memref<80x125xi32, #tpu.memory_space<vmem>>, %arg9: memref<125x16xf32, #tpu.memory_space<vmem>>, %arg10: memref<125x16xf32, #tpu.memory_space<vmem>>, %arg11: memref<125x16xf32, #tpu.memory_space<vmem>>, %arg12: memref<125x16xf32, #tpu.memory_space<vmem>>, %arg13: memref<125x16xf32, #tpu.memory_space<vmem>>, %arg14: memref<125x16xf32, #tpu.memory_space<vmem>>, %arg15: memref<2000xf32, #tpu.memory_space<vmem>>, %arg16: memref<10000x16xf32, #tpu.memory_space<vmem_shared>>, %arg17: memref<10000x16xf32, #tpu.memory_space<vmem_shared>>, %arg18: memref<10000x16xf32, #tpu.memory_space<vmem_shared>>, %arg19: memref<!tpu.dma_semaphore, #tpu.memory_space<semaphore_mem>>, %arg20: memref<!tpu.dma_semaphore, #tpu.memory_space<semaphore_mem>>, %arg21: memref<!tpu.dma_semaphore, #tpu.memory_space<semaphore_mem>>, %arg22: memref<!tpu.dma_semaphore, #tpu.memory_space<semaphore_mem>>, %arg23: memref<!tpu.dma_semaphore, #tpu.memory_space<semaphore_mem>>, %arg24: memref<!tpu.dma_semaphore, #tpu.memory_space<semaphore_mem>>) attributes {dimension_semantics = [#tpu.dimension_semantics<core_parallel>, #tpu.dimension_semantics<subcore_parallel>], iteration_bounds = array<i64: 2, 16>, scalar_prefetch = 0 : i64, scratch_operands = 18 : i64, tpu.core_type = #tpu.core_type<sc_vector_subcore>, window_params = [{transform_indices = #map}, {transform_indices = #map}, {transform_indices = #map1}, {transform_indices = #map1}, {transform_indices = #map}]} {
    %iota3A = tpu.iota {dimensions = array<i32: 0>} : vector<16xi32>
    %eq3A = arith.constant 8 : i32
    %eq3A_0 = vector.broadcast %eq3A : i32 to vector<16xi32>
    %eq3A_1 = arith.cmpi eq, %iota3A, %eq3A_0 : vector<16xi32>
    %jit3A = arith.constant 1.000000e+00 : f32
    %jit3A_2 = arith.constant 0.000000e+00 : f32
    %broadcast_in_dim3A = vector.broadcast %jit3A : f32 to vector<16xf32>
    %broadcast_in_dim3A_3 = vector.broadcast %jit3A_2 : f32 to vector<16xf32>
    %select_n3A = arith.select %eq3A_1, %broadcast_in_dim3A, %broadcast_in_dim3A_3 : vector<16xi1>, vector<16xf32>
    %broadcast_in_dim3A_4 = arith.constant 8 : i32
    %broadcast_in_dim3A_5 = vector.broadcast %broadcast_in_dim3A_4 : i32 to vector<16xi32>
    %mul3A = arith.constant 2 : i32
    %mul3A_6 = arith.muli %arg1, %mul3A : i32
    %add3A = arith.addi %mul3A_6, %arg0 : i32
    %mul3A_7 = arith.constant 625 : i32
    %mul3A_8 = arith.muli %arg1, %mul3A_7 : i32
    "tpu.region"() ({
      %run_scoped3A = tpu.sem_alloc : memref<!tpu.dma_semaphore, #tpu.memory_space<semaphore_mem>>
      %dma_start3A_55 = arith.constant 0 : i32
      %dma_start3A_56 = tpu.memref_slice %arg17[%mul3A_8, %dma_start3A_55] : memref<10000x16xf32, #tpu.memory_space<vmem_shared>> -> memref<625x16xf32, #tpu.memory_space<vmem_shared>>
      %dma_start3A_57 = arith.constant 0 : i32
      %dma_start3A_58 = tpu.memref_slice %arg4[%mul3A_8, %dma_start3A_57] : memref<10000x16xf32, #tpu.memory_space<hbm>> -> memref<625x16xf32, #tpu.memory_space<hbm>>
      tpu.enqueue_dma source(%dma_start3A_58 : memref<625x16xf32, #tpu.memory_space<hbm>>) target(%dma_start3A_56 : memref<625x16xf32, #tpu.memory_space<vmem_shared>>) target_semaphore(%run_scoped3A : memref<!tpu.dma_semaphore, #tpu.memory_space<semaphore_mem>>)
      %dma_wait3A_59 = arith.constant 0 : i32
      %dma_wait3A_60 = tpu.memref_slice %arg17[%mul3A_8, %dma_wait3A_59] : memref<10000x16xf32, #tpu.memory_space<vmem_shared>> -> memref<625x16xf32, #tpu.memory_space<vmem_shared>>
      %dma_wait3A_61 = arith.constant 0 : i32
      %dma_wait3A_62 = tpu.memref_slice %arg4[%mul3A_8, %dma_wait3A_61] : memref<10000x16xf32, #tpu.memory_space<hbm>> -> memref<625x16xf32, #tpu.memory_space<hbm>>
      tpu.wait_dma2 semaphore(%run_scoped3A : memref<!tpu.dma_semaphore, #tpu.memory_space<semaphore_mem>>) src(%dma_wait3A_62 : memref<625x16xf32, #tpu.memory_space<hbm>>) dst(%dma_wait3A_60 : memref<625x16xf32, #tpu.memory_space<vmem_shared>>)
      tpu.yield
    }) : () -> ()
    "tpu.region"() ({
      %run_scoped3A = tpu.sem_alloc : memref<!tpu.dma_semaphore, #tpu.memory_space<semaphore_mem>>
      %dma_start3A_55 = arith.constant 0 : i32
      %dma_start3A_56 = tpu.memref_slice %arg18[%mul3A_8, %dma_start3A_55] : memref<10000x16xf32, #tpu.memory_space<vmem_shared>> -> memref<625x16xf32, #tpu.memory_space<vmem_shared>>
      %dma_start3A_57 = arith.constant 0 : i32
      %dma_start3A_58 = tpu.memref_slice %arg5[%mul3A_8, %dma_start3A_57] : memref<10000x16xf32, #tpu.memory_space<hbm>> -> memref<625x16xf32, #tpu.memory_space<hbm>>
      tpu.enqueue_dma source(%dma_start3A_58 : memref<625x16xf32, #tpu.memory_space<hbm>>) target(%dma_start3A_56 : memref<625x16xf32, #tpu.memory_space<vmem_shared>>) target_semaphore(%run_scoped3A : memref<!tpu.dma_semaphore, #tpu.memory_space<semaphore_mem>>)
      %dma_wait3A_59 = arith.constant 0 : i32
      %dma_wait3A_60 = tpu.memref_slice %arg18[%mul3A_8, %dma_wait3A_59] : memref<10000x16xf32, #tpu.memory_space<vmem_shared>> -> memref<625x16xf32, #tpu.memory_space<vmem_shared>>
      %dma_wait3A_61 = arith.constant 0 : i32
      %dma_wait3A_62 = tpu.memref_slice %arg5[%mul3A_8, %dma_wait3A_61] : memref<10000x16xf32, #tpu.memory_space<hbm>> -> memref<625x16xf32, #tpu.memory_space<hbm>>
      tpu.wait_dma2 semaphore(%run_scoped3A : memref<!tpu.dma_semaphore, #tpu.memory_space<semaphore_mem>>) src(%dma_wait3A_62 : memref<625x16xf32, #tpu.memory_space<hbm>>) dst(%dma_wait3A_60 : memref<625x16xf32, #tpu.memory_space<vmem_shared>>)
      tpu.yield
    }) : () -> ()
    %scan3A = arith.constant 0 : i32
    %scan3A_9 = arith.constant 125 : i32
    %scan3A_10 = arith.addi %scan3A, %scan3A_9 : i32
    %scan3A_11 = arith.constant 1 : i32
    scf.for %scan3A_55 = %scan3A to %scan3A_10 step %scan3A_11  : i32 {
      %broadcast_in_dim3A_56 = arith.constant 0.000000e+00 : f32
      %broadcast_in_dim3A_57 = vector.broadcast %broadcast_in_dim3A_56 : f32 to vector<16xf32>
      %swap3A = arith.index_cast %scan3A_55 : i32 to index
      %swap3A_58 = arith.constant 0 : index
      %swap3A_59 = tpu.vector_load %arg13[%swap3A, %swap3A_58] {strides = array<i32>} : memref<125x16xf32, #tpu.memory_space<vmem>>, vector<16xf32>,
      tpu.vector_store %arg13[%swap3A, %swap3A_58], %broadcast_in_dim3A_57 {strides = array<i32>} : memref<125x16xf32, #tpu.memory_space<vmem>>, vector<16xf32>,
    }
    %scan3A_12 = arith.constant 125 : i32
    %add3A_13 = arith.constant 0 : i32
    %add3A_14 = arith.addi %mul3A_8, %add3A_13 : i32
    "tpu.region"() ({
      %run_scoped3A = tpu.sem_alloc : memref<!tpu.dma_semaphore, #tpu.memory_space<semaphore_mem>>
      %dma_start3A_55 = arith.constant 0 : i32
      %dma_start3A_56 = tpu.memref_slice %arg16[%add3A_14, %dma_start3A_55] : memref<10000x16xf32, #tpu.memory_space<vmem_shared>> -> memref<125x16xf32, #tpu.memory_space<vmem_shared>>
      %dma_start3A_57 = arith.constant 0 : i32
      %dma_start3A_58 = tpu.memref_slice %arg16[%add3A_14, %dma_start3A_57] : memref<10000x16xf32, #tpu.memory_space<vmem_shared>> -> memref<125x16xf32, #tpu.memory_space<vmem_shared>>
      tpu.enqueue_dma source(%arg13 : memref<125x16xf32, #tpu.memory_space<vmem>>) target(%dma_start3A_58 : memref<125x16xf32, #tpu.memory_space<vmem_shared>>) target_semaphore(%run_scoped3A : memref<!tpu.dma_semaphore, #tpu.memory_space<semaphore_mem>>)
      %dma_wait3A_59 = arith.constant 0 : i32
      %dma_wait3A_60 = tpu.memref_slice %arg16[%add3A_14, %dma_wait3A_59] : memref<10000x16xf32, #tpu.memory_space<vmem_shared>> -> memref<125x16xf32, #tpu.memory_space<vmem_shared>>
      %dma_wait3A_61 = arith.constant 0 : i32
      %dma_wait3A_62 = tpu.memref_slice %arg16[%add3A_14, %dma_wait3A_61] : memref<10000x16xf32, #tpu.memory_space<vmem_shared>> -> memref<125x16xf32, #tpu.memory_space<vmem_shared>>
      tpu.wait_dma2 semaphore(%run_scoped3A : memref<!tpu.dma_semaphore, #tpu.memory_space<semaphore_mem>>) src(%arg13 : memref<125x16xf32, #tpu.memory_space<vmem>>) dst(%dma_wait3A_62 : memref<125x16xf32, #tpu.memory_space<vmem_shared>>)
      tpu.yield
    }) : () -> ()
    %add3A_15 = arith.constant 125 : i32
    %add3A_16 = arith.addi %mul3A_8, %add3A_15 : i32
    "tpu.region"() ({
      %run_scoped3A = tpu.sem_alloc : memref<!tpu.dma_semaphore, #tpu.memory_space<semaphore_mem>>
      %dma_start3A_55 = arith.constant 0 : i32
      %dma_start3A_56 = tpu.memref_slice %arg16[%add3A_16, %dma_start3A_55] : memref<10000x16xf32, #tpu.memory_space<vmem_shared>> -> memref<125x16xf32, #tpu.memory_space<vmem_shared>>
      %dma_start3A_57 = arith.constant 0 : i32
      %dma_start3A_58 = tpu.memref_slice %arg16[%add3A_16, %dma_start3A_57] : memref<10000x16xf32, #tpu.memory_space<vmem_shared>> -> memref<125x16xf32, #tpu.memory_space<vmem_shared>>
      tpu.enqueue_dma source(%arg13 : memref<125x16xf32, #tpu.memory_space<vmem>>) target(%dma_start3A_58 : memref<125x16xf32, #tpu.memory_space<vmem_shared>>) target_semaphore(%run_scoped3A : memref<!tpu.dma_semaphore, #tpu.memory_space<semaphore_mem>>)
      %dma_wait3A_59 = arith.constant 0 : i32
      %dma_wait3A_60 = tpu.memref_slice %arg16[%add3A_16, %dma_wait3A_59] : memref<10000x16xf32, #tpu.memory_space<vmem_shared>> -> memref<125x16xf32, #tpu.memory_space<vmem_shared>>
      %dma_wait3A_61 = arith.constant 0 : i32
      %dma_wait3A_62 = tpu.memref_slice %arg16[%add3A_16, %dma_wait3A_61] : memref<10000x16xf32, #tpu.memory_space<vmem_shared>> -> memref<125x16xf32, #tpu.memory_space<vmem_shared>>
      tpu.wait_dma2 semaphore(%run_scoped3A : memref<!tpu.dma_semaphore, #tpu.memory_space<semaphore_mem>>) src(%arg13 : memref<125x16xf32, #tpu.memory_space<vmem>>) dst(%dma_wait3A_62 : memref<125x16xf32, #tpu.memory_space<vmem_shared>>)
      tpu.yield
    }) : () -> ()
    %add3A_17 = arith.constant 250 : i32
    %add3A_18 = arith.addi %mul3A_8, %add3A_17 : i32
    "tpu.region"() ({
      %run_scoped3A = tpu.sem_alloc : memref<!tpu.dma_semaphore, #tpu.memory_space<semaphore_mem>>
      %dma_start3A_55 = arith.constant 0 : i32
      %dma_start3A_56 = tpu.memref_slice %arg16[%add3A_18, %dma_start3A_55] : memref<10000x16xf32, #tpu.memory_space<vmem_shared>> -> memref<125x16xf32, #tpu.memory_space<vmem_shared>>
      %dma_start3A_57 = arith.constant 0 : i32
      %dma_start3A_58 = tpu.memref_slice %arg16[%add3A_18, %dma_start3A_57] : memref<10000x16xf32, #tpu.memory_space<vmem_shared>> -> memref<125x16xf32, #tpu.memory_space<vmem_shared>>
      tpu.enqueue_dma source(%arg13 : memref<125x16xf32, #tpu.memory_space<vmem>>) target(%dma_start3A_58 : memref<125x16xf32, #tpu.memory_space<vmem_shared>>) target_semaphore(%run_scoped3A : memref<!tpu.dma_semaphore, #tpu.memory_space<semaphore_mem>>)
      %dma_wait3A_59 = arith.constant 0 : i32
      %dma_wait3A_60 = tpu.memref_slice %arg16[%add3A_18, %dma_wait3A_59] : memref<10000x16xf32, #tpu.memory_space<vmem_shared>> -> memref<125x16xf32, #tpu.memory_space<vmem_shared>>
      %dma_wait3A_61 = arith.constant 0 : i32
      %dma_wait3A_62 = tpu.memref_slice %arg16[%add3A_18, %dma_wait3A_61] : memref<10000x16xf32, #tpu.memory_space<vmem_shared>> -> memref<125x16xf32, #tpu.memory_space<vmem_shared>>
      tpu.wait_dma2 semaphore(%run_scoped3A : memref<!tpu.dma_semaphore, #tpu.memory_space<semaphore_mem>>) src(%arg13 : memref<125x16xf32, #tpu.memory_space<vmem>>) dst(%dma_wait3A_62 : memref<125x16xf32, #tpu.memory_space<vmem_shared>>)
      tpu.yield
    }) : () -> ()
    %add3A_19 = arith.constant 375 : i32
    %add3A_20 = arith.addi %mul3A_8, %add3A_19 : i32
    "tpu.region"() ({
      %run_scoped3A = tpu.sem_alloc : memref<!tpu.dma_semaphore, #tpu.memory_space<semaphore_mem>>
      %dma_start3A_55 = arith.constant 0 : i32
      %dma_start3A_56 = tpu.memref_slice %arg16[%add3A_20, %dma_start3A_55] : memref<10000x16xf32, #tpu.memory_space<vmem_shared>> -> memref<125x16xf32, #tpu.memory_space<vmem_shared>>
      %dma_start3A_57 = arith.constant 0 : i32
      %dma_start3A_58 = tpu.memref_slice %arg16[%add3A_20, %dma_start3A_57] : memref<10000x16xf32, #tpu.memory_space<vmem_shared>> -> memref<125x16xf32, #tpu.memory_space<vmem_shared>>
      tpu.enqueue_dma source(%arg13 : memref<125x16xf32, #tpu.memory_space<vmem>>) target(%dma_start3A_58 : memref<125x16xf32, #tpu.memory_space<vmem_shared>>) target_semaphore(%run_scoped3A : memref<!tpu.dma_semaphore, #tpu.memory_space<semaphore_mem>>)
      %dma_wait3A_59 = arith.constant 0 : i32
      %dma_wait3A_60 = tpu.memref_slice %arg16[%add3A_20, %dma_wait3A_59] : memref<10000x16xf32, #tpu.memory_space<vmem_shared>> -> memref<125x16xf32, #tpu.memory_space<vmem_shared>>
      %dma_wait3A_61 = arith.constant 0 : i32
      %dma_wait3A_62 = tpu.memref_slice %arg16[%add3A_20, %dma_wait3A_61] : memref<10000x16xf32, #tpu.memory_space<vmem_shared>> -> memref<125x16xf32, #tpu.memory_space<vmem_shared>>
      tpu.wait_dma2 semaphore(%run_scoped3A : memref<!tpu.dma_semaphore, #tpu.memory_space<semaphore_mem>>) src(%arg13 : memref<125x16xf32, #tpu.memory_space<vmem>>) dst(%dma_wait3A_62 : memref<125x16xf32, #tpu.memory_space<vmem_shared>>)
      tpu.yield
    }) : () -> ()
    %add3A_21 = arith.constant 500 : i32
    %add3A_22 = arith.addi %mul3A_8, %add3A_21 : i32
    "tpu.region"() ({
      %run_scoped3A = tpu.sem_alloc : memref<!tpu.dma_semaphore, #tpu.memory_space<semaphore_mem>>
      %dma_start3A_55 = arith.constant 0 : i32
      %dma_start3A_56 = tpu.memref_slice %arg16[%add3A_22, %dma_start3A_55] : memref<10000x16xf32, #tpu.memory_space<vmem_shared>> -> memref<125x16xf32, #tpu.memory_space<vmem_shared>>
      %dma_start3A_57 = arith.constant 0 : i32
      %dma_start3A_58 = tpu.memref_slice %arg16[%add3A_22, %dma_start3A_57] : memref<10000x16xf32, #tpu.memory_space<vmem_shared>> -> memref<125x16xf32, #tpu.memory_space<vmem_shared>>
      tpu.enqueue_dma source(%arg13 : memref<125x16xf32, #tpu.memory_space<vmem>>) target(%dma_start3A_58 : memref<125x16xf32, #tpu.memory_space<vmem_shared>>) target_semaphore(%run_scoped3A : memref<!tpu.dma_semaphore, #tpu.memory_space<semaphore_mem>>)
      %dma_wait3A_59 = arith.constant 0 : i32
      %dma_wait3A_60 = tpu.memref_slice %arg16[%add3A_22, %dma_wait3A_59] : memref<10000x16xf32, #tpu.memory_space<vmem_shared>> -> memref<125x16xf32, #tpu.memory_space<vmem_shared>>
      %dma_wait3A_61 = arith.constant 0 : i32
      %dma_wait3A_62 = tpu.memref_slice %arg16[%add3A_22, %dma_wait3A_61] : memref<10000x16xf32, #tpu.memory_space<vmem_shared>> -> memref<125x16xf32, #tpu.memory_space<vmem_shared>>
      tpu.wait_dma2 semaphore(%run_scoped3A : memref<!tpu.dma_semaphore, #tpu.memory_space<semaphore_mem>>) src(%arg13 : memref<125x16xf32, #tpu.memory_space<vmem>>) dst(%dma_wait3A_62 : memref<125x16xf32, #tpu.memory_space<vmem_shared>>)
      tpu.yield
    }) : () -> ()
    %barrier3A = arith.constant 0 : index
    tpu.barrier barrier_id(%barrier3A)
    "tpu.region"() ({
      %run_scoped3A = tpu.sem_alloc : memref<!tpu.dma_semaphore, #tpu.memory_space<semaphore_mem>>
      %dma_start3A_55 = arith.constant 0 : i32
      %dma_start3A_56 = arith.constant 0 : i32
      %dma_start3A_57 = tpu.memref_slice %arg2[%add3A, %dma_start3A_55, %dma_start3A_56] : memref<32x80x125xi32, #tpu.memory_space<hbm>> -> memref<1x80x125xi32, #tpu.memory_space<hbm>>
      %dma_start3A_58 = tpu.memref_squeeze %dma_start3A_57 : memref<1x80x125xi32, #tpu.memory_space<hbm>> -> memref<80x125xi32, #tpu.memory_space<hbm>>
      %dma_start3A_59 = arith.constant 0 : i32
      %dma_start3A_60 = arith.constant 0 : i32
      %dma_start3A_61 = tpu.memref_slice %arg2[%add3A, %dma_start3A_59, %dma_start3A_60] : memref<32x80x125xi32, #tpu.memory_space<hbm>> -> memref<1x80x125xi32, #tpu.memory_space<hbm>>
      %dma_start3A_62 = tpu.memref_squeeze %dma_start3A_61 : memref<1x80x125xi32, #tpu.memory_space<hbm>> -> memref<80x125xi32, #tpu.memory_space<hbm>>
      tpu.enqueue_dma source(%dma_start3A_62 : memref<80x125xi32, #tpu.memory_space<hbm>>) target(%arg7 : memref<80x125xi32, #tpu.memory_space<vmem>>) target_semaphore(%run_scoped3A : memref<!tpu.dma_semaphore, #tpu.memory_space<semaphore_mem>>)
      %dma_wait3A_63 = arith.constant 0 : i32
      %dma_wait3A_64 = arith.constant 0 : i32
      %dma_wait3A_65 = tpu.memref_slice %arg2[%add3A, %dma_wait3A_63, %dma_wait3A_64] : memref<32x80x125xi32, #tpu.memory_space<hbm>> -> memref<1x80x125xi32, #tpu.memory_space<hbm>>
      %dma_wait3A_66 = tpu.memref_squeeze %dma_wait3A_65 : memref<1x80x125xi32, #tpu.memory_space<hbm>> -> memref<80x125xi32, #tpu.memory_space<hbm>>
      %dma_wait3A_67 = arith.constant 0 : i32
      %dma_wait3A_68 = arith.constant 0 : i32
      %dma_wait3A_69 = tpu.memref_slice %arg2[%add3A, %dma_wait3A_67, %dma_wait3A_68] : memref<32x80x125xi32, #tpu.memory_space<hbm>> -> memref<1x80x125xi32, #tpu.memory_space<hbm>>
      %dma_wait3A_70 = tpu.memref_squeeze %dma_wait3A_69 : memref<1x80x125xi32, #tpu.memory_space<hbm>> -> memref<80x125xi32, #tpu.memory_space<hbm>>
      tpu.wait_dma2 semaphore(%run_scoped3A : memref<!tpu.dma_semaphore, #tpu.memory_space<semaphore_mem>>) src(%dma_wait3A_70 : memref<80x125xi32, #tpu.memory_space<hbm>>) dst(%arg7 : memref<80x125xi32, #tpu.memory_space<vmem>>)
      tpu.yield
    }) : () -> ()
    "tpu.region"() ({
      %run_scoped3A = tpu.sem_alloc : memref<!tpu.dma_semaphore, #tpu.memory_space<semaphore_mem>>
      %dma_start3A_55 = arith.constant 0 : i32
      %dma_start3A_56 = arith.constant 0 : i32
      %dma_start3A_57 = tpu.memref_slice %arg3[%add3A, %dma_start3A_55, %dma_start3A_56] : memref<32x80x125xi32, #tpu.memory_space<hbm>> -> memref<1x80x125xi32, #tpu.memory_space<hbm>>
      %dma_start3A_58 = tpu.memref_squeeze %dma_start3A_57 : memref<1x80x125xi32, #tpu.memory_space<hbm>> -> memref<80x125xi32, #tpu.memory_space<hbm>>
      %dma_start3A_59 = arith.constant 0 : i32
      %dma_start3A_60 = arith.constant 0 : i32
      %dma_start3A_61 = tpu.memref_slice %arg3[%add3A, %dma_start3A_59, %dma_start3A_60] : memref<32x80x125xi32, #tpu.memory_space<hbm>> -> memref<1x80x125xi32, #tpu.memory_space<hbm>>
      %dma_start3A_62 = tpu.memref_squeeze %dma_start3A_61 : memref<1x80x125xi32, #tpu.memory_space<hbm>> -> memref<80x125xi32, #tpu.memory_space<hbm>>
      tpu.enqueue_dma source(%dma_start3A_62 : memref<80x125xi32, #tpu.memory_space<hbm>>) target(%arg8 : memref<80x125xi32, #tpu.memory_space<vmem>>) target_semaphore(%run_scoped3A : memref<!tpu.dma_semaphore, #tpu.memory_space<semaphore_mem>>)
      %dma_wait3A_63 = arith.constant 0 : i32
      %dma_wait3A_64 = arith.constant 0 : i32
      %dma_wait3A_65 = tpu.memref_slice %arg3[%add3A, %dma_wait3A_63, %dma_wait3A_64] : memref<32x80x125xi32, #tpu.memory_space<hbm>> -> memref<1x80x125xi32, #tpu.memory_space<hbm>>
      %dma_wait3A_66 = tpu.memref_squeeze %dma_wait3A_65 : memref<1x80x125xi32, #tpu.memory_space<hbm>> -> memref<80x125xi32, #tpu.memory_space<hbm>>
      %dma_wait3A_67 = arith.constant 0 : i32
      %dma_wait3A_68 = arith.constant 0 : i32
      %dma_wait3A_69 = tpu.memref_slice %arg3[%add3A, %dma_wait3A_67, %dma_wait3A_68] : memref<32x80x125xi32, #tpu.memory_space<hbm>> -> memref<1x80x125xi32, #tpu.memory_space<hbm>>
      %dma_wait3A_70 = tpu.memref_squeeze %dma_wait3A_69 : memref<1x80x125xi32, #tpu.memory_space<hbm>> -> memref<80x125xi32, #tpu.memory_space<hbm>>
      tpu.wait_dma2 semaphore(%run_scoped3A : memref<!tpu.dma_semaphore, #tpu.memory_space<semaphore_mem>>) src(%dma_wait3A_70 : memref<80x125xi32, #tpu.memory_space<hbm>>) dst(%arg8 : memref<80x125xi32, #tpu.memory_space<vmem>>)
      tpu.yield
    }) : () -> ()
    %dma_start3A = arith.constant 0 : i32
    %dma_start3A_23 = arith.constant 0 : i32
    %dma_start3A_24 = tpu.memref_slice %arg7[%dma_start3A, %dma_start3A_23] : memref<80x125xi32, #tpu.memory_space<vmem>> -> memref<1x125xi32, #tpu.memory_space<vmem>>
    %dma_start3A_25 = tpu.memref_squeeze %dma_start3A_24 : memref<1x125xi32, #tpu.memory_space<vmem>> -> memref<125xi32, #tpu.memory_space<vmem>>
    %dma_start3A_26 = arith.constant 0 : i32
    %dma_start3A_27 = arith.constant 0 : i32
    %dma_start3A_28 = tpu.memref_slice %arg17[%dma_start3A_26, %dma_start3A_27] : memref<10000x16xf32, #tpu.memory_space<vmem_shared>> -> memref<10000x16xf32, #tpu.memory_space<vmem_shared>>
    tpu.enqueue_indirect_dma source(%dma_start3A_28 : memref<10000x16xf32, #tpu.memory_space<vmem_shared>>) target(%arg9 : memref<125x16xf32, #tpu.memory_space<vmem>>) offsets(%dma_start3A_25 : memref<125xi32, #tpu.memory_space<vmem>>) semaphore(%arg19 : memref<!tpu.dma_semaphore, #tpu.memory_space<semaphore_mem>>)
    %dma_start3A_29 = arith.constant 0 : i32
    %dma_start3A_30 = arith.constant 0 : i32
    %dma_start3A_31 = tpu.memref_slice %arg8[%dma_start3A_29, %dma_start3A_30] : memref<80x125xi32, #tpu.memory_space<vmem>> -> memref<1x125xi32, #tpu.memory_space<vmem>>
    %dma_start3A_32 = tpu.memref_squeeze %dma_start3A_31 : memref<1x125xi32, #tpu.memory_space<vmem>> -> memref<125xi32, #tpu.memory_space<vmem>>
    %dma_start3A_33 = arith.constant 0 : i32
    %dma_start3A_34 = arith.constant 0 : i32
    %dma_start3A_35 = tpu.memref_slice %arg18[%dma_start3A_33, %dma_start3A_34] : memref<10000x16xf32, #tpu.memory_space<vmem_shared>> -> memref<10000x16xf32, #tpu.memory_space<vmem_shared>>
    tpu.enqueue_indirect_dma source(%dma_start3A_35 : memref<10000x16xf32, #tpu.memory_space<vmem_shared>>) target(%arg11 : memref<125x16xf32, #tpu.memory_space<vmem>>) offsets(%dma_start3A_32 : memref<125xi32, #tpu.memory_space<vmem>>) semaphore(%arg21 : memref<!tpu.dma_semaphore, #tpu.memory_space<semaphore_mem>>)
    %scan3A_36 = arith.constant 0 : i32
    %scan3A_37 = arith.constant 40 : i32
    %scan3A_38 = arith.addi %scan3A_36, %scan3A_37 : i32
    %scan3A_39 = arith.constant 1 : i32
    scf.for %scan3A_55 = %scan3A_36 to %scan3A_38 step %scan3A_39  : i32 {
      %mul3A_56 = arith.constant 2 : i32
      %mul3A_57 = arith.muli %mul3A_56, %scan3A_55 : i32
      %add3A_58 = arith.constant 0 : i32
      %add3A_59 = arith.addi %mul3A_57, %add3A_58 : i32
      %add3A_60 = arith.constant 1 : i32
      %add3A_61 = arith.addi %add3A_59, %add3A_60 : i32
      %dma_start3A_62 = arith.constant 0 : i32
      %dma_start3A_63 = tpu.memref_slice %arg7[%add3A_61, %dma_start3A_62] : memref<80x125xi32, #tpu.memory_space<vmem>> -> memref<1x125xi32, #tpu.memory_space<vmem>>
      %dma_start3A_64 = tpu.memref_squeeze %dma_start3A_63 : memref<1x125xi32, #tpu.memory_space<vmem>> -> memref<125xi32, #tpu.memory_space<vmem>>
      %dma_start3A_65 = arith.constant 0 : i32
      %dma_start3A_66 = arith.constant 0 : i32
      %dma_start3A_67 = tpu.memref_slice %arg17[%dma_start3A_65, %dma_start3A_66] : memref<10000x16xf32, #tpu.memory_space<vmem_shared>> -> memref<10000x16xf32, #tpu.memory_space<vmem_shared>>
      tpu.enqueue_indirect_dma source(%dma_start3A_67 : memref<10000x16xf32, #tpu.memory_space<vmem_shared>>) target(%arg10 : memref<125x16xf32, #tpu.memory_space<vmem>>) offsets(%dma_start3A_64 : memref<125xi32, #tpu.memory_space<vmem>>) semaphore(%arg20 : memref<!tpu.dma_semaphore, #tpu.memory_space<semaphore_mem>>)
      %add3A_68 = arith.constant 1 : i32
      %add3A_69 = arith.addi %add3A_59, %add3A_68 : i32
      %dma_start3A_70 = arith.constant 0 : i32
      %dma_start3A_71 = tpu.memref_slice %arg8[%add3A_69, %dma_start3A_70] : memref<80x125xi32, #tpu.memory_space<vmem>> -> memref<1x125xi32, #tpu.memory_space<vmem>>
      %dma_start3A_72 = tpu.memref_squeeze %dma_start3A_71 : memref<1x125xi32, #tpu.memory_space<vmem>> -> memref<125xi32, #tpu.memory_space<vmem>>
      %dma_start3A_73 = arith.constant 0 : i32
      %dma_start3A_74 = arith.constant 0 : i32
      %dma_start3A_75 = tpu.memref_slice %arg18[%dma_start3A_73, %dma_start3A_74] : memref<10000x16xf32, #tpu.memory_space<vmem_shared>> -> memref<10000x16xf32, #tpu.memory_space<vmem_shared>>
      tpu.enqueue_indirect_dma source(%dma_start3A_75 : memref<10000x16xf32, #tpu.memory_space<vmem_shared>>) target(%arg12 : memref<125x16xf32, #tpu.memory_space<vmem>>) offsets(%dma_start3A_72 : memref<125xi32, #tpu.memory_space<vmem>>) semaphore(%arg22 : memref<!tpu.dma_semaphore, #tpu.memory_space<semaphore_mem>>)
      %dma_wait3A_76 = arith.constant 0 : i32
      %dma_wait3A_77 = tpu.memref_slice %arg7[%add3A_59, %dma_wait3A_76] : memref<80x125xi32, #tpu.memory_space<vmem>> -> memref<1x125xi32, #tpu.memory_space<vmem>>
      %dma_wait3A_78 = tpu.memref_squeeze %dma_wait3A_77 : memref<1x125xi32, #tpu.memory_space<vmem>> -> memref<125xi32, #tpu.memory_space<vmem>>
      %dma_wait3A_79 = arith.constant 0 : i32
      %dma_wait3A_80 = arith.constant 0 : i32
      %dma_wait3A_81 = tpu.memref_slice %arg17[%dma_wait3A_79, %dma_wait3A_80] : memref<10000x16xf32, #tpu.memory_space<vmem_shared>> -> memref<10000x16xf32, #tpu.memory_space<vmem_shared>>
      tpu.wait_indirect_dma semaphore(%arg19 : memref<!tpu.dma_semaphore, #tpu.memory_space<semaphore_mem>>) src(%dma_wait3A_81 : memref<10000x16xf32, #tpu.memory_space<vmem_shared>>) dst(%arg9 : memref<125x16xf32, #tpu.memory_space<vmem>>)
      %dma_wait3A_82 = arith.constant 0 : i32
      %dma_wait3A_83 = tpu.memref_slice %arg8[%add3A_59, %dma_wait3A_82] : memref<80x125xi32, #tpu.memory_space<vmem>> -> memref<1x125xi32, #tpu.memory_space<vmem>>
      %dma_wait3A_84 = tpu.memref_squeeze %dma_wait3A_83 : memref<1x125xi32, #tpu.memory_space<vmem>> -> memref<125xi32, #tpu.memory_space<vmem>>
      %dma_wait3A_85 = arith.constant 0 : i32
      %dma_wait3A_86 = arith.constant 0 : i32
      %dma_wait3A_87 = tpu.memref_slice %arg18[%dma_wait3A_85, %dma_wait3A_86] : memref<10000x16xf32, #tpu.memory_space<vmem_shared>> -> memref<10000x16xf32, #tpu.memory_space<vmem_shared>>
      tpu.wait_indirect_dma semaphore(%arg21 : memref<!tpu.dma_semaphore, #tpu.memory_space<semaphore_mem>>) src(%dma_wait3A_87 : memref<10000x16xf32, #tpu.memory_space<vmem_shared>>) dst(%arg11 : memref<125x16xf32, #tpu.memory_space<vmem>>)
      %gt3A = arith.constant 0 : i32
      %gt3A_88 = arith.cmpi sgt, %mul3A_57, %gt3A : i32
      %convert_element_type3A = arith.extui %gt3A_88 : i1 to i32
      %cond3A = arith.constant 0 : i32
      %cond3A_89 = arith.cmpi ne, %convert_element_type3A, %cond3A : i32
      scf.if %cond3A_89 {
        %dma_wait3A_132 = arith.constant 0 : i32
        %dma_wait3A_133 = tpu.memref_slice %arg8[%add3A_59, %dma_wait3A_132] : memref<80x125xi32, #tpu.memory_space<vmem>> -> memref<1x125xi32, #tpu.memory_space<vmem>>
        %dma_wait3A_134 = tpu.memref_squeeze %dma_wait3A_133 : memref<1x125xi32, #tpu.memory_space<vmem>> -> memref<125xi32, #tpu.memory_space<vmem>>
        %dma_wait3A_135 = arith.constant 0 : i32
        %dma_wait3A_136 = arith.constant 0 : i32
        %dma_wait3A_137 = tpu.memref_slice %arg16[%dma_wait3A_135, %dma_wait3A_136] : memref<10000x16xf32, #tpu.memory_space<vmem_shared>> -> memref<10000x16xf32, #tpu.memory_space<vmem_shared>>
        tpu.wait_indirect_dma semaphore(%arg23 : memref<!tpu.dma_semaphore, #tpu.memory_space<semaphore_mem>>) src(%arg13 : memref<125x16xf32, #tpu.memory_space<vmem>>) dst(%dma_wait3A_137 : memref<10000x16xf32, #tpu.memory_space<vmem_shared>>)
      } else {
      }
      %parallel_loop3A = arith.constant 0 : i32
      %parallel_loop3A_90 = arith.constant 125 : i32
      %parallel_loop3A_91 = arith.constant 1 : i32
      scf.for %parallel_loop3A_132 = %parallel_loop3A to %parallel_loop3A_90 step %parallel_loop3A_91  : i32 {
        %parallel_loop3A_133 = arith.index_cast %parallel_loop3A_132 : i32 to index
        %parallel_loop3A_134 = arith.constant 0 : index
        %parallel_loop3A_135 = tpu.vector_load %arg9[%parallel_loop3A_133, %parallel_loop3A_134] {strides = array<i32>} : memref<125x16xf32, #tpu.memory_space<vmem>>, vector<16xf32>,
        %parallel_loop3A_136 = arith.index_cast %parallel_loop3A_132 : i32 to index
        %parallel_loop3A_137 = arith.constant 0 : index
        %parallel_loop3A_138 = tpu.vector_load %arg11[%parallel_loop3A_136, %parallel_loop3A_137] {strides = array<i32>} : memref<125x16xf32, #tpu.memory_space<vmem>>, vector<16xf32>,
        %parallel_loop3A_139 = arith.addf %parallel_loop3A_135, %parallel_loop3A_138 : vector<16xf32>
        %parallel_loop3A_140 = arith.constant 0 : i32
        %parallel_loop3A_141 = vector.broadcast %parallel_loop3A_140 : i32 to vector<16xi32>
        %parallel_loop3A_142 = arith.cmpi slt, %broadcast_in_dim3A_5, %parallel_loop3A_141 : vector<16xi32>
        %parallel_loop3A_143 = arith.constant 16 : i32
        %parallel_loop3A_144 = vector.broadcast %parallel_loop3A_143 : i32 to vector<16xi32>
        %parallel_loop3A_145 = arith.addi %broadcast_in_dim3A_5, %parallel_loop3A_144 : vector<16xi32>
        %parallel_loop3A_146 = arith.select %parallel_loop3A_142, %parallel_loop3A_145, %broadcast_in_dim3A_5 : vector<16xi1>, vector<16xi32>
        %parallel_loop3A_147 = vector.shape_cast %parallel_loop3A_146 : vector<16xi32> to vector<16x1xi32>
        %parallel_loop3A_148 = vector.shape_cast %parallel_loop3A_147 : vector<16x1xi32> to vector<16xi32>
        %parallel_loop3A_149 = tpu.dynamic_gather %parallel_loop3A_139[%parallel_loop3A_148] in [0] : vector<16xf32>, vector<16xi32> -> vector<16xf32>
        %parallel_loop3A_150 = arith.constant 2.000000e-01 : f32
        %parallel_loop3A_151 = vector.broadcast %parallel_loop3A_150 : f32 to vector<16xf32>
        %parallel_loop3A_152 = arith.mulf %parallel_loop3A_151, %parallel_loop3A_149 : vector<16xf32>
        %parallel_loop3A_153 = arith.maximumf %parallel_loop3A_149, %parallel_loop3A_152 : vector<16xf32>
        %parallel_loop3A_154 = math.exp %parallel_loop3A_153 : vector<16xf32>
        %parallel_loop3A_155 = arith.constant 8 : i32
        %parallel_loop3A_156 = vector.broadcast %parallel_loop3A_155 : i32 to vector<16xi32>
        %parallel_loop3A_157 = arith.cmpi slt, %iota3A, %parallel_loop3A_156 : vector<16xi32>
        %parallel_loop3A_158 = arith.select %parallel_loop3A_157, %parallel_loop3A_135, %select_n3A : vector<16xi1>, vector<16xf32>
        %parallel_loop3A_159 = arith.mulf %parallel_loop3A_154, %parallel_loop3A_158 : vector<16xf32>
        %parallel_loop3A_160 = arith.index_cast %parallel_loop3A_132 : i32 to index
        %parallel_loop3A_161 = arith.constant 0 : index
        %parallel_loop3A_162 = tpu.vector_load %arg13[%parallel_loop3A_160, %parallel_loop3A_161] {strides = array<i32>} : memref<125x16xf32, #tpu.memory_space<vmem>>, vector<16xf32>,
        tpu.vector_store %arg13[%parallel_loop3A_160, %parallel_loop3A_161], %parallel_loop3A_159 {strides = array<i32>} : memref<125x16xf32, #tpu.memory_space<vmem>>, vector<16xf32>,
      } {sc.loop_unroll_factor = 5 : i64, sc.parallel_access}
      %dma_start3A_92 = arith.constant 0 : i32
      %dma_start3A_93 = tpu.memref_slice %arg8[%add3A_59, %dma_start3A_92] : memref<80x125xi32, #tpu.memory_space<vmem>> -> memref<1x125xi32, #tpu.memory_space<vmem>>
      %dma_start3A_94 = tpu.memref_squeeze %dma_start3A_93 : memref<1x125xi32, #tpu.memory_space<vmem>> -> memref<125xi32, #tpu.memory_space<vmem>>
      %dma_start3A_95 = arith.constant 0 : i32
      %dma_start3A_96 = arith.constant 0 : i32
      %dma_start3A_97 = tpu.memref_slice %arg16[%dma_start3A_95, %dma_start3A_96] : memref<10000x16xf32, #tpu.memory_space<vmem_shared>> -> memref<10000x16xf32, #tpu.memory_space<vmem_shared>>
      tpu.enqueue_indirect_dma source(%arg13 : memref<125x16xf32, #tpu.memory_space<vmem>>) target(%dma_start3A_97 : memref<10000x16xf32, #tpu.memory_space<vmem_shared>>) offsets(%dma_start3A_94 : memref<125xi32, #tpu.memory_space<vmem>>) semaphore(%arg23 : memref<!tpu.dma_semaphore, #tpu.memory_space<semaphore_mem>>) {add = true}
      %add3A_98 = arith.constant 1 : i32
      %add3A_99 = arith.addi %mul3A_57, %add3A_98 : i32
      %add3A_100 = arith.constant 1 : i32
      %add3A_101 = arith.addi %add3A_99, %add3A_100 : i32
      %lt3A = arith.constant 80 : i32
      %lt3A_102 = arith.cmpi slt, %add3A_101, %lt3A : i32
      %convert_element_type3A_103 = arith.extui %lt3A_102 : i1 to i32
      %cond3A_104 = arith.constant 0 : i32
      %cond3A_105 = arith.cmpi ne, %convert_element_type3A_103, %cond3A_104 : i32
      scf.if %cond3A_105 {
        %add3A_132 = arith.constant 1 : i32
        %add3A_133 = arith.addi %add3A_99, %add3A_132 : i32
        %dma_start3A_134 = arith.constant 0 : i32
        %dma_start3A_135 = tpu.memref_slice %arg7[%add3A_133, %dma_start3A_134] : memref<80x125xi32, #tpu.memory_space<vmem>> -> memref<1x125xi32, #tpu.memory_space<vmem>>
        %dma_start3A_136 = tpu.memref_squeeze %dma_start3A_135 : memref<1x125xi32, #tpu.memory_space<vmem>> -> memref<125xi32, #tpu.memory_space<vmem>>
        %dma_start3A_137 = arith.constant 0 : i32
        %dma_start3A_138 = arith.constant 0 : i32
        %dma_start3A_139 = tpu.memref_slice %arg17[%dma_start3A_137, %dma_start3A_138] : memref<10000x16xf32, #tpu.memory_space<vmem_shared>> -> memref<10000x16xf32, #tpu.memory_space<vmem_shared>>
        tpu.enqueue_indirect_dma source(%dma_start3A_139 : memref<10000x16xf32, #tpu.memory_space<vmem_shared>>) target(%arg9 : memref<125x16xf32, #tpu.memory_space<vmem>>) offsets(%dma_start3A_136 : memref<125xi32, #tpu.memory_space<vmem>>) semaphore(%arg19 : memref<!tpu.dma_semaphore, #tpu.memory_space<semaphore_mem>>)
        %add3A_140 = arith.constant 1 : i32
        %add3A_141 = arith.addi %add3A_99, %add3A_140 : i32
        %dma_start3A_142 = arith.constant 0 : i32
        %dma_start3A_143 = tpu.memref_slice %arg8[%add3A_141, %dma_start3A_142] : memref<80x125xi32, #tpu.memory_space<vmem>> -> memref<1x125xi32, #tpu.memory_space<vmem>>
        %dma_start3A_144 = tpu.memref_squeeze %dma_start3A_143 : memref<1x125xi32, #tpu.memory_space<vmem>> -> memref<125xi32, #tpu.memory_space<vmem>>
        %dma_start3A_145 = arith.constant 0 : i32
        %dma_start3A_146 = arith.constant 0 : i32
        %dma_start3A_147 = tpu.memref_slice %arg18[%dma_start3A_145, %dma_start3A_146] : memref<10000x16xf32, #tpu.memory_space<vmem_shared>> -> memref<10000x16xf32, #tpu.memory_space<vmem_shared>>
        tpu.enqueue_indirect_dma source(%dma_start3A_147 : memref<10000x16xf32, #tpu.memory_space<vmem_shared>>) target(%arg11 : memref<125x16xf32, #tpu.memory_space<vmem>>) offsets(%dma_start3A_144 : memref<125xi32, #tpu.memory_space<vmem>>) semaphore(%arg21 : memref<!tpu.dma_semaphore, #tpu.memory_space<semaphore_mem>>)
      } else {
      }
      %dma_wait3A_106 = arith.constant 0 : i32
      %dma_wait3A_107 = tpu.memref_slice %arg7[%add3A_99, %dma_wait3A_106] : memref<80x125xi32, #tpu.memory_space<vmem>> -> memref<1x125xi32, #tpu.memory_space<vmem>>
      %dma_wait3A_108 = tpu.memref_squeeze %dma_wait3A_107 : memref<1x125xi32, #tpu.memory_space<vmem>> -> memref<125xi32, #tpu.memory_space<vmem>>
      %dma_wait3A_109 = arith.constant 0 : i32
      %dma_wait3A_110 = arith.constant 0 : i32
      %dma_wait3A_111 = tpu.memref_slice %arg17[%dma_wait3A_109, %dma_wait3A_110] : memref<10000x16xf32, #tpu.memory_space<vmem_shared>> -> memref<10000x16xf32, #tpu.memory_space<vmem_shared>>
      tpu.wait_indirect_dma semaphore(%arg20 : memref<!tpu.dma_semaphore, #tpu.memory_space<semaphore_mem>>) src(%dma_wait3A_111 : memref<10000x16xf32, #tpu.memory_space<vmem_shared>>) dst(%arg10 : memref<125x16xf32, #tpu.memory_space<vmem>>)
      %dma_wait3A_112 = arith.constant 0 : i32
      %dma_wait3A_113 = tpu.memref_slice %arg8[%add3A_99, %dma_wait3A_112] : memref<80x125xi32, #tpu.memory_space<vmem>> -> memref<1x125xi32, #tpu.memory_space<vmem>>
      %dma_wait3A_114 = tpu.memref_squeeze %dma_wait3A_113 : memref<1x125xi32, #tpu.memory_space<vmem>> -> memref<125xi32, #tpu.memory_space<vmem>>
      %dma_wait3A_115 = arith.constant 0 : i32
      %dma_wait3A_116 = arith.constant 0 : i32
      %dma_wait3A_117 = tpu.memref_slice %arg18[%dma_wait3A_115, %dma_wait3A_116] : memref<10000x16xf32, #tpu.memory_space<vmem_shared>> -> memref<10000x16xf32, #tpu.memory_space<vmem_shared>>
      tpu.wait_indirect_dma semaphore(%arg22 : memref<!tpu.dma_semaphore, #tpu.memory_space<semaphore_mem>>) src(%dma_wait3A_117 : memref<10000x16xf32, #tpu.memory_space<vmem_shared>>) dst(%arg12 : memref<125x16xf32, #tpu.memory_space<vmem>>)
      %gt3A_118 = arith.constant 0 : i32
      %gt3A_119 = arith.cmpi sgt, %mul3A_57, %gt3A_118 : i32
      %convert_element_type3A_120 = arith.extui %gt3A_119 : i1 to i32
      %cond3A_121 = arith.constant 0 : i32
      %cond3A_122 = arith.cmpi ne, %convert_element_type3A_120, %cond3A_121 : i32
      scf.if %cond3A_122 {
        %dma_wait3A_132 = arith.constant 0 : i32
        %dma_wait3A_133 = tpu.memref_slice %arg8[%add3A_99, %dma_wait3A_132] : memref<80x125xi32, #tpu.memory_space<vmem>> -> memref<1x125xi32, #tpu.memory_space<vmem>>
        %dma_wait3A_134 = tpu.memref_squeeze %dma_wait3A_133 : memref<1x125xi32, #tpu.memory_space<vmem>> -> memref<125xi32, #tpu.memory_space<vmem>>
        %dma_wait3A_135 = arith.constant 0 : i32
        %dma_wait3A_136 = arith.constant 0 : i32
        %dma_wait3A_137 = tpu.memref_slice %arg16[%dma_wait3A_135, %dma_wait3A_136] : memref<10000x16xf32, #tpu.memory_space<vmem_shared>> -> memref<10000x16xf32, #tpu.memory_space<vmem_shared>>
        tpu.wait_indirect_dma semaphore(%arg24 : memref<!tpu.dma_semaphore, #tpu.memory_space<semaphore_mem>>) src(%arg14 : memref<125x16xf32, #tpu.memory_space<vmem>>) dst(%dma_wait3A_137 : memref<10000x16xf32, #tpu.memory_space<vmem_shared>>)
      } else {
      }
      %parallel_loop3A_123 = arith.constant 0 : i32
      %parallel_loop3A_124 = arith.constant 125 : i32
      %parallel_loop3A_125 = arith.constant 1 : i32
      scf.for %parallel_loop3A_132 = %parallel_loop3A_123 to %parallel_loop3A_124 step %parallel_loop3A_125  : i32 {
        %parallel_loop3A_133 = arith.index_cast %parallel_loop3A_132 : i32 to index
        %parallel_loop3A_134 = arith.constant 0 : index
        %parallel_loop3A_135 = tpu.vector_load %arg10[%parallel_loop3A_133, %parallel_loop3A_134] {strides = array<i32>} : memref<125x16xf32, #tpu.memory_space<vmem>>, vector<16xf32>,
        %parallel_loop3A_136 = arith.index_cast %parallel_loop3A_132 : i32 to index
        %parallel_loop3A_137 = arith.constant 0 : index
        %parallel_loop3A_138 = tpu.vector_load %arg12[%parallel_loop3A_136, %parallel_loop3A_137] {strides = array<i32>} : memref<125x16xf32, #tpu.memory_space<vmem>>, vector<16xf32>,
        %parallel_loop3A_139 = arith.addf %parallel_loop3A_135, %parallel_loop3A_138 : vector<16xf32>
        %parallel_loop3A_140 = arith.constant 0 : i32
        %parallel_loop3A_141 = vector.broadcast %parallel_loop3A_140 : i32 to vector<16xi32>
        %parallel_loop3A_142 = arith.cmpi slt, %broadcast_in_dim3A_5, %parallel_loop3A_141 : vector<16xi32>
        %parallel_loop3A_143 = arith.constant 16 : i32
        %parallel_loop3A_144 = vector.broadcast %parallel_loop3A_143 : i32 to vector<16xi32>
        %parallel_loop3A_145 = arith.addi %broadcast_in_dim3A_5, %parallel_loop3A_144 : vector<16xi32>
        %parallel_loop3A_146 = arith.select %parallel_loop3A_142, %parallel_loop3A_145, %broadcast_in_dim3A_5 : vector<16xi1>, vector<16xi32>
        %parallel_loop3A_147 = vector.shape_cast %parallel_loop3A_146 : vector<16xi32> to vector<16x1xi32>
        %parallel_loop3A_148 = vector.shape_cast %parallel_loop3A_147 : vector<16x1xi32> to vector<16xi32>
        %parallel_loop3A_149 = tpu.dynamic_gather %parallel_loop3A_139[%parallel_loop3A_148] in [0] : vector<16xf32>, vector<16xi32> -> vector<16xf32>
        %parallel_loop3A_150 = arith.constant 2.000000e-01 : f32
        %parallel_loop3A_151 = vector.broadcast %parallel_loop3A_150 : f32 to vector<16xf32>
        %parallel_loop3A_152 = arith.mulf %parallel_loop3A_151, %parallel_loop3A_149 : vector<16xf32>
        %parallel_loop3A_153 = arith.maximumf %parallel_loop3A_149, %parallel_loop3A_152 : vector<16xf32>
        %parallel_loop3A_154 = math.exp %parallel_loop3A_153 : vector<16xf32>
        %parallel_loop3A_155 = arith.constant 8 : i32
        %parallel_loop3A_156 = vector.broadcast %parallel_loop3A_155 : i32 to vector<16xi32>
        %parallel_loop3A_157 = arith.cmpi slt, %iota3A, %parallel_loop3A_156 : vector<16xi32>
        %parallel_loop3A_158 = arith.select %parallel_loop3A_157, %parallel_loop3A_135, %select_n3A : vector<16xi1>, vector<16xf32>
        %parallel_loop3A_159 = arith.mulf %parallel_loop3A_154, %parallel_loop3A_158 : vector<16xf32>
        %parallel_loop3A_160 = arith.index_cast %parallel_loop3A_132 : i32 to index
        %parallel_loop3A_161 = arith.constant 0 : index
        %parallel_loop3A_162 = tpu.vector_load %arg14[%parallel_loop3A_160, %parallel_loop3A_161] {strides = array<i32>} : memref<125x16xf32, #tpu.memory_space<vmem>>, vector<16xf32>,
        tpu.vector_store %arg14[%parallel_loop3A_160, %parallel_loop3A_161], %parallel_loop3A_159 {strides = array<i32>} : memref<125x16xf32, #tpu.memory_space<vmem>>, vector<16xf32>,
      } {sc.loop_unroll_factor = 5 : i64, sc.parallel_access}
      %dma_start3A_126 = arith.constant 0 : i32
      %dma_start3A_127 = tpu.memref_slice %arg8[%add3A_99, %dma_start3A_126] : memref<80x125xi32, #tpu.memory_space<vmem>> -> memref<1x125xi32, #tpu.memory_space<vmem>>
      %dma_start3A_128 = tpu.memref_squeeze %dma_start3A_127 : memref<1x125xi32, #tpu.memory_space<vmem>> -> memref<125xi32, #tpu.memory_space<vmem>>
      %dma_start3A_129 = arith.constant 0 : i32
      %dma_start3A_130 = arith.constant 0 : i32
      %dma_start3A_131 = tpu.memref_slice %arg16[%dma_start3A_129, %dma_start3A_130] : memref<10000x16xf32, #tpu.memory_space<vmem_shared>> -> memref<10000x16xf32, #tpu.memory_space<vmem_shared>>
      tpu.enqueue_indirect_dma source(%arg14 : memref<125x16xf32, #tpu.memory_space<vmem>>) target(%dma_start3A_131 : memref<10000x16xf32, #tpu.memory_space<vmem_shared>>) offsets(%dma_start3A_128 : memref<125xi32, #tpu.memory_space<vmem>>) semaphore(%arg24 : memref<!tpu.dma_semaphore, #tpu.memory_space<semaphore_mem>>) {add = true}
    }
    %scan3A_40 = arith.constant 40 : i32
    %dma_wait3A = arith.constant 0 : i32
    %dma_wait3A_41 = arith.constant 0 : i32
    %dma_wait3A_42 = tpu.memref_slice %arg8[%dma_wait3A, %dma_wait3A_41] : memref<80x125xi32, #tpu.memory_space<vmem>> -> memref<1x125xi32, #tpu.memory_space<vmem>>
    %dma_wait3A_43 = tpu.memref_squeeze %dma_wait3A_42 : memref<1x125xi32, #tpu.memory_space<vmem>> -> memref<125xi32, #tpu.memory_space<vmem>>
    %dma_wait3A_44 = arith.constant 0 : i32
    %dma_wait3A_45 = arith.constant 0 : i32
    %dma_wait3A_46 = tpu.memref_slice %arg16[%dma_wait3A_44, %dma_wait3A_45] : memref<10000x16xf32, #tpu.memory_space<vmem_shared>> -> memref<10000x16xf32, #tpu.memory_space<vmem_shared>>
    tpu.wait_indirect_dma semaphore(%arg23 : memref<!tpu.dma_semaphore, #tpu.memory_space<semaphore_mem>>) src(%arg13 : memref<125x16xf32, #tpu.memory_space<vmem>>) dst(%dma_wait3A_46 : memref<10000x16xf32, #tpu.memory_space<vmem_shared>>)
    %dma_wait3A_47 = arith.constant 0 : i32
    %dma_wait3A_48 = arith.constant 0 : i32
    %dma_wait3A_49 = tpu.memref_slice %arg8[%dma_wait3A_47, %dma_wait3A_48] : memref<80x125xi32, #tpu.memory_space<vmem>> -> memref<1x125xi32, #tpu.memory_space<vmem>>
    %dma_wait3A_50 = tpu.memref_squeeze %dma_wait3A_49 : memref<1x125xi32, #tpu.memory_space<vmem>> -> memref<125xi32, #tpu.memory_space<vmem>>
    %dma_wait3A_51 = arith.constant 0 : i32
    %dma_wait3A_52 = arith.constant 0 : i32
    %dma_wait3A_53 = tpu.memref_slice %arg16[%dma_wait3A_51, %dma_wait3A_52] : memref<10000x16xf32, #tpu.memory_space<vmem_shared>> -> memref<10000x16xf32, #tpu.memory_space<vmem_shared>>
    tpu.wait_indirect_dma semaphore(%arg24 : memref<!tpu.dma_semaphore, #tpu.memory_space<semaphore_mem>>) src(%arg14 : memref<125x16xf32, #tpu.memory_space<vmem>>) dst(%dma_wait3A_53 : memref<10000x16xf32, #tpu.memory_space<vmem_shared>>)
    %barrier3A_54 = arith.constant 0 : index
    tpu.barrier barrier_id(%barrier3A_54)
    "tpu.region"() ({
      %run_scoped3A = tpu.sem_alloc : memref<!tpu.dma_semaphore, #tpu.memory_space<semaphore_mem>>
      %dma_start3A_55 = arith.constant 0 : i32
      %dma_start3A_56 = tpu.memref_slice %arg6[%arg0, %mul3A_8, %dma_start3A_55] : memref<2x10000x16xf32, #tpu.memory_space<hbm>> -> memref<1x625x16xf32, #tpu.memory_space<hbm>>
      %dma_start3A_57 = tpu.memref_squeeze %dma_start3A_56 : memref<1x625x16xf32, #tpu.memory_space<hbm>> -> memref<625x16xf32, #tpu.memory_space<hbm>>
      %dma_start3A_58 = arith.constant 0 : i32
      %dma_start3A_59 = tpu.memref_slice %arg16[%mul3A_8, %dma_start3A_58] : memref<10000x16xf32, #tpu.memory_space<vmem_shared>> -> memref<625x16xf32, #tpu.memory_space<vmem_shared>>
      tpu.enqueue_dma source(%dma_start3A_59 : memref<625x16xf32, #tpu.memory_space<vmem_shared>>) target(%dma_start3A_57 : memref<625x16xf32, #tpu.memory_space<hbm>>) target_semaphore(%run_scoped3A : memref<!tpu.dma_semaphore, #tpu.memory_space<semaphore_mem>>)
      %dma_wait3A_60 = arith.constant 0 : i32
      %dma_wait3A_61 = tpu.memref_slice %arg6[%arg0, %mul3A_8, %dma_wait3A_60] : memref<2x10000x16xf32, #tpu.memory_space<hbm>> -> memref<1x625x16xf32, #tpu.memory_space<hbm>>
      %dma_wait3A_62 = tpu.memref_squeeze %dma_wait3A_61 : memref<1x625x16xf32, #tpu.memory_space<hbm>> -> memref<625x16xf32, #tpu.memory_space<hbm>>
      %dma_wait3A_63 = arith.constant 0 : i32
      %dma_wait3A_64 = tpu.memref_slice %arg16[%mul3A_8, %dma_wait3A_63] : memref<10000x16xf32, #tpu.memory_space<vmem_shared>> -> memref<625x16xf32, #tpu.memory_space<vmem_shared>>
      tpu.wait_dma2 semaphore(%run_scoped3A : memref<!tpu.dma_semaphore, #tpu.memory_space<semaphore_mem>>) src(%dma_wait3A_64 : memref<625x16xf32, #tpu.memory_space<vmem_shared>>) dst(%dma_wait3A_62 : memref<625x16xf32, #tpu.memory_space<hbm>>)
      tpu.yield
    }) : () -> ()
    return
  }
}

module attributes {stable_mosaic.version = 14 : i64} {
  func.func @_tc_pre_body(%arg0: i32, %arg1: memref<2000x128xf32, #tpu.memory_space<vmem>>, %arg2: memref<128x64xf32, #tpu.memory_space<vmem>>, %arg3: memref<64x8xf32, #tpu.memory_space<vmem>>, %arg4: memref<64x8xf32, #tpu.memory_space<vmem>>, %arg5: memref<2000x80xf32, #tpu.memory_space<vmem>>, %arg6: memref<2000x16xf32, #tpu.memory_space<vmem>>) attributes {dimension_semantics = [#tpu.dimension_semantics<arbitrary>], iteration_bounds = array<i64: 5>, scalar_prefetch = 0 : i64, scratch_operands = 0 : i64, tpu.core_type = #tpu.core_type<tc>, window_params = [{transform_indices = @transform_0, window_bounds = array<i64: 2000, 128>}, {pipeline_mode = #tpu.pipeline_mode<synchronous>, transform_indices = @transform_1, window_bounds = array<i64: 128, 64>}, {pipeline_mode = #tpu.pipeline_mode<synchronous>, transform_indices = @transform_2, window_bounds = array<i64: 64, 8>}, {pipeline_mode = #tpu.pipeline_mode<synchronous>, transform_indices = @transform_3, window_bounds = array<i64: 64, 8>}, {transform_indices = @transform_4, window_bounds = array<i64: 2000, 80>}, {transform_indices = @transform_5, window_bounds = array<i64: 2000, 16>}]} {
    %get3A = arith.constant 0 : index
    %get3A_0 = arith.constant 0 : index
    %get3A_1 = vector.load %arg1[%get3A, %get3A_0] : memref<2000x128xf32, #tpu.memory_space<vmem>>, vector<2000x128xf32>
    %get3A_2 = arith.constant 0 : index
    %get3A_3 = arith.constant 0 : index
    %get3A_4 = vector.load %arg2[%get3A_2, %get3A_3] : memref<128x64xf32, #tpu.memory_space<vmem>>, vector<128x64xf32>
    %dot_general3A = arith.constant dense<0.000000e+00> : vector<2000x64xf32>
    %dot_general3A_5 = tpu.matmul %get3A_1, %get3A_4, %dot_general3A {dimension_numbers = #tpu.dot_dimension_numbers<[1], [0], [0], [1], [0, 0, 1, 1], [], []>, transpose_lhs_hint = false} : vector<2000x128xf32>, vector<128x64xf32>, vector<2000x64xf32> -> vector<2000x64xf32>
    %get3A_6 = arith.constant 0 : index
    %get3A_7 = arith.constant 0 : index
    %get3A_8 = vector.load %arg3[%get3A_6, %get3A_7] : memref<64x8xf32, #tpu.memory_space<vmem>>, vector<64x8xf32>
    %dot_general3A_9 = arith.constant dense<0.000000e+00> : vector<2000x8xf32>
    %dot_general3A_10 = tpu.matmul %dot_general3A_5, %get3A_8, %dot_general3A_9 {dimension_numbers = #tpu.dot_dimension_numbers<[1], [0], [0], [1], [0, 0, 1, 1], [], []>, transpose_lhs_hint = false} : vector<2000x64xf32>, vector<64x8xf32>, vector<2000x8xf32> -> vector<2000x8xf32>
    %get3A_11 = arith.constant 0 : index
    %get3A_12 = arith.constant 0 : index
    %get3A_13 = vector.load %arg4[%get3A_11, %get3A_12] : memref<64x8xf32, #tpu.memory_space<vmem>>, vector<64x8xf32>
    %dot_general3A_14 = arith.constant dense<0.000000e+00> : vector<2000x8xf32>
    %dot_general3A_15 = tpu.matmul %dot_general3A_5, %get3A_13, %dot_general3A_14 {dimension_numbers = #tpu.dot_dimension_numbers<[1], [0], [0], [1], [0, 0, 1, 1], [], []>, transpose_lhs_hint = false} : vector<2000x64xf32>, vector<64x8xf32>, vector<2000x8xf32> -> vector<2000x8xf32>
    %concatenate3A = tpu.concatenate %dot_general3A_5, %dot_general3A_10, %dot_general3A_10 in 1 : vector<2000x64xf32>, vector<2000x8xf32>, vector<2000x8xf32> -> vector<2000x80xf32>
    %swap3A = arith.constant 0 : index
    %swap3A_16 = arith.constant 0 : index
    %swap3A_17 = vector.load %arg5[%swap3A, %swap3A_16] : memref<2000x80xf32, #tpu.memory_space<vmem>>, vector<2000x80xf32>
    tpu.vector_store %arg5[%swap3A, %swap3A_16], %concatenate3A {strides = array<i32>} : memref<2000x80xf32, #tpu.memory_space<vmem>>, vector<2000x80xf32>,
    %concatenate3A_18 = tpu.concatenate %dot_general3A_15, %dot_general3A_15 in 1 : vector<2000x8xf32>, vector<2000x8xf32> -> vector<2000x16xf32>
    %swap3A_19 = arith.constant 0 : index
    %swap3A_20 = arith.constant 0 : index
    %swap3A_21 = vector.load %arg6[%swap3A_19, %swap3A_20] : memref<2000x16xf32, #tpu.memory_space<vmem>>, vector<2000x16xf32>
    tpu.vector_store %arg6[%swap3A_19, %swap3A_20], %concatenate3A_18 {strides = array<i32>} : memref<2000x16xf32, #tpu.memory_space<vmem>>, vector<2000x16xf32>,
    return
  }
  func.func @transform_0(%arg0: i32) -> (i32, i32) {
    %c0_i32 = arith.constant 0 : i32
    %c0_i32_0 = arith.constant 0 : i32
    return %arg0, %c0_i32 : i32, i32
  }
  func.func @transform_1(%arg0: i32) -> (i32, i32) {
    %c0_i32 = arith.constant 0 : i32
    %c0_i32_0 = arith.constant 0 : i32
    %c0_i32_1 = arith.constant 0 : i32
    return %c0_i32, %c0_i32_0 : i32, i32
  }
  func.func @transform_2(%arg0: i32) -> (i32, i32) {
    %c0_i32 = arith.constant 0 : i32
    %c0_i32_0 = arith.constant 0 : i32
    %c0_i32_1 = arith.constant 0 : i32
    return %c0_i32, %c0_i32_0 : i32, i32
  }
  func.func @transform_3(%arg0: i32) -> (i32, i32) {
    %c0_i32 = arith.constant 0 : i32
    %c0_i32_0 = arith.constant 0 : i32
    %c0_i32_1 = arith.constant 0 : i32
    return %c0_i32, %c0_i32_0 : i32, i32
  }
  func.func @transform_4(%arg0: i32) -> (i32, i32) {
    %c0_i32 = arith.constant 0 : i32
    %c0_i32_0 = arith.constant 0 : i32
    return %arg0, %c0_i32 : i32, i32
  }
  func.func @transform_5(%arg0: i32) -> (i32, i32) {
    %c0_i32 = arith.constant 0 : i32
    %c0_i32_0 = arith.constant 0 : i32
    return %arg0, %c0_i32 : i32, i32
  }
}

module attributes {stable_mosaic.version = 14 : i64} {
  func.func @_tc_mid_body(%arg0: i32, %arg1: memref<2x2000x80xf32, #tpu.memory_space<vmem>>, %arg2: memref<8x64xf32, #tpu.memory_space<vmem>>, %arg3: memref<1x64xf32, #tpu.memory_space<vmem>>, %arg4: memref<64x8xf32, #tpu.memory_space<vmem>>, %arg5: memref<8x1xf32, #tpu.memory_space<vmem>>, %arg6: memref<8x1xf32, #tpu.memory_space<vmem>>, %arg7: memref<64x8xf32, #tpu.memory_space<vmem>>, %arg8: memref<2000x16xf32, #tpu.memory_space<vmem>>, %arg9: memref<2000x16xf32, #tpu.memory_space<vmem>>, %arg10: memref<2000x8xf32, #tpu.memory_space<vmem>>) attributes {dimension_semantics = [#tpu.dimension_semantics<arbitrary>], iteration_bounds = array<i64: 5>, scalar_prefetch = 0 : i64, scratch_operands = 0 : i64, tpu.core_type = #tpu.core_type<tc>, window_params = [{transform_indices = @transform_0, window_bounds = array<i64: 2, 2000, 80>}, {pipeline_mode = #tpu.pipeline_mode<synchronous>, transform_indices = @transform_1, window_bounds = array<i64: 8, 64>}, {pipeline_mode = #tpu.pipeline_mode<synchronous>, transform_indices = @transform_2, window_bounds = array<i64: 1, 64>}, {pipeline_mode = #tpu.pipeline_mode<synchronous>, transform_indices = @transform_3, window_bounds = array<i64: 64, 8>}, {pipeline_mode = #tpu.pipeline_mode<synchronous>, transform_indices = @transform_4, window_bounds = array<i64: 8, 1>}, {pipeline_mode = #tpu.pipeline_mode<synchronous>, transform_indices = @transform_5, window_bounds = array<i64: 8, 1>}, {pipeline_mode = #tpu.pipeline_mode<synchronous>, transform_indices = @transform_6, window_bounds = array<i64: 64, 8>}, {transform_indices = @transform_7, window_bounds = array<i64: 2000, 16>}, {transform_indices = @transform_8, window_bounds = array<i64: 2000, 16>}, {transform_indices = @transform_9, window_bounds = array<i64: 2000, 8>}]} {
    %get3A = arith.constant 0 : index
    %get3A_0 = arith.constant 0 : index
    %get3A_1 = arith.constant 0 : index
    %get3A_2 = vector.load %arg1[%get3A, %get3A_0, %get3A_1] : memref<2x2000x80xf32, #tpu.memory_space<vmem>>, vector<1x2000x80xf32>
    %get3A_3 = vector.shape_cast %get3A_2 : vector<1x2000x80xf32> to vector<2000x80xf32>
    %get3A_4 = arith.constant 1 : index
    %get3A_5 = arith.constant 0 : index
    %get3A_6 = arith.constant 0 : index
    %get3A_7 = vector.load %arg1[%get3A_4, %get3A_5, %get3A_6] : memref<2x2000x80xf32, #tpu.memory_space<vmem>>, vector<1x2000x80xf32>
    %get3A_8 = vector.shape_cast %get3A_7 : vector<1x2000x80xf32> to vector<2000x80xf32>
    %add3A = arith.addf %get3A_3, %get3A_8 : vector<2000x80xf32>
    %slice3A = vector.extract_strided_slice %add3A {offsets = [0, 0], sizes = [2000, 64], strides = [1, 1]} : vector<2000x80xf32> to vector<2000x64xf32>
    %slice3A_9 = vector.extract_strided_slice %add3A {offsets = [0, 64], sizes = [2000, 8], strides = [1, 1]} : vector<2000x80xf32> to vector<2000x8xf32>
    %get3A_10 = arith.constant 0 : index
    %get3A_11 = arith.constant 0 : index
    %get3A_12 = vector.load %arg2[%get3A_10, %get3A_11] : memref<8x64xf32, #tpu.memory_space<vmem>>, vector<8x64xf32>
    %dot_general3A = arith.constant dense<0.000000e+00> : vector<2000x64xf32>
    %dot_general3A_13 = tpu.matmul %slice3A_9, %get3A_12, %dot_general3A {dimension_numbers = #tpu.dot_dimension_numbers<[1], [0], [0], [1], [0, 0, 1, 1], [], []>, transpose_lhs_hint = false} : vector<2000x8xf32>, vector<8x64xf32>, vector<2000x64xf32> -> vector<2000x64xf32>
    %max3A = arith.constant 9.99999971E-10 : f32
    %max3A_14 = vector.broadcast %max3A : f32 to vector<2000x64xf32>
    %max3A_15 = arith.maximumf %dot_general3A_13, %max3A_14 : vector<2000x64xf32>
    %div3A = arith.divf %slice3A, %max3A_15 : vector<2000x64xf32>
    %get3A_16 = arith.constant 0 : index
    %get3A_17 = arith.constant 0 : index
    %get3A_18 = vector.load %arg3[%get3A_16, %get3A_17] : memref<1x64xf32, #tpu.memory_space<vmem>>, vector<1x64xf32>
    %add3A_19 = vector.broadcast %get3A_18 : vector<1x64xf32> to vector<2000x64xf32>
    %add3A_20 = arith.addf %div3A, %add3A_19 : vector<2000x64xf32>
    %gt3A = arith.constant 0.000000e+00 : f32
    %gt3A_21 = vector.broadcast %gt3A : f32 to vector<2000x64xf32>
    %gt3A_22 = arith.cmpf ogt, %add3A_20, %gt3A_21 : vector<2000x64xf32>
    %min3A = arith.constant 0.000000e+00 : f32
    %min3A_23 = vector.broadcast %min3A : f32 to vector<2000x64xf32>
    %min3A_24 = arith.minimumf %add3A_20, %min3A_23 : vector<2000x64xf32>
    %exp3A = math.exp %min3A_24 : vector<2000x64xf32>
    %sub3A = arith.constant 1.000000e+00 : f32
    %sub3A_25 = vector.broadcast %sub3A : f32 to vector<2000x64xf32>
    %sub3A_26 = arith.subf %exp3A, %sub3A_25 : vector<2000x64xf32>
    %select_n3A = arith.select %gt3A_22, %add3A_20, %sub3A_26 : vector<2000x64xi1>, vector<2000x64xf32>
    %get3A_27 = arith.constant 0 : index
    %get3A_28 = arith.constant 0 : index
    %get3A_29 = vector.load %arg4[%get3A_27, %get3A_28] : memref<64x8xf32, #tpu.memory_space<vmem>>, vector<64x8xf32>
    %dot_general3A_30 = arith.constant dense<0.000000e+00> : vector<2000x8xf32>
    %dot_general3A_31 = tpu.matmul %select_n3A, %get3A_29, %dot_general3A_30 {dimension_numbers = #tpu.dot_dimension_numbers<[1], [0], [0], [1], [0, 0, 1, 1], [], []>, transpose_lhs_hint = false} : vector<2000x64xf32>, vector<64x8xf32>, vector<2000x8xf32> -> vector<2000x8xf32>
    %get3A_32 = arith.constant 0 : index
    %get3A_33 = arith.constant 0 : index
    %get3A_34 = vector.load %arg5[%get3A_32, %get3A_33] : memref<8x1xf32, #tpu.memory_space<vmem>>, vector<8x1xf32>
    %dot_general3A_35 = arith.constant dense<0.000000e+00> : vector<2000x1xf32>
    %dot_general3A_36 = tpu.matmul %dot_general3A_31, %get3A_34, %dot_general3A_35 {dimension_numbers = #tpu.dot_dimension_numbers<[1], [0], [0], [1], [0, 0, 1, 1], [], []>, transpose_lhs_hint = false} : vector<2000x8xf32>, vector<8x1xf32>, vector<2000x1xf32> -> vector<2000x1xf32>
    %get3A_37 = arith.constant 0 : index
    %get3A_38 = arith.constant 0 : index
    %get3A_39 = vector.load %arg6[%get3A_37, %get3A_38] : memref<8x1xf32, #tpu.memory_space<vmem>>, vector<8x1xf32>
    %dot_general3A_40 = arith.constant dense<0.000000e+00> : vector<2000x1xf32>
    %dot_general3A_41 = tpu.matmul %dot_general3A_31, %get3A_39, %dot_general3A_40 {dimension_numbers = #tpu.dot_dimension_numbers<[1], [0], [0], [1], [0, 0, 1, 1], [], []>, transpose_lhs_hint = false} : vector<2000x8xf32>, vector<8x1xf32>, vector<2000x1xf32> -> vector<2000x1xf32>
    %get3A_42 = arith.constant 0 : index
    %get3A_43 = arith.constant 0 : index
    %get3A_44 = vector.load %arg7[%get3A_42, %get3A_43] : memref<64x8xf32, #tpu.memory_space<vmem>>, vector<64x8xf32>
    %dot_general3A_45 = arith.constant dense<0.000000e+00> : vector<2000x8xf32>
    %dot_general3A_46 = tpu.matmul %select_n3A, %get3A_44, %dot_general3A_45 {dimension_numbers = #tpu.dot_dimension_numbers<[1], [0], [0], [1], [0, 0, 1, 1], [], []>, transpose_lhs_hint = false} : vector<2000x64xf32>, vector<64x8xf32>, vector<2000x8xf32> -> vector<2000x8xf32>
    %broadcast_in_dim3A = vector.shape_cast %dot_general3A_36 : vector<2000x1xf32> to vector<2000x1xf32>
    %broadcast_in_dim3A_47 = vector.broadcast %broadcast_in_dim3A : vector<2000x1xf32> to vector<2000x8xf32>
    %concatenate3A = tpu.concatenate %dot_general3A_31, %broadcast_in_dim3A_47 in 1 : vector<2000x8xf32>, vector<2000x8xf32> -> vector<2000x16xf32>
    %swap3A = arith.constant 0 : index
    %swap3A_48 = arith.constant 0 : index
    %swap3A_49 = vector.load %arg8[%swap3A, %swap3A_48] : memref<2000x16xf32, #tpu.memory_space<vmem>>, vector<2000x16xf32>
    tpu.vector_store %arg8[%swap3A, %swap3A_48], %concatenate3A {strides = array<i32>} : memref<2000x16xf32, #tpu.memory_space<vmem>>, vector<2000x16xf32>,
    %broadcast_in_dim3A_50 = vector.shape_cast %dot_general3A_41 : vector<2000x1xf32> to vector<2000x1xf32>
    %broadcast_in_dim3A_51 = vector.broadcast %broadcast_in_dim3A_50 : vector<2000x1xf32> to vector<2000x16xf32>
    %swap3A_52 = arith.constant 0 : index
    %swap3A_53 = arith.constant 0 : index
    %swap3A_54 = vector.load %arg9[%swap3A_52, %swap3A_53] : memref<2000x16xf32, #tpu.memory_space<vmem>>, vector<2000x16xf32>
    tpu.vector_store %arg9[%swap3A_52, %swap3A_53], %broadcast_in_dim3A_51 {strides = array<i32>} : memref<2000x16xf32, #tpu.memory_space<vmem>>, vector<2000x16xf32>,
    %swap3A_55 = arith.constant 0 : index
    %swap3A_56 = arith.constant 0 : index
    %swap3A_57 = vector.load %arg10[%swap3A_55, %swap3A_56] : memref<2000x8xf32, #tpu.memory_space<vmem>>, vector<2000x8xf32>
    tpu.vector_store %arg10[%swap3A_55, %swap3A_56], %dot_general3A_46 {strides = array<i32>} : memref<2000x8xf32, #tpu.memory_space<vmem>>, vector<2000x8xf32>,
    return
  }
  func.func @transform_0(%arg0: i32) -> (i32, i32, i32) {
    %c0_i32 = arith.constant 0 : i32
    %c0_i32_0 = arith.constant 0 : i32
    %c0_i32_1 = arith.constant 0 : i32
    return %c0_i32, %arg0, %c0_i32_0 : i32, i32, i32
  }
  func.func @transform_1(%arg0: i32) -> (i32, i32) {
    %c0_i32 = arith.constant 0 : i32
    %c0_i32_0 = arith.constant 0 : i32
    %c0_i32_1 = arith.constant 0 : i32
    return %c0_i32, %c0_i32_0 : i32, i32
  }
  func.func @transform_2(%arg0: i32) -> (i32, i32) {
    %c0_i32 = arith.constant 0 : i32
    %c0_i32_0 = arith.constant 0 : i32
    %c0_i32_1 = arith.constant 0 : i32
    return %c0_i32, %c0_i32_0 : i32, i32
  }
  func.func @transform_3(%arg0: i32) -> (i32, i32) {
    %c0_i32 = arith.constant 0 : i32
    %c0_i32_0 = arith.constant 0 : i32
    %c0_i32_1 = arith.constant 0 : i32
    return %c0_i32, %c0_i32_0 : i32, i32
  }
  func.func @transform_4(%arg0: i32) -> (i32, i32) {
    %c0_i32 = arith.constant 0 : i32
    %c0_i32_0 = arith.constant 0 : i32
    %c0_i32_1 = arith.constant 0 : i32
    return %c0_i32, %c0_i32_0 : i32, i32
  }
  func.func @transform_5(%arg0: i32) -> (i32, i32) {
    %c0_i32 = arith.constant 0 : i32
    %c0_i32_0 = arith.constant 0 : i32
    %c0_i32_1 = arith.constant 0 : i32
    return %c0_i32, %c0_i32_0 : i32, i32
  }
  func.func @transform_6(%arg0: i32) -> (i32, i32) {
    %c0_i32 = arith.constant 0 : i32
    %c0_i32_0 = arith.constant 0 : i32
    %c0_i32_1 = arith.constant 0 : i32
    return %c0_i32, %c0_i32_0 : i32, i32
  }
  func.func @transform_7(%arg0: i32) -> (i32, i32) {
    %c0_i32 = arith.constant 0 : i32
    %c0_i32_0 = arith.constant 0 : i32
    return %arg0, %c0_i32 : i32, i32
  }
  func.func @transform_8(%arg0: i32) -> (i32, i32) {
    %c0_i32 = arith.constant 0 : i32
    %c0_i32_0 = arith.constant 0 : i32
    return %arg0, %c0_i32 : i32, i32
  }
  func.func @transform_9(%arg0: i32) -> (i32, i32) {
    %c0_i32 = arith.constant 0 : i32
    %c0_i32_0 = arith.constant 0 : i32
    return %arg0, %c0_i32 : i32, i32
  }
}

module attributes {stable_mosaic.version = 14 : i64} {
  func.func @_tc_fin_body(%arg0: i32, %arg1: memref<2x2000x16xf32, #tpu.memory_space<vmem>>, %arg2: memref<2000x8xf32, #tpu.memory_space<vmem>>, %arg3: memref<1x8xf32, #tpu.memory_space<vmem>>, %arg4: memref<2000x8xf32, #tpu.memory_space<vmem>>) attributes {dimension_semantics = [#tpu.dimension_semantics<arbitrary>], iteration_bounds = array<i64: 5>, scalar_prefetch = 0 : i64, scratch_operands = 0 : i64, tpu.core_type = #tpu.core_type<tc>, window_params = [{transform_indices = @transform_0, window_bounds = array<i64: 2, 2000, 16>}, {transform_indices = @transform_1, window_bounds = array<i64: 2000, 8>}, {pipeline_mode = #tpu.pipeline_mode<synchronous>, transform_indices = @transform_2, window_bounds = array<i64: 1, 8>}, {transform_indices = @transform_3, window_bounds = array<i64: 2000, 8>}]} {
    %get3A = arith.constant 0 : index
    %get3A_0 = arith.constant 0 : index
    %get3A_1 = arith.constant 0 : index
    %get3A_2 = vector.load %arg1[%get3A, %get3A_0, %get3A_1] : memref<2x2000x16xf32, #tpu.memory_space<vmem>>, vector<1x2000x16xf32>
    %get3A_3 = vector.shape_cast %get3A_2 : vector<1x2000x16xf32> to vector<2000x16xf32>
    %get3A_4 = arith.constant 1 : index
    %get3A_5 = arith.constant 0 : index
    %get3A_6 = arith.constant 0 : index
    %get3A_7 = vector.load %arg1[%get3A_4, %get3A_5, %get3A_6] : memref<2x2000x16xf32, #tpu.memory_space<vmem>>, vector<1x2000x16xf32>
    %get3A_8 = vector.shape_cast %get3A_7 : vector<1x2000x16xf32> to vector<2000x16xf32>
    %add3A = arith.addf %get3A_3, %get3A_8 : vector<2000x16xf32>
    %slice3A = vector.extract_strided_slice %add3A {offsets = [0, 0], sizes = [2000, 8], strides = [1, 1]} : vector<2000x16xf32> to vector<2000x8xf32>
    %slice3A_9 = vector.extract_strided_slice %add3A {offsets = [0, 8], sizes = [2000, 1], strides = [1, 1]} : vector<2000x16xf32> to vector<2000x1xf32>
    %broadcast_in_dim3A = vector.shape_cast %slice3A_9 : vector<2000x1xf32> to vector<2000x1xf32>
    %broadcast_in_dim3A_10 = vector.broadcast %broadcast_in_dim3A : vector<2000x1xf32> to vector<2000x8xf32>
    %max3A = arith.constant 9.99999971E-10 : f32
    %max3A_11 = vector.broadcast %max3A : f32 to vector<2000x8xf32>
    %max3A_12 = arith.maximumf %broadcast_in_dim3A_10, %max3A_11 : vector<2000x8xf32>
    %div3A = arith.divf %slice3A, %max3A_12 : vector<2000x8xf32>
    %get3A_13 = arith.constant 0 : index
    %get3A_14 = arith.constant 0 : index
    %get3A_15 = vector.load %arg2[%get3A_13, %get3A_14] : memref<2000x8xf32, #tpu.memory_space<vmem>>, vector<2000x8xf32>
    %add3A_16 = arith.addf %div3A, %get3A_15 : vector<2000x8xf32>
    %get3A_17 = arith.constant 0 : index
    %get3A_18 = arith.constant 0 : index
    %get3A_19 = vector.load %arg3[%get3A_17, %get3A_18] : memref<1x8xf32, #tpu.memory_space<vmem>>, vector<1x8xf32>
    %add3A_20 = vector.broadcast %get3A_19 : vector<1x8xf32> to vector<2000x8xf32>
    %add3A_21 = arith.addf %add3A_16, %add3A_20 : vector<2000x8xf32>
    %gt3A = arith.constant 0.000000e+00 : f32
    %gt3A_22 = vector.broadcast %gt3A : f32 to vector<2000x8xf32>
    %gt3A_23 = arith.cmpf ogt, %add3A_21, %gt3A_22 : vector<2000x8xf32>
    %min3A = arith.constant 0.000000e+00 : f32
    %min3A_24 = vector.broadcast %min3A : f32 to vector<2000x8xf32>
    %min3A_25 = arith.minimumf %add3A_21, %min3A_24 : vector<2000x8xf32>
    %exp3A = math.exp %min3A_25 : vector<2000x8xf32>
    %sub3A = arith.constant 1.000000e+00 : f32
    %sub3A_26 = vector.broadcast %sub3A : f32 to vector<2000x8xf32>
    %sub3A_27 = arith.subf %exp3A, %sub3A_26 : vector<2000x8xf32>
    %select_n3A = arith.select %gt3A_23, %add3A_21, %sub3A_27 : vector<2000x8xi1>, vector<2000x8xf32>
    %swap3A = arith.constant 0 : index
    %swap3A_28 = arith.constant 0 : index
    %swap3A_29 = vector.load %arg4[%swap3A, %swap3A_28] : memref<2000x8xf32, #tpu.memory_space<vmem>>, vector<2000x8xf32>
    tpu.vector_store %arg4[%swap3A, %swap3A_28], %select_n3A {strides = array<i32>} : memref<2000x8xf32, #tpu.memory_space<vmem>>, vector<2000x8xf32>,
    return
  }
  func.func @transform_0(%arg0: i32) -> (i32, i32, i32) {
    %c0_i32 = arith.constant 0 : i32
    %c0_i32_0 = arith.constant 0 : i32
    %c0_i32_1 = arith.constant 0 : i32
    return %c0_i32, %arg0, %c0_i32_0 : i32, i32, i32
  }
  func.func @transform_1(%arg0: i32) -> (i32, i32) {
    %c0_i32 = arith.constant 0 : i32
    %c0_i32_0 = arith.constant 0 : i32
    return %arg0, %c0_i32 : i32, i32
  }
  func.func @transform_2(%arg0: i32) -> (i32, i32) {
    %c0_i32 = arith.constant 0 : i32
    %c0_i32_0 = arith.constant 0 : i32
    %c0_i32_1 = arith.constant 0 : i32
    return %c0_i32, %c0_i32_0 : i32, i32
  }
  func.func @transform_3(%arg0: i32) -> (i32, i32) {
    %c0_i32 = arith.constant 0 : i32
    %c0_i32_0 = arith.constant 0 : i32
    return %arg0, %c0_i32 : i32, i32
  }
}

</mosaic_0001>

<sc_bundles>
// kernel: kernel.10.cloned.1.call-start
scs
__scs_entry_jumppad:
0x0: {  	(pc) =	sbr.rel $0x88, $3  }
0x1: {  	(tag) =	ssettag $0x0;
	lr =	simm.s32 $0x1  }
0x2: {  	[smem:$0x3F96] =	sst lr;
	_ =	strace $0xD0000000  }
0x3: {  	_ = 	snop  }
0x4: {  	_ = 	snop  }
0x5: {  	_ = 	snop  }
0x6: {  	_ = 	snop  }
0x7: {  	_ = 	snop  }
__scs_overlays_trampoline_lowered:
0x8: {  	[smem:$0x3FA5] =	sst s0  }
0x9: {  	[smem:$0x3FA6] =	sst s1  }
0xa: {  	[smem:$0x3FA7] =	sst s2  }
0xb: {  	[smem:$0x3FA8] =	sst s3  }
0xc: {  	[smem:$0x3FA9] =	sst s4  }
0xd: {  	[smem:$0x3FAA] =	sst s5  }
0xe: {  	[smem:$0x3FAB] =	sst s6  }
0xf: {  	[smem:$0x3FAC] =	sst s7  }
0x10: {  	[smem:$0x3FAD] =	sst s8  }
0x11: {  	[smem:$0x3FAE] =	sst s9;
	s0 =	simm.s32 @!p0 $0x0  }
0x12: {  	s1 =	sld [smem:$0x3F94];
	s0 =	simm.s32 @p0 $0x1  }
0x13: {  	[smem:$0x3FAF] =	sst s0;
	s0 =	simm.s32 @!p1 $0x0  }
0x14: {  	s2 =	sld [smem:$0x3F93];
	s0 =	simm.s32 @p1 $0x1  }
0x15: {  	[smem:$0x3FB0] =	sst s0;
	s0 =	simm.s32 @!p2 $0x0  }
0x16: {  	s3 =	sld [smem:$0x3FDB];
	s0 =	simm.s32 @p2 $0x1  }
0x17: {  	s4 =	simm.s32 $0x1BF5;
	[smem:$0x3FB2] =	sst s0  }
0x18: {  	s0 =	sld [smem:$0x3F95];
	_ =	swait.ge [sflag:s4], $0x0  }
0x19: {  	s7 =	sld [smem:$0x3F96]  }
0x1a: {  	s8 =	sadd.s32 $0xFFFFE003, lr  }
0x1b: {  	s9 =	sadd.s32 $0xFFFFFEF7, lr;
	s5 =	simm.s32 $0xFFFFFFFF;
	p2 =	slt.u32 s8, $0xFFFFF086  }
0x1c: {  	p1 =	slt.u32 s9, $0xF7A;
	s5 =	simm.s32 @!p2 $0x0  }
0x1d: {  	s5 =	simm.s32 @p1 $0x1;
	p0 =	seq.s32 s7, s2  }
0x1e: {  	s7 =	smul.u32 @!p0 $0xF7A, s2;
	p2 =	seq.s32 @!p0 s5, $0x0  }
0x1f: {  	s9 =	smul.u32 $0xF7A, s1;
	s8 =	simm.s32 @!p0 $0x1BF5;
	p2 =	por !p2, p0  }
0x20: {  	[sflag:s8] =	ssyncset.s32 @!p0 $0xFFFFF086;
	s6 =	sadd.s32 @!p0 s3, s7;
	s7 =	simm.s32 @!p0 $0x108  }
0x21: {  	s3 =	sadd.s32 s3, s9;
	s6 =	sadd.s32 @!p0 $0x88, s6;
	s7 =	simm.s32 @p2 $0x1082  }
0x22: {  	[simem:s7], [sflag:s8] =	dma.local @!p0 [hbm:s6], $0xF7A  }
0x23: {  	s9 =	sor.u32 $0xD0000000, s2;
	s6 =	simm.s32 $0x108;
	_ =	swait.ge @!p0 [sflag:s8], $0x0  }
0x24: {  	s3 =	sadd.s32 $0x88, s3;
	s6 =	simm.s32 @!p1 $0x1082;
	[sflag:s4] =	ssyncset.s32 $0xFFFFF086  }
0x25: {  	[simem:s6], [sflag:s4] =	dma.local [hbm:s3], $0xF7A  }
0x26: {  	[smem:$0x3F96] =	sst s1;
	(tag) =	ssettag s2;
	_ =	strace s9  }
0x27: {  	s1 =	sld [smem:$0x3FA6]  }
0x28: {  	s2 =	sld [smem:$0x3FA7]  }
0x29: {  	s4 =	sld [smem:$0x3FA9]  }
0x2a: {  	p0 =	seq.s32 s5, $0x0;
	s5 =	sld [smem:$0x3FAA]  }
0x2b: {  	s6 =	sld [smem:$0x3FAB]  }
0x2c: {  	s7 =	sld [smem:$0x3FAC]  }
0x2d: {  	s3 =	simm.s32 $0x108;
	s8 =	sld [smem:$0x3FAD]  }
0x2e: {  	s3 =	simm.s32 @!p0 $0x1082;
	s9 =	sld [smem:$0x3FAE]  }
0x2f: {  	lr =	sadd.s32 s0, s3;
	s0 =	sld [smem:$0x3FA5]  }
0x30: {  	s3 =	sld [smem:$0x3FA8]  }
0x31: {  	[smem:$0x3FB1] =	sst s10  }
0x32: {  	s10 =	sld [smem:$0x3FAF];
	_ =	sdelay $0x3  }
0x33: {  	p0 =	seq.s32 s10, $0x1;
	s10 =	sld [smem:$0x3FB1];
	_ =	sdelay $0x3  }
0x34: {  	[smem:$0x3FB1] =	sst s10  }
0x35: {  	s10 =	sld [smem:$0x3FB0];
	_ =	sdelay $0x3  }
0x36: {  	p1 =	seq.s32 s10, $0x1;
	s10 =	sld [smem:$0x3FB1];
	_ =	sdelay $0x3  }
0x37: {  	[smem:$0x3FB1] =	sst s10  }
0x38: {  	s10 =	sld [smem:$0x3FB2]  }
0x39: {  	_ = 	snop;
	(pc) =	sbr.ind lr, $3  }
0x3a: {  	_ = 	snop  }
0x3b: {  	_ = 	snop  }
0x3c: {  	p2 =	seq.s32 s10, $0x1;
	s10 =	sld [smem:$0x3FB1]  }
0x3d: {  	_ =	shalt  }
0x3e: {  	_ =	shalt  }
0x3f: {  	_ =	shalt  }
0x40: {  	_ =	shalt  }
0x41: {  	_ =	shalt  }
0x42: {  	_ =	shalt  }
0x43: {  	_ =	shalt  }
0x44: {  	_ =	shalt  }
0x45: {  	_ =	shalt  }
0x46: {  	_ =	shalt  }
0x47: {  	_ =	shalt  }
0x48: {  	_ =	shalt  }
0x49: {  	_ =	shalt  }
0x4a: {  	_ =	shalt  }
0x4b: {  	_ =	shalt  }
0x4c: {  	_ =	shalt  }
0x4d: {  	_ =	shalt  }
0x4e: {  	_ =	shalt  }
0x4f: {  	_ =	shalt  }
0x50: {  	_ =	shalt  }
0x51: {  	_ =	shalt  }
0x52: {  	_ =	shalt  }
0x53: {  	_ =	shalt  }
0x54: {  	_ =	shalt  }
0x55: {  	_ =	shalt  }
0x56: {  	_ =	shalt  }
0x57: {  	_ =	shalt  }
0x58: {  	_ =	shalt  }
0x59: {  	_ =	shalt  }
0x5a: {  	_ =	shalt  }
0x5b: {  	_ =	shalt  }
0x5c: {  	_ =	shalt  }
0x5d: {  	_ =	shalt  }
0x5e: {  	_ =	shalt  }
0x5f: {  	_ =	shalt  }
0x60: {  	_ =	shalt  }
0x61: {  	_ =	shalt  }
0x62: {  	_ =	shalt  }
0x63: {  	_ =	shalt  }
0x64: {  	_ =	shalt  }
0x65: {  	_ =	shalt  }
0x66: {  	_ =	shalt  }
0x67: {  	_ =	shalt  }
0x68: {  	_ =	shalt  }
0x69: {  	_ =	shalt  }
0x6a: {  	_ =	shalt  }
0x6b: {  	_ =	shalt  }
0x6c: {  	_ =	shalt  }
0x6d: {  	_ =	shalt  }
0x6e: {  	_ =	shalt  }
0x6f: {  	_ =	shalt  }
0x70: {  	_ =	shalt  }
0x71: {  	_ =	shalt  }
0x72: {  	_ =	shalt  }
0x73: {  	_ =	shalt  }
0x74: {  	_ =	shalt  }
0x75: {  	_ =	shalt  }
0x76: {  	_ =	shalt  }
0x77: {  	_ =	shalt  }
0x78: {  	_ =	shalt  }
0x79: {  	_ =	shalt  }
0x7a: {  	_ =	shalt  }
0x7b: {  	_ =	shalt  }
0x7c: {  	_ =	shalt  }
0x7d: {  	_ =	shalt  }
0x7e: {  	_ =	shalt  }
0x7f: {  	_ =	shalt  }
0x80: {  	_ =	shalt  }
0x81: {  	_ =	shalt  }
0x82: {  	_ =	shalt  }
0x83: {  	_ =	shalt  }
0x84: {  	_ =	shalt  }
0x85: {  	_ =	shalt  }
0x86: {  	_ =	shalt  }
0x87: {  	_ =	shalt  }
.Lfunc_end0:
.L_simem_size_0:
called_computation.1_lowered:
.L_overlay_start_0:
0x88: {  	s2 =	sld [smem:$0x3FD9]  }
0x89: {  	s3 =	sld [smem:$0x3FFE];
	_ =	sdelay $0x1  }
0x8a: {  	s1 =	srdreg.scid  }
0x8b: {  	s0 =	sand.u32 $0x1, s1  }
0x8c: {  	s16 =	sshll.u32 s0, $0xA;
	s2 =	sadd.s32 s3, s2  }
0x8d: {  	s2 =	sadd.s32 s2, s16  }
0x8e: {  	[smem:$0x3FBD] =	sst s2  }
0x8f: {  	_ = 	snop  }
0x90: {  	(tm) =	ssettm $0x1  }
0x91: {  	s17 =	sld [smem:$0x3FFB];
	_ =	sdelay $0x3  }
0x92: {  	_ =	strace s17  }
0x93: {  	s2 =	sld [smem:$0x3FFC];
	_ =	sdelay $0x3  }
0x94: {  	_ =	strace s2  }
0x95: {  	s2 =	sld [smem:$0x3FFD];
	_ =	sdelay $0x3  }
0x96: {  	_ =	strace s2  }
0x97: {  	_ =	strace $0x8FFFFFFF  }
0x98: {  	s18 =	sld [smem:$0x3FDB];
	_ =	sdelay $0x1  }
0x99: {  	s19 =	simm.s32 $_scs_section_size  }
0x9a: {  	s4 =	simm.s32 $_size__tile_overlayer_lowered;
	s5 =	simm.s32 $_tile_overlayer_lowered  }
0x9b: {  	s22 =	simm.s32 $0x1BFF;
	s21 =	sshll.u32 s5, $0x1;
	s2 =	sadd.s32 s19, s18  }
0x9c: {  	s6 =	simm.s32 $0x0;
	s20 =	sshll.u32 s4, $0x1;
	s4 =	sadd.s32 s21, s2  }
0x9d: {  	[timem:s6], [sflag:s22] =	dma.local [hbm:s4], s20  }
0x9e: {  	_ =	swait.ge [sflag:s22], s20  }
0x9f: {  	s3 =	ssub.s32 $0x0, s20;
	[sflag:s22] =	ssyncset.done $0x0  }
0xa0: {  	[sflag:s22] =	ssyncadd.s32 s3;
	_ =	sdelay $0x1  }
0xa1: {  	s23 =	simm.s32 $0x1B8B  }
0xa2: {  	_ =	swait.ge [sflag:s23], $0x1  }
0xa3: {  	[sflag:s23] =	ssyncset.done $0x0  }
0xa4: {  	s25 =	simm.s32 $0x1B8E;
	s24 =	sld [smem:$0x3FFE];
	[sflag:s23] =	ssyncadd.s32 $0xFFFFFFFF  }
0xa5: {  	s26 =	simm.s32 $execute0_lowered;
	[smem:$0x3FD2] =	sst s25  }
0xa6: {  	s4 =	sshll.u32 s26, $0x1;
	_ =	strace $0x80000049;
	[dreg:$0x1] =	wrdreg $0xFFFFFFFF  }
0xa7: {  	s28 =	simm.s32 $_size_execute0_lowered;
	s2 =	sadd.s32 s2, s4;
	[dreg:$0x0] =	wrdreg $0x0  }
0xa8: {  	s4 =	sshll.u32 s28, $0x1;
	[dreg:$0x2] =	wrdreg s2  }
0xa9: {  	[dreg:$0x3] =	wrdreg s4  }
0xaa: {  	[dreg:$0x4] =	wrdreg $0xC0  }
0xab: {  	_ =	task [dreg:s6], $0x5FFFF  }
0xac: {  	[dreg:$0x1] =	wrdreg $0xFFFFFFFF  }
0xad: {  	[dreg:$0x0] =	wrdreg $0x60  }
0xae: {  	[dreg:$0x2] =	wrdreg s24  }
0xaf: {  	[dreg:$0x3] =	wrdreg $0xA5F00  }
0xb0: {  	[dreg:$0x4] =	wrdreg $0xCD000  }
0xb1: {  	[dreg:$0x5] =	wrdreg $0x7EE00  }
0xb2: {  	[dreg:$0x6] =	wrdreg $0x9  }
0xb3: {  	_ =	task.clear_ibuf [dreg:s6], $0x7FFFF;
	_ =	strace $0x90000049  }
0xb4: {  	s29 =	simm.s32 $0x9;
	_ =	strace $0x8000004B  }
0xb5: {  	_ =	swait.ge [sflag:s29], $0x1  }
0xb6: {  	[sflag:s29] =	ssyncadd.s32 $0xFFFFFFFF  }
0xb7: {  	_ =	strace $0x9000004B  }
0xb8: {  	_ =	sfence  }
0xb9: {  	s30 =	sld [smem:$0x0];
	_ =	sdelay $0x2  }
0xba: {  	s31 =	sshll.u32 s1, $0xD;
	s1 =	sshrl.u32 s1, $0x2  }
0xbb: {  	s3 =	sand.u32 $0x4000, s31;
	s1 =	sadd.s32 s1, s30  }
0xbc: {  	s0 =	sor.u32 s3, s0;
	s1 =	sshll.u32 s1, $0x11  }
0xbd: {  	s0 =	sor.u32 s1, s0  }
0xbe: {  	s0 =	sadd.s32 $0x8F2B, s0  }
0xbf: {  	[sflag:s0] =	ssyncadd.remote.s32 $0x1  }
0xc0: {  	_ =	sfence.sel $0xFFFF  }
0xc1: {  	[dreg:$0x0] =	wrdreg $0xFFFFFFFF;
	(pc) =	sbr.abs _section_cstart, $3  }
0xc2: {  	[dreg:$0x1] =	wrdreg $0xFFFFFFFF  }
0xc3: {  	_ =	task.clear_ibuf [dreg:s6], $0x2FFFF;
	_ =	strace $0x9FFFFFFF  }
0xc4: {  	(tm) =	ssettm $0x7FFFFFFF  }
0xc5: {  	_ =	shalt  }
tec
execute0_lowered:
.L_overlay_start_1:
0x0: {  	(tag) =	ssettag $0x1  }
0x1: {  	s0 =	rddreg [dreg:$0x0]  }
0x2: {  	s2 =	srdreg.scid;
	s1 =	rddreg [dreg:$0x1]  }
0x3: {  	s12 =	stileid.u32;
	s3 =	rddreg [dreg:$0x2];
	s28 =	simm.s32 $0x6770  }
0x4: {  	s29 =	simm.s32 $0x1;
	s30 =	simm.s32 $0x3;
	s31 =	simm.s32 $0x2  }
0x5: {  	s2 =	sand.u32 $0x1, s2;
	s4 =	sshll.u32 s12, $0x1;
	s8 =	smul.u32 $0x2710, s12  }
0x6: {  	s11 =	smul.u32 $0x9C40, s12;
	s20 =	sshll.u32 s12, $0x6;
	s5 =	sor.u32 s2, s4  }
0x7: {  	s4 =	rddreg [dreg:$0x3];
	s7 =	smul.u32 $0x27100, s2;
	s2 =	ssub.s32 $0x2, s2  }
0x8: {  	s6 =	smul.u32 $0x500, s5;
	s5 =	simm.s32 $0x0;
	s9 =	sshrl.u32 s8, $0x3  }
0x9: {  	s10 =	sshrl.u32 s2, $0x1;
	s18 =	sadd.s32 s8, s1;
	s11 =	sshrl.u32 s11, $0x2  }
0xa: {  	s21 =	sadd.s32 s8, s3;
	[smem:$0x7FF] =	sst s5;
	s9 =	sadd.s32 s9, s0  }
0xb: {  	s7 =	sadd.s32 s8, s7;
	s2 =	ssub.s32 s2, s10;
	s11 =	sadd.s32 s11, s4  }
0xc: {  	s18 =	sshrl.u32 s18, $0x3;
	_ =	strace $0x8000004A;
	s19 =	sadd.s32 $0x15A00, s9  }
0xd: {  	s6 =	sadd.s32 s6, s0;
	s9 =	sadd.s32 $0x1AA00, s9;
	[dreg:$0x5] =	wrdreg s19  }
0xe: {  	s7 =	sshrl.u32 s7, $0x3;
	s22 =	sadd.s32 $0x7D0, s11;
	[dreg:$0x6] =	wrdreg s9  }
0xf: {  	s23 =	sadd.s32 $0xFA0, s11;
	s24 =	sadd.s32 $0x1770, s11;
	[dreg:$0x7] =	wrdreg s22  }
0x10: {  	s25 =	sadd.s32 $0x1F40, s11;
	s17 =	smax.u32 s2, $0x1;
	[dreg:$0x8] =	wrdreg s23  }
0x11: {  	s2 =	simm.s32 $0x4;
	s0 =	sadd.s32 s7, s0;
	[dreg:$0x9] =	wrdreg s24  }
0x12: {  	s7 =	sor.u32 $0x1C07, s20;
	s9 =	sadd.s32 s8, s4;
	[dreg:$0xa] =	wrdreg s25  }
0x13: {  	s26 =	sadd.s32 $0xBA00, s6;
	s15 =	sadd.s32 $0x1A00, s6;
	s19 =	simm.s32 $0x7  }
0x14: {  	s20 =	sshrl.u32 s21, $0x3;
	s21 =	simm.s32 $0x6F40;
	s23 =	simm.s32 $0x7D  }
0x15: {  	v0 =	vimm.f32 $0.0e+00;
	vm0 =	vcmask $0x2320;
	s24 =	simm.s32 $0x5;
	s25 =	simm.s32 $0x6;
	[dreg:$0xb] =	wrdreg s26  }
0x16: {  	v1 =	vimm.s32 $0x8;
	v2 =	vsel vm0, $0x3F800000, v0;
	vm0 =	vmmov $0xff;
	s16 =	sadd.s32 $0x1FA00, s0;
	s26 =	simm.s32 $0x57D0;
	s0 =	simm.s32 $0x7710  }
.LBB2_1:
0x17: {  	s6 =	rddreg [dreg:$0x5]  }
0x18: {  	[spmem:s18], [sflag:s7] =	dma.local [hbm:s6], $0x4E2  }
0x19: {  	_ =	swait.ge [sflag:s19], $0x4E2  }
0x1a: {  	[sflag:s19] =	ssyncset.done $0x0  }
0x1b: {  	s22 =	rddreg [dreg:$0x6];
	[sflag:s19] =	ssyncadd.s32 $0xFFFFFB1E  }
0x1c: {  	[spmem:s20], [sflag:s7] =	dma.local [hbm:s22], $0x4E2  }
0x1d: {  	_ =	swait.ge [sflag:s19], $0x4E2  }
0x1e: {  	[sflag:s19] =	ssyncset.done $0x0  }
0x1f: {  	s8 =	simm.s32 $0x0;
	s6 =	simm.s32 $0x40;
	[sflag:s19] =	ssyncadd.s32 $0xFFFFFB1E  }
.LBB2_2:
0x20: {  	p0 =	sne.s32 s6, $0x1F00;
	[tilespmem:s8+$0x6F40] =	vst v0;
	s8 =	smov.u32 s6;
	s6 =	sadd.s32 $0x40, s6  }
.Ltmp0:
0x21: {  	(pc) =	sbr.rel @p0 .LBB2_2-.Ltmp0, $2  }
0x22: {  	_ =	sdelay $0x2  }
0x23: {  	s8 =	sshra.s32 s8, $0x2  }
0x24: {  	[tilespmem:s8+$0x6F40] =	vst v0  }
0x25: {  	[spmem:s9] =	stream.linear.scatter [tilespmem:s21], [sflag:$0x7], $0x7D0, $0x38;
	[tilespmem:$0xF410] =	vst v63  }
0x26: {  	_ =	swait.ge [sflag:s19], $0x7D0  }
0x27: {  	[sflag:s19] =	ssyncset.done $0x0  }
0x28: {  	s6 =	rddreg [dreg:$0x7];
	[sflag:s19] =	ssyncadd.s32 $0xFFFFF830  }
0x29: {  	[spmem:s6] =	stream.linear.scatter [tilespmem:s21], [sflag:$0x7], $0x7D0, $0x38;
	[tilespmem:$0xF410] =	vst v63  }
0x2a: {  	_ =	swait.ge [sflag:s19], $0x7D0  }
0x2b: {  	[sflag:s19] =	ssyncset.done $0x0  }
0x2c: {  	s10 =	rddreg [dreg:$0x8];
	[sflag:s19] =	ssyncadd.s32 $0xFFFFF830  }
0x2d: {  	[spmem:s10] =	stream.linear.scatter [tilespmem:s21], [sflag:$0x7], $0x7D0, $0x38;
	[tilespmem:$0xF410] =	vst v63  }
0x2e: {  	_ =	swait.ge [sflag:s19], $0x7D0  }
0x2f: {  	[sflag:s19] =	ssyncset.done $0x0  }
0x30: {  	s11 =	rddreg [dreg:$0x9];
	[sflag:s19] =	ssyncadd.s32 $0xFFFFF830  }
0x31: {  	[spmem:s11] =	stream.linear.scatter [tilespmem:s21], [sflag:$0x7], $0x7D0, $0x38;
	[tilespmem:$0xF410] =	vst v63  }
0x32: {  	_ =	swait.ge [sflag:s19], $0x7D0  }
0x33: {  	[sflag:s19] =	ssyncset.done $0x0  }
0x34: {  	s12 =	rddreg [dreg:$0xa];
	[sflag:s19] =	ssyncadd.s32 $0xFFFFF830  }
0x35: {  	[spmem:s12] =	stream.linear.scatter [tilespmem:s21], [sflag:$0x7], $0x7D0, $0x38;
	[tilespmem:$0xF410] =	vst v63  }
0x36: {  	_ =	swait.ge [sflag:s19], $0x7D0  }
0x37: {  	[sflag:s19] =	ssyncset.done $0x0  }
0x38: {  	[sflag:s19] =	ssyncadd.s32 $0xFFFFF830  }
0x39: {  	[bflag:$0x0] =	sbarrier.arrive $0xFFFF  }
0x3a: {  	s6 =	simm.s32 $0x0;
	s13 =	rddreg [dreg:$0xb]  }
0x3b: {  	[tilespmem:s6], [sflag:$0x7] =	stream.linear.gather [hbm4b:s13+s6], $0x2800, $0x38;
	[tilespmem:$0xF410] =	vst v63  }
0x3c: {  	_ =	swait.ge [sflag:s19], $0x2800  }
0x3d: {  	[sflag:s19] =	ssyncset.done $0x0  }
0x3e: {  	s14 =	simm.s32 $0x2800;
	[sflag:s19] =	ssyncadd.s32 $0xFFFFD800  }
0x3f: {  	[tilespmem:s14], [sflag:$0x7] =	stream.linear.gather [hbm4b:s15+s6], $0x2800, $0x38;
	[tilespmem:$0xF410] =	vst v63  }
0x40: {  	_ =	swait.ge [sflag:s19], $0x2800  }
0x41: {  	[sflag:s19] =	ssyncset.done $0x0  }
0x42: {  	s10 =	simm.s32 $0x5000;
	[sflag:s19] =	ssyncadd.s32 $0xFFFFD800  }
0x43: {  	[tilespmem:s10], [sflag:$0x1] =	stream.indirect.gather [spmem:s1], $0x10, s6, s23, $0xb8;
	[tilespmem:$0xF410] =	vst v63  }
0x44: {  	s22 =	simm.s32 $0x5FA0  }
0x45: {  	[tilespmem:s22], [sflag:$0x3] =	stream.indirect.gather [spmem:s3], $0x10, s14, s23, $0xb8;
	[tilespmem:$0xF410] =	vst v63  }
.LBB2_4:
0x46: {  	s10 =	sshll.u32 s6, $0x8  }
0x47: {  	s8 =	sor.u32 $0x80, s10  }
0x48: {  	[tilespmem:s26], [sflag:$0x2] =	stream.indirect.gather [spmem:s1], $0x10, s8, s23, $0xb8;
	[tilespmem:$0xF410] =	vst v63  }
0x49: {  	s8 =	sadd.s32 $0x2880, s10  }
0x4a: {  	[tilespmem:s28], [sflag:$0x4] =	stream.indirect.gather [spmem:s3], $0x10, s8, s23, $0xb8;
	[tilespmem:$0xF410] =	vst v63  }
0x4b: {  	_ =	swait.ge [sflag:s29], $0x7D0  }
0x4c: {  	[sflag:s29] =	ssyncset.done $0x0  }
0x4d: {  	[sflag:s29] =	ssyncadd.s32 $0xFFFFF830  }
0x4e: {  	_ =	swait.ge [sflag:s30], $0x7D0  }
0x4f: {  	p0 =	seq.s32 s6, $0x0;
	[sflag:s30] =	ssyncset.done $0x0  }
0x50: {  	s11 =	simm.s32 @!p0 $0x5;
	[sflag:s30] =	ssyncadd.s32 $0xFFFFF830  }
0x51: {  	_ =	swait.ge @!p0 [sflag:s11], $0x7D0  }
0x52: {  	[sflag:s11] =	ssyncset.done @!p0 $0x0  }
0x53: {  	s22 =	simm.s32 $0x5FC0;
	[sflag:s11] =	ssyncadd.s32 @!p0 $0xFFFFF830  }
0x54: {  	v3 =	vld [tilespmem:s22+$0x10]  }
0x55: {  	v4 =	vld [tilespmem:s22+$0x0]  }
0x56: {  	s12 =	simm.s32 $0x5020;
	v5 =	vld [tilespmem:s22+$0x20]  }
0x57: {  	v9 =	vld [tilespmem:s12+$0x20]  }
0x58: {  	v10 =	vld [tilespmem:s12+$0x10]  }
0x59: {  	v11 =	vld [tilespmem:s12+$0x0];
	_ =	sdelay $0x1  }
0x5a: {  	v6 =	vld [tilespmem:s22+$0xFFFFFFF0]  }
0x5b: {  	v13 =	vld [tilespmem:s12+$0xFFFFFFE0];
	v5 =	vadd.f32 v5, v9  }
0x5c: {  	v7 =	vld [tilespmem:s22+$0xFFFFFFE0];
	v8 =	vadd.f32 v3, v10  }
0x5d: {  	s13 =	simm.s32 $0x6010;
	v14 =	vld [tilespmem:s12+$0xFFFFFFF0];
	v4 =	vadd.f32 v4, v11;
	v5 =	vperm.xlane v5, v1  }
0x5e: {  	v17 =	vld [tilespmem:s13+$0x0];
	v8 =	vperm.xlane v8, v1  }
0x5f: {  	s14 =	simm.s32 $0x5070;
	v20 =	vld [tilespmem:s13+$0xFFFFFFE0];
	v4 =	vperm.xlane v4, v1;
	v15 =	vmul.f32 $2.000000030e-01, v5  }
0x60: {  	v3 =	vld [tilespmem:s14+$0xFFFFFFE0];
	v18 =	vmul.f32 $2.000000030e-01, v8  }
0x61: {  	v7 =	vadd.f32 v7, v13;
	v19 =	vmul.f32 $2.000000030e-01, v4;
	v5 =	vmax.f32 v5, v15;
	v15 =	vld [tilespmem:s13+$0x20]  }
0x62: {  	v6 =	vadd.f32 v6, v14;
	v18 =	vmax.f32 v8, v18;
	v8 =	vld [tilespmem:s14+$0x20];
	v5 =	vmul.f32 $1.442695020e+00, v5  }
0x63: {  	v4 =	vmax.f32 v4, v19;
	v19 =	vperm.xlane v7, v1;
	v7 =	vld [tilespmem:s14+$0x0];
	v18 =	vmul.f32 $1.442695020e+00, v18  }
0x64: {  	v16 =	vld [tilespmem:s13+$0x10];
	v21 =	vperm.xlane v6, v1;
	(erf) = vpow2.f32 v5  }
0x65: {  	v4 =	vmul.f32 $1.442695020e+00, v4;
	v5 =	vld [tilespmem:s14+$0x10];
	(erf) = vpow2.f32 v18  }
0x66: {  	v18 =	vmul.f32 $2.000000030e-01, v21  }
0x67: {  	v12 =	vld [tilespmem:s13+$0xFFFFFFF0];
	(erf) = vpow2.f32 v4;
	v4 =	vadd.f32 v20, v3;
	v20 =	vmul.f32 $2.000000030e-01, v19  }
0x68: {  	v6 =	vld [tilespmem:s14+$0xFFFFFFF0];
	v15 =	vadd.f32 v15, v8;
	v17 =	vadd.f32 v17, v7;
	v18 =	vmax.f32 v21, v18  }
0x69: {  	v18 =	vmul.f32 $1.442695020e+00, v18;
	v21 =	vperm.xlane v4, v1;
	v4 =	vmax.f32 v19, v20  }
0x6a: {  	v15 =	vperm.xlane v15, v1;
	v17 =	vperm.xlane v17, v1;
	v16 =	vadd.f32 v16, v5  }
0x6b: {  	v9 =	vsel vm0, v9, v2;
	v4 =	vmul.f32 $1.442695020e+00, v4;
	(erf) = vpow2.f32 v18  }
0x6c: {  	s22 =	simm.s32 $0x6060;
	v10 =	vsel vm0, v10, v2;
	v18 =	vmul.f32 $2.000000030e-01, v15;
	v16 =	vperm.xlane v16, v1  }
0x6d: {  	v23 =	vld [tilespmem:s22+$0xFFFFFFE0];
	s13 =	simm.s32 $0x50C0;
	v12 =	vadd.f32 v12, v6;
	v22 =	vmul.f32 $2.000000030e-01, v17;
	(erf) = vpow2.f32 v4;
	v19 =	vpop (erf)  }
0x6e: {  	v4 =	vld [tilespmem:s13+$0xFFFFFFE0];
	v15 =	vmax.f32 v15, v18;
	v20 =	vmul.f32 $2.000000030e-01, v16;
	v18 =	vmul.f32 v19, v9;
	v9 =	vpop (erf)  }
0x6f: {  	v11 =	vsel vm0, v11, v2;
	v19 =	vld [tilespmem:s22+$0x20];
	v10 =	vmul.f32 v9, v10  }
0x70: {  	v9 =	vpop (erf);
	v16 =	vmax.f32 v16, v20;
	v20 =	vperm.xlane v12, v1;
	v12 =	vmax.f32 v17, v22;
	v17 =	vld [tilespmem:s22+$0x10]  }
0x71: {  	v15 =	vmul.f32 $1.442695020e+00, v15;
	v11 =	vmul.f32 v9, v11;
	v9 =	vld [tilespmem:s13+$0x20]  }
0x72: {  	s11 =	simm.s32 $0x6F60;
	v16 =	vmul.f32 $1.442695020e+00, v16;
	v22 =	vmul.f32 $1.442695020e+00, v12;
	v12 =	vld [tilespmem:s13+$0x10]  }
0x73: {  	(erf) = vpow2.f32 v15;
	v15 =	vmul.f32 $2.000000030e-01, v20;
	[tilespmem:s11+$0x10] =	vst v10;
	v10 =	vld [tilespmem:s13+$0xFFFFFFF0]  }
0x74: {  	(erf) = vpow2.f32 v16;
	v16 =	vsel vm0, v13, v2;
	v13 =	vsel vm0, v14, v2;
	v14 =	vld [tilespmem:s22+$0xFFFFFFF0]  }
0x75: {  	[tilespmem:s11+$0x0] =	vst v11;
	v11 =	vld [tilespmem:s13+$0x0]  }
0x76: {  	[tilespmem:s11+$0x20] =	vst v18;
	(erf) = vpow2.f32 v22;
	v18 =	vmax.f32 v20, v15;
	v15 =	vld [tilespmem:s22+$0x0]  }
0x77: {  	v24 =	vmul.f32 $2.000000030e-01, v21;
	v23 =	vadd.f32 v23, v4;
	v22 =	vpop (erf)  }
0x78: {  	v18 =	vmul.f32 $1.442695020e+00, v18;
	v19 =	vadd.f32 v19, v9;
	v22 =	vmul.f32 v22, v13;
	v20 =	vpop (erf)  }
0x79: {  	s12 =	simm.s32 $0xA;
	s14 =	simm.s32 $0x5110;
	v21 =	vmax.f32 v21, v24;
	v13 =	vperm.xlane v23, v1;
	v16 =	vmul.f32 v20, v16  }
0x7a: {  	s13 =	simm.s32 $0x60B0;
	s22 =	simm.s32 $0x6FB0;
	v20 =	vadd.f32 v17, v12;
	v17 =	vperm.xlane v19, v1;
	v19 =	vmul.f32 $1.442695020e+00, v21;
	[tilespmem:s11+$0xFFFFFFF0] =	vst v22  }
.LBB2_5:
0x7b: {  	s12 =	sadd.s32 $0x5, s12;
	v21 =	vadd.f32 v14, v10;
	v14 =	vld [tilespmem:s13+$0xFFFFFFF0];
	v15 =	vadd.f32 v15, v11;
	(erf) = vpow2.f32 v18;
	[tilespmem:s11+$0xFFFFFFE0] =	vst v16;
	s11 =	smov.u32 s22;
	s22 =	sadd.s32 $0x50, s22  }
0x7c: {  	v22 =	vsel vm0, v5, v2;
	v5 =	vmovc v12;
	v16 =	vld [tilespmem:s14+$0xFFFFFFE0];
	p1 =	slt.u32 s12, $0x78;
	v18 =	vperm.xlane v20, v1;
	v20 =	vmul.f32 $2.000000030e-01, v17  }
0x7d: {  	v8 =	vsel vm0, v8, v2;
	v23 =	vld [tilespmem:s13+$0x10];
	v12 =	vperm.xlane v15, v1;
	(erf) = vpow2.f32 v19;
	v19 =	vpop (erf)  }
0x7e: {  	v15 =	vld [tilespmem:s13+$0x0];
	v24 =	vmul.f32 $2.000000030e-01, v18;
	v17 =	vmax.f32 v17, v20;
	v27 =	vmul.f32 v19, v8;
	v19 =	vpop (erf)  }
0x7f: {  	v28 =	vsel vm0, v7, v2;
	v20 =	vld [tilespmem:s13+$0x20];
	v25 =	vmul.f32 $2.000000030e-01, v12;
	v19 =	vmul.f32 v19, v22;
	v22 =	vpop (erf)  }
0x80: {  	v8 =	vmovc v9;
	v17 =	vmul.f32 $1.442695020e+00, v17;
	v26 =	vld [tilespmem:s13+$0xFFFFFFE0];
	v18 =	vmax.f32 v18, v24;
	v22 =	vmul.f32 v22, v28;
	[tilespmem:s11+$0x20] =	vst v27  }
0x81: {  	v7 =	vmovc v11;
	v21 =	vperm.xlane v21, v1;
	v9 =	vld [tilespmem:s14+$0x20];
	v12 =	vmax.f32 v12, v25;
	v18 =	vmul.f32 $1.442695020e+00, v18;
	[tilespmem:s11+$0x10] =	vst v19  }
0x82: {  	v24 =	vld [tilespmem:s14+$0xFFFFFFF0];
	v19 =	vmul.f32 $1.442695020e+00, v12;
	(erf) = vpow2.f32 v17;
	[tilespmem:s11+$0x0] =	vst v22  }
0x83: {  	v17 =	vmul.f32 $2.000000030e-01, v21;
	v12 =	vld [tilespmem:s14+$0x10];
	(erf) = vpow2.f32 v18  }
.Ltmp1:
0x84: {  	v27 =	vsel vm0, v6, v2;
	v11 =	vld [tilespmem:s14+$0x0];
	(erf) = vpow2.f32 v19;
	v19 =	vsel vm0, v3, v2;
	v22 =	vpop (erf);
	(pc) =	sbr.rel @p1 .LBB2_5-.Ltmp1, $4  }
0x85: {  	v17 =	vmax.f32 v21, v17;
	v3 =	vmovc v4;
	v4 =	vmovc v16;
	v25 =	vadd.f32 v26, v16;
	v26 =	vmul.f32 $2.000000030e-01, v13  }
0x86: {  	v18 =	vmul.f32 $1.442695020e+00, v17;
	v22 =	vmul.f32 v22, v27;
	v21 =	vadd.f32 v20, v9;
	v6 =	vpop (erf)  }
0x87: {  	v26 =	vmax.f32 v13, v26;
	v13 =	vperm.xlane v25, v1;
	v16 =	vmul.f32 v6, v19;
	v6 =	vmovc v10  }
0x88: {  	s13 =	sadd.s32 $0x50, s13;
	s14 =	sadd.s32 $0x50, s14;
	v10 =	vmovc v24;
	v20 =	vadd.f32 v23, v12;
	v17 =	vperm.xlane v21, v1;
	v19 =	vmul.f32 $1.442695020e+00, v26;
	[tilespmem:s11+$0xFFFFFFF0] =	vst v22  }
0x89: {  	v15 =	vadd.f32 v15, v11  }
0x8a: {  	v14 =	vadd.f32 v14, v10;
	(erf) = vpow2.f32 v18;
	v18 =	vperm.xlane v20, v1  }
0x8b: {  	v20 =	vmul.f32 $2.000000030e-01, v17;
	v15 =	vperm.xlane v15, v1  }
0x8c: {  	(erf) = vpow2.f32 v19;
	v14 =	vperm.xlane v14, v1  }
0x8d: {  	v21 =	vmul.f32 $2.000000030e-01, v18;
	v17 =	vmax.f32 v17, v20;
	v19 =	vmul.f32 $2.000000030e-01, v15  }
0x8e: {  	v17 =	vmul.f32 $1.442695020e+00, v17;
	v20 =	vmul.f32 $2.000000030e-01, v14  }
0x8f: {  	v18 =	vmax.f32 v18, v21;
	v15 =	vmax.f32 v15, v19;
	v19 =	vmul.f32 $2.000000030e-01, v13  }
0x90: {  	v18 =	vmul.f32 $1.442695020e+00, v18;
	v14 =	vmax.f32 v14, v20  }
0x91: {  	(erf) = vpow2.f32 v17;
	v14 =	vmul.f32 $1.442695020e+00, v14;
	v13 =	vmax.f32 v13, v19  }
0x92: {  	v15 =	vmul.f32 $1.442695020e+00, v15;
	v13 =	vmul.f32 $1.442695020e+00, v13  }
0x93: {  	(erf) = vpow2.f32 v18  }
0x94: {  	(erf) = vpow2.f32 v15  }
0x95: {  	(erf) = vpow2.f32 v14;
	v14 =	vpop (erf)  }
0x96: {  	v8 =	vsel vm0, v8, v2;
	(erf) = vpow2.f32 v13;
	v13 =	vpop (erf)  }
0x97: {  	v7 =	vsel vm0, v7, v2;
	v8 =	vmul.f32 v14, v8;
	v14 =	vpop (erf)  }
0x98: {  	v5 =	vsel vm0, v5, v2;
	v7 =	vmul.f32 v14, v7  }
0x99: {  	v5 =	vmul.f32 v13, v5  }
0x9a: {  	[tilespmem:s22+$0x20] =	vst v8;
	v13 =	vpop (erf)  }
0x9b: {  	v6 =	vsel vm0, v6, v2;
	v8 =	vpop (erf);
	[tilespmem:s22+$0x10] =	vst v5  }
0x9c: {  	v5 =	vmul.f32 v13, v6;
	v6 =	vsel vm0, v9, v2;
	[tilespmem:s22+$0x0] =	vst v7;
	v7 =	vpop (erf)  }
0x9d: {  	v3 =	vsel vm0, v3, v2;
	v6 =	vmul.f32 v7, v6  }
0x9e: {  	s14 =	sadd.s32 $0x50, s22;
	v3 =	vmul.f32 v8, v3;
	[tilespmem:s22+$0xFFFFFFF0] =	vst v5  }
0x9f: {  	v5 =	vsel vm0, v12, v2;
	v7 =	vpop (erf);
	[tilespmem:s14+$0x20] =	vst v6;
	v6 =	vsel vm0, v10, v2  }
0xa0: {  	[tilespmem:s22+$0xFFFFFFE0] =	vst v3;
	v3 =	vsel vm0, v11, v2;
	v5 =	vmul.f32 v7, v5;
	v7 =	vpop (erf)  }
0xa1: {  	[tilespmem:s11+$0xFFFFFFE0] =	vst v16;
	v3 =	vmul.f32 v7, v3;
	v7 =	vpop (erf)  }
0xa2: {  	v4 =	vsel vm0, v4, v2;
	[tilespmem:s14+$0x10] =	vst v5;
	v5 =	vmul.f32 v7, v6;
	v6 =	vpop (erf)  }
0xa3: {  	[tilespmem:s14+$0x0] =	vst v3;
	v3 =	vmul.f32 v6, v4  }
0xa4: {  	s12 =	sand.u32 $0x3FFFFF00, s10;
	[tilespmem:s14+$0xFFFFFFF0] =	vst v5  }
0xa5: {  	p1 =	seq.s32 s6, $0x27;
	s13 =	sadd.s32 $0x2800, s12;
	[tilespmem:s14+$0xFFFFFFE0] =	vst v3  }
0xa6: {  	[spmem:s4] =	stream.indirect.scatter.add.f32 [tilespmem:s21], [sflag:$0x5], $0x10, s13, s23, $0xb8;
	[tilespmem:$0xF410] =	vst v63  }
0xa7: {  	s11 =	sadd.s32 @!p1 $0x100, s10;
	s12 =	simm.s32 @!p1 $0x7D;
	s13 =	simm.s32 @!p1 $0x5000  }
0xa8: {  	[tilespmem:s13], [sflag:$0x1] =	stream.indirect.gather @!p1 [spmem:s1], $0x10, s11, s12, $0xb8;
	[tilespmem:$0xF410] =	vst v63  }
0xa9: {  	s10 =	sadd.s32 @!p1 $0x2900, s10;
	s11 =	simm.s32 @!p1 $0x5FA0  }
0xaa: {  	[tilespmem:s11], [sflag:$0x3] =	stream.indirect.gather @!p1 [spmem:s3], $0x10, s10, s12, $0xb8;
	[tilespmem:$0xF410] =	vst v63  }
0xab: {  	_ =	swait.ge [sflag:s31], $0x7D0  }
0xac: {  	[sflag:s31] =	ssyncset.done $0x0  }
0xad: {  	[sflag:s31] =	ssyncadd.s32 $0xFFFFF830  }
0xae: {  	_ =	swait.ge [sflag:s2], $0x7D0  }
0xaf: {  	[sflag:s2] =	ssyncset.done $0x0  }
0xb0: {  	s10 =	simm.s32 @!p0 $0x6;
	[sflag:s2] =	ssyncadd.s32 $0xFFFFF830  }
0xb1: {  	_ =	swait.ge @!p0 [sflag:s10], $0x7D0  }
0xb2: {  	[sflag:s10] =	ssyncset.done @!p0 $0x0  }
0xb3: {  	s14 =	simm.s32 $0x6790;
	[sflag:s10] =	ssyncadd.s32 @!p0 $0xFFFFF830  }
0xb4: {  	v3 =	vld [tilespmem:s14+$0x10]  }
0xb5: {  	v4 =	vld [tilespmem:s14+$0x0]  }
0xb6: {  	s22 =	simm.s32 $0x57F0;
	v5 =	vld [tilespmem:s14+$0x20]  }
0xb7: {  	v9 =	vld [tilespmem:s22+$0x20]  }
0xb8: {  	v10 =	vld [tilespmem:s22+$0x10]  }
0xb9: {  	v11 =	vld [tilespmem:s22+$0x0];
	_ =	sdelay $0x1  }
0xba: {  	v6 =	vld [tilespmem:s14+$0xFFFFFFF0]  }
0xbb: {  	v13 =	vld [tilespmem:s22+$0xFFFFFFE0];
	v5 =	vadd.f32 v5, v9  }
0xbc: {  	v7 =	vld [tilespmem:s14+$0xFFFFFFE0];
	v8 =	vadd.f32 v3, v10  }
0xbd: {  	s12 =	simm.s32 $0x67E0;
	v14 =	vld [tilespmem:s22+$0xFFFFFFF0];
	v4 =	vadd.f32 v4, v11;
	v5 =	vperm.xlane v5, v1  }
0xbe: {  	v17 =	vld [tilespmem:s12+$0x0];
	v8 =	vperm.xlane v8, v1  }
0xbf: {  	s13 =	simm.s32 $0x5840;
	v20 =	vld [tilespmem:s12+$0xFFFFFFE0];
	v4 =	vperm.xlane v4, v1;
	v15 =	vmul.f32 $2.000000030e-01, v5  }
0xc0: {  	v3 =	vld [tilespmem:s13+$0xFFFFFFE0];
	v18 =	vmul.f32 $2.000000030e-01, v8  }
0xc1: {  	v7 =	vadd.f32 v7, v13;
	v19 =	vmul.f32 $2.000000030e-01, v4;
	v5 =	vmax.f32 v5, v15;
	v15 =	vld [tilespmem:s12+$0x20]  }
0xc2: {  	v6 =	vadd.f32 v6, v14;
	v18 =	vmax.f32 v8, v18;
	v8 =	vld [tilespmem:s13+$0x20];
	v5 =	vmul.f32 $1.442695020e+00, v5  }
0xc3: {  	v4 =	vmax.f32 v4, v19;
	v19 =	vperm.xlane v7, v1;
	v7 =	vld [tilespmem:s13+$0x0];
	v18 =	vmul.f32 $1.442695020e+00, v18  }
0xc4: {  	v16 =	vld [tilespmem:s12+$0x10];
	v21 =	vperm.xlane v6, v1;
	(erf) = vpow2.f32 v5  }
0xc5: {  	v4 =	vmul.f32 $1.442695020e+00, v4;
	v5 =	vld [tilespmem:s13+$0x10];
	(erf) = vpow2.f32 v18  }
0xc6: {  	v18 =	vmul.f32 $2.000000030e-01, v21  }
0xc7: {  	v12 =	vld [tilespmem:s12+$0xFFFFFFF0];
	(erf) = vpow2.f32 v4;
	v4 =	vadd.f32 v20, v3;
	v20 =	vmul.f32 $2.000000030e-01, v19  }
0xc8: {  	v6 =	vld [tilespmem:s13+$0xFFFFFFF0];
	v15 =	vadd.f32 v15, v8;
	v17 =	vadd.f32 v17, v7;
	v18 =	vmax.f32 v21, v18  }
0xc9: {  	v18 =	vmul.f32 $1.442695020e+00, v18;
	v21 =	vperm.xlane v4, v1;
	v4 =	vmax.f32 v19, v20  }
0xca: {  	v15 =	vperm.xlane v15, v1;
	v17 =	vperm.xlane v17, v1;
	v16 =	vadd.f32 v16, v5  }
0xcb: {  	v9 =	vsel vm0, v9, v2;
	v4 =	vmul.f32 $1.442695020e+00, v4;
	(erf) = vpow2.f32 v18  }
0xcc: {  	s22 =	simm.s32 $0x6830;
	v10 =	vsel vm0, v10, v2;
	v18 =	vmul.f32 $2.000000030e-01, v15;
	v16 =	vperm.xlane v16, v1  }
0xcd: {  	s14 =	simm.s32 $0x5890;
	v23 =	vld [tilespmem:s22+$0xFFFFFFE0];
	v12 =	vadd.f32 v12, v6;
	v22 =	vmul.f32 $2.000000030e-01, v17;
	(erf) = vpow2.f32 v4;
	v19 =	vpop (erf)  }
0xce: {  	v4 =	vld [tilespmem:s14+$0xFFFFFFE0];
	v15 =	vmax.f32 v15, v18;
	v20 =	vmul.f32 $2.000000030e-01, v16;
	v18 =	vmul.f32 v19, v9;
	v9 =	vpop (erf)  }
0xcf: {  	v11 =	vsel vm0, v11, v2;
	v19 =	vld [tilespmem:s22+$0x20];
	v10 =	vmul.f32 v9, v10  }
0xd0: {  	v9 =	vpop (erf);
	v16 =	vmax.f32 v16, v20;
	v20 =	vperm.xlane v12, v1;
	v12 =	vmax.f32 v17, v22;
	v17 =	vld [tilespmem:s22+$0x10]  }
0xd1: {  	v15 =	vmul.f32 $1.442695020e+00, v15;
	v11 =	vmul.f32 v9, v11;
	v9 =	vld [tilespmem:s14+$0x20]  }
0xd2: {  	s11 =	simm.s32 $0x7730;
	v16 =	vmul.f32 $1.442695020e+00, v16;
	v22 =	vmul.f32 $1.442695020e+00, v12;
	v12 =	vld [tilespmem:s14+$0x10]  }
0xd3: {  	(erf) = vpow2.f32 v15;
	v15 =	vmul.f32 $2.000000030e-01, v20;
	[tilespmem:s11+$0x10] =	vst v10;
	v10 =	vld [tilespmem:s14+$0xFFFFFFF0]  }
0xd4: {  	(erf) = vpow2.f32 v16;
	v16 =	vsel vm0, v13, v2;
	v13 =	vsel vm0, v14, v2;
	v14 =	vld [tilespmem:s22+$0xFFFFFFF0]  }
0xd5: {  	[tilespmem:s11+$0x0] =	vst v11;
	v11 =	vld [tilespmem:s14+$0x0]  }
0xd6: {  	[tilespmem:s11+$0x20] =	vst v18;
	(erf) = vpow2.f32 v22;
	v18 =	vmax.f32 v20, v15;
	v15 =	vld [tilespmem:s22+$0x0]  }
0xd7: {  	v24 =	vmul.f32 $2.000000030e-01, v21;
	v23 =	vadd.f32 v23, v4;
	v22 =	vpop (erf)  }
0xd8: {  	v18 =	vmul.f32 $1.442695020e+00, v18;
	v19 =	vadd.f32 v19, v9;
	v22 =	vmul.f32 v22, v13;
	v20 =	vpop (erf)  }
0xd9: {  	s10 =	simm.s32 $0x7780;
	s12 =	simm.s32 $0xA;
	v21 =	vmax.f32 v21, v24;
	v13 =	vperm.xlane v23, v1;
	v16 =	vmul.f32 v20, v16  }
0xda: {  	s13 =	simm.s32 $0x6880;
	s14 =	simm.s32 $0x58E0;
	v20 =	vadd.f32 v17, v12;
	v17 =	vperm.xlane v19, v1;
	v19 =	vmul.f32 $1.442695020e+00, v21;
	[tilespmem:s11+$0xFFFFFFF0] =	vst v22  }
.LBB2_7:
0xdb: {  	s12 =	sadd.s32 $0x5, s12;
	v21 =	vadd.f32 v14, v10;
	v14 =	vld [tilespmem:s13+$0xFFFFFFF0];
	v15 =	vadd.f32 v15, v11;
	(erf) = vpow2.f32 v18;
	[tilespmem:s11+$0xFFFFFFE0] =	vst v16;
	s11 =	smov.u32 s10;
	s10 =	sadd.s32 $0x50, s10  }
0xdc: {  	v22 =	vsel vm0, v5, v2;
	v5 =	vmovc v12;
	v16 =	vld [tilespmem:s14+$0xFFFFFFE0];
	p0 =	slt.u32 s12, $0x78;
	v18 =	vperm.xlane v20, v1;
	v20 =	vmul.f32 $2.000000030e-01, v17  }
0xdd: {  	v8 =	vsel vm0, v8, v2;
	v23 =	vld [tilespmem:s13+$0x10];
	v12 =	vperm.xlane v15, v1;
	(erf) = vpow2.f32 v19;
	v19 =	vpop (erf)  }
0xde: {  	v15 =	vld [tilespmem:s13+$0x0];
	v24 =	vmul.f32 $2.000000030e-01, v18;
	v17 =	vmax.f32 v17, v20;
	v27 =	vmul.f32 v19, v8;
	v19 =	vpop (erf)  }
0xdf: {  	v28 =	vsel vm0, v7, v2;
	v20 =	vld [tilespmem:s13+$0x20];
	v25 =	vmul.f32 $2.000000030e-01, v12;
	v19 =	vmul.f32 v19, v22;
	v22 =	vpop (erf)  }
0xe0: {  	v8 =	vmovc v9;
	v17 =	vmul.f32 $1.442695020e+00, v17;
	v26 =	vld [tilespmem:s13+$0xFFFFFFE0];
	v18 =	vmax.f32 v18, v24;
	v22 =	vmul.f32 v22, v28;
	[tilespmem:s11+$0x20] =	vst v27  }
0xe1: {  	v7 =	vmovc v11;
	v21 =	vperm.xlane v21, v1;
	v9 =	vld [tilespmem:s14+$0x20];
	v12 =	vmax.f32 v12, v25;
	v18 =	vmul.f32 $1.442695020e+00, v18;
	[tilespmem:s11+$0x10] =	vst v19  }
0xe2: {  	v24 =	vld [tilespmem:s14+$0xFFFFFFF0];
	v19 =	vmul.f32 $1.442695020e+00, v12;
	(erf) = vpow2.f32 v17;
	[tilespmem:s11+$0x0] =	vst v22  }
0xe3: {  	v17 =	vmul.f32 $2.000000030e-01, v21;
	v12 =	vld [tilespmem:s14+$0x10];
	(erf) = vpow2.f32 v18  }
.Ltmp2:
0xe4: {  	v27 =	vsel vm0, v6, v2;
	v11 =	vld [tilespmem:s14+$0x0];
	(erf) = vpow2.f32 v19;
	v19 =	vsel vm0, v3, v2;
	v22 =	vpop (erf);
	(pc) =	sbr.rel @p0 .LBB2_7-.Ltmp2, $4  }
0xe5: {  	v17 =	vmax.f32 v21, v17;
	v3 =	vmovc v4;
	v4 =	vmovc v16;
	v25 =	vadd.f32 v26, v16;
	v26 =	vmul.f32 $2.000000030e-01, v13  }
0xe6: {  	v18 =	vmul.f32 $1.442695020e+00, v17;
	v22 =	vmul.f32 v22, v27;
	v21 =	vadd.f32 v20, v9;
	v6 =	vpop (erf)  }
0xe7: {  	v26 =	vmax.f32 v13, v26;
	v13 =	vperm.xlane v25, v1;
	v16 =	vmul.f32 v6, v19;
	v6 =	vmovc v10  }
0xe8: {  	s13 =	sadd.s32 $0x50, s13;
	s14 =	sadd.s32 $0x50, s14;
	v10 =	vmovc v24;
	v20 =	vadd.f32 v23, v12;
	v17 =	vperm.xlane v21, v1;
	v19 =	vmul.f32 $1.442695020e+00, v26;
	[tilespmem:s11+$0xFFFFFFF0] =	vst v22  }
0xe9: {  	v15 =	vadd.f32 v15, v11  }
0xea: {  	v14 =	vadd.f32 v14, v10;
	(erf) = vpow2.f32 v18;
	v44 =	vperm.xlane v20, v1  }
0xeb: {  	v45 =	vmul.f32 $2.000000030e-01, v17;
	v15 =	vperm.xlane v15, v1  }
0xec: {  	v14 =	vperm.xlane v14, v1;
	v21 =	vmul.f32 $2.000000030e-01, v44  }
0xed: {  	v48 =	vmul.f32 $2.000000030e-01, v13;
	v17 =	vmax.f32 v17, v45;
	v46 =	vmul.f32 $2.000000030e-01, v15  }
0xee: {  	v17 =	vmul.f32 $1.442695020e+00, v17;
	v47 =	vmul.f32 $2.000000030e-01, v14;
	v18 =	vmax.f32 v44, v21  }
0xef: {  	(erf) = vpow2.f32 v19;
	v15 =	vmax.f32 v15, v46;
	v18 =	vmul.f32 $1.442695020e+00, v18  }
0xf0: {  	(erf) = vpow2.f32 v17;
	v14 =	vmax.f32 v14, v47;
	v15 =	vmul.f32 $1.442695020e+00, v15  }
0xf1: {  	v13 =	vmax.f32 v13, v48;
	v14 =	vmul.f32 $1.442695020e+00, v14;
	(erf) = vpow2.f32 v18  }
0xf2: {  	v13 =	vmul.f32 $1.442695020e+00, v13;
	(erf) = vpow2.f32 v15  }
0xf3: {  	(erf) = vpow2.f32 v14  }
0xf4: {  	v8 =	vsel vm0, v8, v2;
	v49 =	vpop (erf);
	(erf) = vpow2.f32 v13  }
0xf5: {  	v5 =	vsel vm0, v5, v2;
	v50 =	vpop (erf);
	v8 =	vmul.f32 v49, v8  }
0xf6: {  	[tilespmem:s11+$0xFFFFFFE0] =	vst v16;
	v7 =	vsel vm0, v7, v2;
	v51 =	vpop (erf);
	v5 =	vmul.f32 v50, v5  }
0xf7: {  	v6 =	vsel vm0, v6, v2;
	v7 =	vmul.f32 v51, v7;
	[tilespmem:s10+$0x20] =	vst v8;
	v52 =	vpop (erf)  }
0xf8: {  	v3 =	vsel vm0, v3, v2;
	[tilespmem:s10+$0x10] =	vst v5;
	v53 =	vpop (erf);
	v54 =	vmul.f32 v52, v6  }
0xf9: {  	v55 =	vsel vm0, v9, v2;
	[tilespmem:s10+$0x0] =	vst v7;
	v3 =	vmul.f32 v53, v3;
	v56 =	vpop (erf)  }
0xfa: {  	v57 =	vsel vm0, v12, v2;
	[tilespmem:s10+$0xFFFFFFF0] =	vst v54;
	v6 =	vmul.f32 v56, v55;
	v58 =	vpop (erf)  }
0xfb: {  	s22 =	sadd.s32 $0x50, s10;
	s6 =	sadd.s32 $0x1, s6;
	[tilespmem:s10+$0xFFFFFFE0] =	vst v3;
	v3 =	vsel vm0, v11, v2;
	v5 =	vmul.f32 v58, v57;
	v59 =	vpop (erf)  }
0xfc: {  	v60 =	vsel vm0, v10, v2;
	p0 =	sne.s32 s6, $0x28;
	[tilespmem:s22+$0x20] =	vst v6;
	v3 =	vmul.f32 v59, v3;
	v61 =	vpop (erf)  }
.Ltmp3:
0xfd: {  	v4 =	vsel vm0, v4, v2;
	[tilespmem:s22+$0x10] =	vst v5;
	v62 =	vmul.f32 v61, v60;
	v63 =	vpop (erf);
	(pc) =	sbr.rel @p0 .LBB2_4-.Ltmp3, $4  }
0xfe: {  	[tilespmem:s22+$0x0] =	vst v3;
	v3 =	vmul.f32 v63, v4  }
0xff: {  	[tilespmem:s22+$0xFFFFFFF0] =	vst v62  }
0x100: {  	[tilespmem:s22+$0xFFFFFFE0] =	vst v3  }
0x101: {  	[spmem:s4] =	stream.indirect.scatter.add.f32 [tilespmem:s0], [sflag:$0x6], $0x10, s8, s23, $0xb8;
	[tilespmem:$0xF410] =	vst v63  }
0x102: {  	_ =	swait.ge [sflag:s24], $0x7D0  }
0x103: {  	[sflag:s24] =	ssyncset.done $0x0  }
0x104: {  	[sflag:s24] =	ssyncadd.s32 $0xFFFFF830  }
0x105: {  	_ =	swait.ge [sflag:s25], $0x7D0  }
0x106: {  	s5 =	sadd.s32 $0x1, s5;
	[sflag:s25] =	ssyncset.done $0x0  }
0x107: {  	p0 =	sne.s32 s5, s17;
	[sflag:s25] =	ssyncadd.s32 $0xFFFFF830  }
.Ltmp4:
0x108: {  	s6 =	sshrl.u32 s9, $0x3;
	[bflag:$0x0] =	sbarrier.arrive $0xFFFF;
	(pc) =	sbr.rel @p0 .LBB2_1-.Ltmp4, $4  }
0x109: {  	[hbm:s16], [sflag:s7] =	dma.local [spmem:s6], $0x4E2  }
0x10a: {  	_ =	swait.ge [sflag:s19], $0x4E2  }
0x10b: {  	[sflag:s19] =	ssyncset.done $0x0  }
0x10c: {  	[sflag:s19] =	ssyncadd.s32 $0xFFFFFB1E  }
0x10d: {  	_ =	sfence.sel $0x180000  }
0x10e: {  	[bflag:$0x0] =	sbarrier.arrive $0xFFFF  }
0x10f: {  	_ =	strace $0x9000004A  }
0x110: {  	s0 =	stileid.u32;
	[bflag:$0x2] =	sbarrier.arrive $0xFFFF  }
0x111: {  	p0 =	sne.s32 s0, $0x0;
	s0 =	rddreg [dreg:$0x4]  }
0x112: {  	s0 =	sadd.s32 @!p0 $0x100000, s0  }
0x113: {  	[sflag:s0] =	ssyncadd.tile.s32 @!p0 $0x1;
	_ =	shalt  }
.Lfunc_end2:
_tile_overlayer_lowered:
.L_overlay_start_2:
0x114: {  	(tag) =	ssettag $0x2  }
0x115: {  	s0 =	rddreg [dreg:$0x0];
	s2 =	stileid.u32  }
0x116: {  	s1 =	rddreg [dreg:$0x1];
	p0 =	sne.s32 s2, $0x0  }
0x117: {  	s3 =	rddreg [dreg:$0x2];
	[bflag:$0x3] =	sbarrier.arrive $0xFFFF;
	s2 =	simm.s32 @!p0 $0x1C07  }
0x118: {  	[timem:s3], [sflag:s2] =	dma.local @!p0 [hbm:s0], s1  }
0x119: {  	s0 =	simm.s32 @!p0 $0x7  }
0x11a: {  	_ =	swait.ge @!p0 [sflag:s0], s1  }
0x11b: {  	s1 =	ssub.s32 @!p0 $0x0, s1;
	[sflag:s0] =	ssyncset.done @!p0 $0x0  }
0x11c: {  	[sflag:s0] =	ssyncadd.s32 @!p0 s1  }
0x11d: {  	[bflag:$0x3] =	sbarrier.arrive $0xFFFF  }
0x11e: {  	_ =	shalt  }

// kernel: kernel.7.cloned.1.call-start
scs
__scs_entry_jumppad:
0x0: {  	(pc) =	sbr.rel $0x88, $3  }
0x1: {  	(tag) =	ssettag $0x0;
	lr =	simm.s32 $0x1  }
0x2: {  	[smem:$0x3F96] =	sst lr;
	_ =	strace $0xD0000000  }
0x3: {  	_ = 	snop  }
0x4: {  	_ = 	snop  }
0x5: {  	_ = 	snop  }
0x6: {  	_ = 	snop  }
0x7: {  	_ = 	snop  }
__scs_overlays_trampoline_lowered:
0x8: {  	[smem:$0x3FA5] =	sst s0  }
0x9: {  	[smem:$0x3FA6] =	sst s1  }
0xa: {  	[smem:$0x3FA7] =	sst s2  }
0xb: {  	[smem:$0x3FA8] =	sst s3  }
0xc: {  	[smem:$0x3FA9] =	sst s4  }
0xd: {  	[smem:$0x3FAA] =	sst s5  }
0xe: {  	[smem:$0x3FAB] =	sst s6  }
0xf: {  	[smem:$0x3FAC] =	sst s7  }
0x10: {  	[smem:$0x3FAD] =	sst s8  }
0x11: {  	[smem:$0x3FAE] =	sst s9;
	s0 =	simm.s32 @!p0 $0x0  }
0x12: {  	s1 =	sld [smem:$0x3F94];
	s0 =	simm.s32 @p0 $0x1  }
0x13: {  	[smem:$0x3FAF] =	sst s0;
	s0 =	simm.s32 @!p1 $0x0  }
0x14: {  	s2 =	sld [smem:$0x3F93];
	s0 =	simm.s32 @p1 $0x1  }
0x15: {  	[smem:$0x3FB0] =	sst s0;
	s0 =	simm.s32 @!p2 $0x0  }
0x16: {  	s3 =	sld [smem:$0x3FDB];
	s0 =	simm.s32 @p2 $0x1  }
0x17: {  	s4 =	simm.s32 $0x1BF5;
	[smem:$0x3FB2] =	sst s0  }
0x18: {  	s0 =	sld [smem:$0x3F95];
	_ =	swait.ge [sflag:s4], $0x0  }
0x19: {  	s7 =	sld [smem:$0x3F96]  }
0x1a: {  	s8 =	sadd.s32 $0xFFFFE003, lr  }
0x1b: {  	s9 =	sadd.s32 $0xFFFFFEF7, lr;
	s5 =	simm.s32 $0xFFFFFFFF;
	p2 =	slt.u32 s8, $0xFFFFF086  }
0x1c: {  	p1 =	slt.u32 s9, $0xF7A;
	s5 =	simm.s32 @!p2 $0x0  }
0x1d: {  	s5 =	simm.s32 @p1 $0x1;
	p0 =	seq.s32 s7, s2  }
0x1e: {  	s7 =	smul.u32 @!p0 $0xF7A, s2;
	p2 =	seq.s32 @!p0 s5, $0x0  }
0x1f: {  	s9 =	smul.u32 $0xF7A, s1;
	s8 =	simm.s32 @!p0 $0x1BF5;
	p2 =	por !p2, p0  }
0x20: {  	[sflag:s8] =	ssyncset.s32 @!p0 $0xFFFFF086;
	s6 =	sadd.s32 @!p0 s3, s7;
	s7 =	simm.s32 @!p0 $0x108  }
0x21: {  	s3 =	sadd.s32 s3, s9;
	s6 =	sadd.s32 @!p0 $0x88, s6;
	s7 =	simm.s32 @p2 $0x1082  }
0x22: {  	[simem:s7], [sflag:s8] =	dma.local @!p0 [hbm:s6], $0xF7A  }
0x23: {  	s9 =	sor.u32 $0xD0000000, s2;
	s6 =	simm.s32 $0x108;
	_ =	swait.ge @!p0 [sflag:s8], $0x0  }
0x24: {  	s3 =	sadd.s32 $0x88, s3;
	s6 =	simm.s32 @!p1 $0x1082;
	[sflag:s4] =	ssyncset.s32 $0xFFFFF086  }
0x25: {  	[simem:s6], [sflag:s4] =	dma.local [hbm:s3], $0xF7A  }
0x26: {  	[smem:$0x3F96] =	sst s1;
	(tag) =	ssettag s2;
	_ =	strace s9  }
0x27: {  	s1 =	sld [smem:$0x3FA6]  }
0x28: {  	s2 =	sld [smem:$0x3FA7]  }
0x29: {  	s4 =	sld [smem:$0x3FA9]  }
0x2a: {  	p0 =	seq.s32 s5, $0x0;
	s5 =	sld [smem:$0x3FAA]  }
0x2b: {  	s6 =	sld [smem:$0x3FAB]  }
0x2c: {  	s7 =	sld [smem:$0x3FAC]  }
0x2d: {  	s3 =	simm.s32 $0x108;
	s8 =	sld [smem:$0x3FAD]  }
0x2e: {  	s3 =	simm.s32 @!p0 $0x1082;
	s9 =	sld [smem:$0x3FAE]  }
0x2f: {  	lr =	sadd.s32 s0, s3;
	s0 =	sld [smem:$0x3FA5]  }
0x30: {  	s3 =	sld [smem:$0x3FA8]  }
0x31: {  	[smem:$0x3FB1] =	sst s10  }
0x32: {  	s10 =	sld [smem:$0x3FAF];
	_ =	sdelay $0x3  }
0x33: {  	p0 =	seq.s32 s10, $0x1;
	s10 =	sld [smem:$0x3FB1];
	_ =	sdelay $0x3  }
0x34: {  	[smem:$0x3FB1] =	sst s10  }
0x35: {  	s10 =	sld [smem:$0x3FB0];
	_ =	sdelay $0x3  }
0x36: {  	p1 =	seq.s32 s10, $0x1;
	s10 =	sld [smem:$0x3FB1];
	_ =	sdelay $0x3  }
0x37: {  	[smem:$0x3FB1] =	sst s10  }
0x38: {  	s10 =	sld [smem:$0x3FB2]  }
0x39: {  	_ = 	snop;
	(pc) =	sbr.ind lr, $3  }
0x3a: {  	_ = 	snop  }
0x3b: {  	_ = 	snop  }
0x3c: {  	p2 =	seq.s32 s10, $0x1;
	s10 =	sld [smem:$0x3FB1]  }
0x3d: {  	_ =	shalt  }
0x3e: {  	_ =	shalt  }
0x3f: {  	_ =	shalt  }
0x40: {  	_ =	shalt  }
0x41: {  	_ =	shalt  }
0x42: {  	_ =	shalt  }
0x43: {  	_ =	shalt  }
0x44: {  	_ =	shalt  }
0x45: {  	_ =	shalt  }
0x46: {  	_ =	shalt  }
0x47: {  	_ =	shalt  }
0x48: {  	_ =	shalt  }
0x49: {  	_ =	shalt  }
0x4a: {  	_ =	shalt  }
0x4b: {  	_ =	shalt  }
0x4c: {  	_ =	shalt  }
0x4d: {  	_ =	shalt  }
0x4e: {  	_ =	shalt  }
0x4f: {  	_ =	shalt  }
0x50: {  	_ =	shalt  }
0x51: {  	_ =	shalt  }
0x52: {  	_ =	shalt  }
0x53: {  	_ =	shalt  }
0x54: {  	_ =	shalt  }
0x55: {  	_ =	shalt  }
0x56: {  	_ =	shalt  }
0x57: {  	_ =	shalt  }
0x58: {  	_ =	shalt  }
0x59: {  	_ =	shalt  }
0x5a: {  	_ =	shalt  }
0x5b: {  	_ =	shalt  }
0x5c: {  	_ =	shalt  }
0x5d: {  	_ =	shalt  }
0x5e: {  	_ =	shalt  }
0x5f: {  	_ =	shalt  }
0x60: {  	_ =	shalt  }
0x61: {  	_ =	shalt  }
0x62: {  	_ =	shalt  }
0x63: {  	_ =	shalt  }
0x64: {  	_ =	shalt  }
0x65: {  	_ =	shalt  }
0x66: {  	_ =	shalt  }
0x67: {  	_ =	shalt  }
0x68: {  	_ =	shalt  }
0x69: {  	_ =	shalt  }
0x6a: {  	_ =	shalt  }
0x6b: {  	_ =	shalt  }
0x6c: {  	_ =	shalt  }
0x6d: {  	_ =	shalt  }
0x6e: {  	_ =	shalt  }
0x6f: {  	_ =	shalt  }
0x70: {  	_ =	shalt  }
0x71: {  	_ =	shalt  }
0x72: {  	_ =	shalt  }
0x73: {  	_ =	shalt  }
0x74: {  	_ =	shalt  }
0x75: {  	_ =	shalt  }
0x76: {  	_ =	shalt  }
0x77: {  	_ =	shalt  }
0x78: {  	_ =	shalt  }
0x79: {  	_ =	shalt  }
0x7a: {  	_ =	shalt  }
0x7b: {  	_ =	shalt  }
0x7c: {  	_ =	shalt  }
0x7d: {  	_ =	shalt  }
0x7e: {  	_ =	shalt  }
0x7f: {  	_ =	shalt  }
0x80: {  	_ =	shalt  }
0x81: {  	_ =	shalt  }
0x82: {  	_ =	shalt  }
0x83: {  	_ =	shalt  }
0x84: {  	_ =	shalt  }
0x85: {  	_ =	shalt  }
0x86: {  	_ =	shalt  }
0x87: {  	_ =	shalt  }
.Lfunc_end0:
.L_simem_size_0:
called_computation_lowered:
.L_overlay_start_0:
0x88: {  	s2 =	sld [smem:$0x3FD9]  }
0x89: {  	s3 =	sld [smem:$0x3FFE];
	_ =	sdelay $0x1  }
0x8a: {  	s1 =	srdreg.scid  }
0x8b: {  	s0 =	sand.u32 $0x1, s1  }
0x8c: {  	s16 =	sshll.u32 s0, $0xA;
	s2 =	sadd.s32 s3, s2  }
0x8d: {  	s2 =	sadd.s32 s2, s16  }
0x8e: {  	[smem:$0x3FBD] =	sst s2  }
0x8f: {  	_ = 	snop  }
0x90: {  	(tm) =	ssettm $0x1  }
0x91: {  	s17 =	sld [smem:$0x3FFB];
	_ =	sdelay $0x3  }
0x92: {  	_ =	strace s17  }
0x93: {  	s2 =	sld [smem:$0x3FFC];
	_ =	sdelay $0x3  }
0x94: {  	_ =	strace s2  }
0x95: {  	s2 =	sld [smem:$0x3FFD];
	_ =	sdelay $0x3  }
0x96: {  	_ =	strace s2  }
0x97: {  	_ =	strace $0x8FFFFFFF  }
0x98: {  	s18 =	sld [smem:$0x3FDB];
	_ =	sdelay $0x1  }
0x99: {  	s19 =	simm.s32 $_scs_section_size  }
0x9a: {  	s4 =	simm.s32 $_size__tile_overlayer_lowered;
	s5 =	simm.s32 $_tile_overlayer_lowered  }
0x9b: {  	s22 =	simm.s32 $0x1BFF;
	s21 =	sshll.u32 s5, $0x1;
	s2 =	sadd.s32 s19, s18  }
0x9c: {  	s6 =	simm.s32 $0x0;
	s20 =	sshll.u32 s4, $0x1;
	s4 =	sadd.s32 s21, s2  }
0x9d: {  	[timem:s6], [sflag:s22] =	dma.local [hbm:s4], s20  }
0x9e: {  	_ =	swait.ge [sflag:s22], s20  }
0x9f: {  	s3 =	ssub.s32 $0x0, s20;
	[sflag:s22] =	ssyncset.done $0x0  }
0xa0: {  	[sflag:s22] =	ssyncadd.s32 s3;
	_ =	sdelay $0x1  }
0xa1: {  	s23 =	simm.s32 $0x1B8B  }
0xa2: {  	_ =	swait.ge [sflag:s23], $0x1  }
0xa3: {  	[sflag:s23] =	ssyncset.done $0x0  }
0xa4: {  	s25 =	simm.s32 $0x1B8E;
	s24 =	sld [smem:$0x3FFE];
	[sflag:s23] =	ssyncadd.s32 $0xFFFFFFFF  }
0xa5: {  	s26 =	simm.s32 $execute0_lowered;
	[smem:$0x3FD2] =	sst s25  }
0xa6: {  	s4 =	sshll.u32 s26, $0x1;
	_ =	strace $0x80000046;
	[dreg:$0x1] =	wrdreg $0xFFFFFFFF  }
0xa7: {  	s28 =	simm.s32 $_size_execute0_lowered;
	s2 =	sadd.s32 s2, s4;
	[dreg:$0x0] =	wrdreg $0x0  }
0xa8: {  	s4 =	sshll.u32 s28, $0x1;
	[dreg:$0x2] =	wrdreg s2  }
0xa9: {  	[dreg:$0x3] =	wrdreg s4  }
0xaa: {  	[dreg:$0x4] =	wrdreg $0xC0  }
0xab: {  	_ =	task [dreg:s6], $0x5FFFF  }
0xac: {  	[dreg:$0x1] =	wrdreg $0xFFFFFFFF  }
0xad: {  	[dreg:$0x0] =	wrdreg $0x60  }
0xae: {  	[dreg:$0x2] =	wrdreg s24  }
0xaf: {  	[dreg:$0x3] =	wrdreg $0x1BF300  }
0xb0: {  	[dreg:$0x4] =	wrdreg $0xFBE00  }
0xb1: {  	[dreg:$0x5] =	wrdreg $0x9  }
0xb2: {  	_ =	task.clear_ibuf [dreg:s6], $0x6FFFF;
	_ =	strace $0x90000046  }
0xb3: {  	s29 =	simm.s32 $0x9;
	_ =	strace $0x80000048  }
0xb4: {  	_ =	swait.ge [sflag:s29], $0x1  }
0xb5: {  	[sflag:s29] =	ssyncadd.s32 $0xFFFFFFFF  }
0xb6: {  	_ =	strace $0x90000048  }
0xb7: {  	_ =	sfence  }
0xb8: {  	s30 =	sld [smem:$0x0];
	_ =	sdelay $0x2  }
0xb9: {  	s31 =	sshll.u32 s1, $0xD;
	s1 =	sshrl.u32 s1, $0x2  }
0xba: {  	s3 =	sand.u32 $0x4000, s31;
	s1 =	sadd.s32 s1, s30  }
0xbb: {  	s0 =	sor.u32 s3, s0;
	s1 =	sshll.u32 s1, $0x11  }
0xbc: {  	s0 =	sor.u32 s1, s0  }
0xbd: {  	s0 =	sadd.s32 $0x8F2B, s0  }
0xbe: {  	[sflag:s0] =	ssyncadd.remote.s32 $0x1  }
0xbf: {  	_ =	sfence.sel $0xFFFF  }
0xc0: {  	[dreg:$0x0] =	wrdreg $0xFFFFFFFF;
	(pc) =	sbr.abs _section_cstart, $3  }
0xc1: {  	[dreg:$0x1] =	wrdreg $0xFFFFFFFF  }
0xc2: {  	_ =	task.clear_ibuf [dreg:s6], $0x2FFFF;
	_ =	strace $0x9FFFFFFF  }
0xc3: {  	(tm) =	ssettm $0x7FFFFFFF  }
tec
execute0_lowered:
.L_overlay_start_1:
0x0: {  	(tag) =	ssettag $0x1  }
0x1: {  	s0 =	srdreg.scid  }
0x2: {  	s13 =	stileid.u32;
	s1 =	rddreg [dreg:$0x0]  }
0x3: {  	s2 =	rddreg [dreg:$0x1];
	s18 =	simm.s32 $0x7;
	s28 =	simm.s32 $0x3  }
0x4: {  	s29 =	simm.s32 $0x2;
	s30 =	simm.s32 $0x4;
	s6 =	smul.u32 $0x2710, s13  }
0x5: {  	s31 =	simm.s32 $0xD4D0;
	s0 =	sand.u32 $0x1, s0;
	s8 =	smul.u32 $0xC350, s13  }
0x6: {  	s3 =	sshll.u32 s13, $0x1;
	s12 =	smul.u32 $0x30D40, s13;
	s20 =	sshll.u32 s13, $0x6  }
0x7: {  	s4 =	sor.u32 s0, s3;
	s3 =	rddreg [dreg:$0x2];
	s7 =	smul.u32 $0xC3500, s0  }
0x8: {  	s0 =	ssub.s32 $0x2, s0;
	s5 =	smul.u32 $0x500, s4;
	s4 =	simm.s32 $0x0  }
0x9: {  	s10 =	sshrl.u32 s6, $0x3;
	s11 =	sshrl.u32 s0, $0x1;
	s6 =	sadd.s32 s6, s2  }
0xa: {  	s21 =	sshrl.u32 s12, $0x2;
	[smem:$0x7FF] =	sst s4;
	s10 =	sadd.s32 s10, s1  }
0xb: {  	s7 =	sadd.s32 s8, s7;
	s0 =	ssub.s32 s0, s11;
	s8 =	sadd.s32 s8, s3  }
0xc: {  	s26 =	sshrl.u32 s6, $0x3;
	_ =	strace $0x80000047;
	s9 =	sadd.s32 s5, s1  }
0xd: {  	s5 =	sadd.s32 $0x15A00, s1;
	s19 =	sadd.s32 $0x2E200, s10;
	[dreg:$0xd] =	wrdreg s26  }
0xe: {  	s10 =	sadd.s32 s21, s3;
	s0 =	smax.u32 s0, $0x1;
	[dreg:$0x4] =	wrdreg s19  }
0xf: {  	s7 =	sshrl.u32 s7, $0x3;
	s22 =	sadd.s32 $0x2710, s10;
	[dreg:$0xc] =	wrdreg s0  }
0x10: {  	s21 =	simm.s32 $0x7D;
	s23 =	sadd.s32 $0x4E20, s10;
	[dreg:$0x5] =	wrdreg s22  }
0x11: {  	s26 =	simm.s32 $0x1;
	s24 =	sadd.s32 $0x7530, s10;
	[dreg:$0x6] =	wrdreg s23  }
0x12: {  	s1 =	sadd.s32 s7, s1;
	s10 =	sadd.s32 $0x9C40, s10;
	[dreg:$0x7] =	wrdreg s24  }
0x13: {  	s7 =	sor.u32 $0x1C07, s20;
	s25 =	sadd.s32 $0xBA00, s9;
	[dreg:$0x8] =	wrdreg s10  }
0x14: {  	v0 =	vimm.f32 $0.0e+00;
	vm0 =	vcmask $0x1F00;
	v2 =	vlaneseq.u32;
	s9 =	sadd.s32 $0x1A00, s9;
	s19 =	simm.s32 $0xADC0;
	[dreg:$0x9] =	wrdreg s25  }
0x15: {  	v1 =	vsel vm0, $0x3F800000, v0;
	v2 =	vshrl.u32 v2, $0x3;
	s0 =	simm.s32 $0x6;
	[dreg:$0xa] =	wrdreg s9;
	s1 =	sadd.s32 $0x33200, s1  }
0x16: {  	v3 =	vor.u32 $0x2, v2;
	v4 =	vor.u32 $0x4, v2;
	v5 =	vor.u32 $0x6, v2;
	s24 =	simm.s32 $0x7710;
	s25 =	simm.s32 $0xA5F0;
	[dreg:$0xb] =	wrdreg s1  }
.LBB2_1:
0x17: {  	s1 =	rddreg [dreg:$0x4]  }
0x18: {  	s6 =	rddreg [dreg:$0xd]  }
0x19: {  	[spmem:s6], [sflag:s7] =	dma.local [hbm:s1], $0x4E2  }
0x1a: {  	_ =	swait.ge [sflag:s18], $0x4E2  }
0x1b: {  	[sflag:s18] =	ssyncset.done $0x0  }
0x1c: {  	s6 =	simm.s32 $0x140;
	s1 =	simm.s32 $0x0;
	[sflag:s18] =	ssyncadd.s32 $0xFFFFFB1E  }
.LBB2_2:
0x1d: {  	p0 =	sne.s32 s6, $0x9B00;
	[tilespmem:s1+$0xAE00] =	vst v0;
	s9 =	smov.u32 s6;
	s6 =	sadd.s32 $0x140, s6  }
.Ltmp0:
0x1e: {  	[tilespmem:s1+$0xADF0] =	vst v0;
	(pc) =	sbr.rel @p0 .LBB2_2-.Ltmp0, $4  }
0x1f: {  	[tilespmem:s1+$0xADE0] =	vst v0  }
0x20: {  	[tilespmem:s1+$0xADC0] =	vst v0  }
0x21: {  	[tilespmem:s1+$0xADD0] =	vst v0  }
0x22: {  	s1 =	sshra.s32 s9, $0x2  }
0x23: {  	[tilespmem:s1+$0xAE00] =	vst v0  }
0x24: {  	[tilespmem:s1+$0xADF0] =	vst v0  }
0x25: {  	[tilespmem:s1+$0xADE0] =	vst v0  }
0x26: {  	[tilespmem:s1+$0xADC0] =	vst v0  }
0x27: {  	[tilespmem:s1+$0xADD0] =	vst v0  }
0x28: {  	[spmem:s8] =	stream.linear.scatter [tilespmem:s19], [sflag:$0x7], $0x2710, $0x38;
	[tilespmem:$0x1E640] =	vst v63  }
0x29: {  	_ =	swait.ge [sflag:s18], $0x2710  }
0x2a: {  	[sflag:s18] =	ssyncset.done $0x0  }
0x2b: {  	s12 =	rddreg [dreg:$0x5];
	[sflag:s18] =	ssyncadd.s32 $0xFFFFD8F0  }
0x2c: {  	[spmem:s12] =	stream.linear.scatter [tilespmem:s19], [sflag:$0x7], $0x2710, $0x38;
	[tilespmem:$0x1E640] =	vst v63  }
0x2d: {  	_ =	swait.ge [sflag:s18], $0x2710  }
0x2e: {  	[sflag:s18] =	ssyncset.done $0x0  }
0x2f: {  	s13 =	rddreg [dreg:$0x6];
	[sflag:s18] =	ssyncadd.s32 $0xFFFFD8F0  }
0x30: {  	[spmem:s13] =	stream.linear.scatter [tilespmem:s19], [sflag:$0x7], $0x2710, $0x38;
	[tilespmem:$0x1E640] =	vst v63  }
0x31: {  	_ =	swait.ge [sflag:s18], $0x2710  }
0x32: {  	[sflag:s18] =	ssyncset.done $0x0  }
0x33: {  	s14 =	rddreg [dreg:$0x7];
	[sflag:s18] =	ssyncadd.s32 $0xFFFFD8F0  }
0x34: {  	[spmem:s14] =	stream.linear.scatter [tilespmem:s19], [sflag:$0x7], $0x2710, $0x38;
	[tilespmem:$0x1E640] =	vst v63  }
0x35: {  	_ =	swait.ge [sflag:s18], $0x2710  }
0x36: {  	[sflag:s18] =	ssyncset.done $0x0  }
0x37: {  	s15 =	rddreg [dreg:$0x8];
	[sflag:s18] =	ssyncadd.s32 $0xFFFFD8F0  }
0x38: {  	[spmem:s15] =	stream.linear.scatter [tilespmem:s19], [sflag:$0x7], $0x2710, $0x38;
	[tilespmem:$0x1E640] =	vst v63  }
0x39: {  	_ =	swait.ge [sflag:s18], $0x2710  }
0x3a: {  	[sflag:s18] =	ssyncset.done $0x0  }
0x3b: {  	[sflag:s18] =	ssyncadd.s32 $0xFFFFD8F0  }
0x3c: {  	[bflag:$0x0] =	sbarrier.arrive $0xFFFF  }
0x3d: {  	s22 =	simm.s32 $0x0;
	s16 =	rddreg [dreg:$0x9]  }
0x3e: {  	[tilespmem:s22], [sflag:$0x7] =	stream.linear.gather [hbm4b:s16+s22], $0x2800, $0x38;
	[tilespmem:$0x1E640] =	vst v63  }
0x3f: {  	_ =	swait.ge [sflag:s18], $0x2800  }
0x40: {  	[sflag:s18] =	ssyncset.done $0x0  }
0x41: {  	s6 =	simm.s32 $0x2800;
	s17 =	rddreg [dreg:$0xa];
	[sflag:s18] =	ssyncadd.s32 $0xFFFFD800  }
0x42: {  	[tilespmem:s6], [sflag:$0x7] =	stream.linear.gather [hbm4b:s17+s22], $0x2800, $0x38;
	[tilespmem:$0x1E640] =	vst v63  }
0x43: {  	_ =	swait.ge [sflag:s18], $0x2800  }
0x44: {  	[sflag:s18] =	ssyncset.done $0x0  }
0x45: {  	s20 =	simm.s32 $0x5000;
	[sflag:s18] =	ssyncadd.s32 $0xFFFFD800  }
0x46: {  	[tilespmem:s20], [sflag:$0x1] =	stream.indirect.gather [hbm4b:s5+s21], $0x50, s22, s21, $0xb8;
	[tilespmem:$0x1E640] =	vst v63  }
0x47: {  	s23 =	simm.s32 $0x9E20  }
0x48: {  	[tilespmem:s23], [sflag:$0x3] =	stream.indirect.gather [spmem:s2], $0x10, s6, s21, $0xb8;
	[tilespmem:$0x1E640] =	vst v63  }
.LBB2_4:
0x49: {  	s20 =	sshll.u32 s22, $0x8  }
0x4a: {  	s1 =	sor.u32 $0x80, s20  }
0x4b: {  	[tilespmem:s24], [sflag:$0x2] =	stream.indirect.gather [hbm4b:s5+s21], $0x50, s1, s21, $0xb8;
	[tilespmem:$0x1E640] =	vst v63  }
0x4c: {  	s23 =	sadd.s32 $0x2880, s20  }
0x4d: {  	[tilespmem:s25], [sflag:$0x4] =	stream.indirect.gather [spmem:s2], $0x10, s23, s21, $0xb8;
	[tilespmem:$0x1E640] =	vst v63  }
0x4e: {  	_ =	swait.ge [sflag:s26], $0x2710  }
0x4f: {  	[sflag:s26] =	ssyncset.done $0x0  }
0x50: {  	[sflag:s26] =	ssyncadd.s32 $0xFFFFD8F0  }
0x51: {  	_ =	swait.ge [sflag:s28], $0x7D0  }
0x52: {  	p0 =	seq.s32 s22, $0x0;
	[sflag:s28] =	ssyncset.done $0x0  }
0x53: {  	s1 =	simm.s32 @!p0 $0x5;
	[sflag:s28] =	ssyncadd.s32 $0xFFFFF830  }
0x54: {  	_ =	swait.ge @!p0 [sflag:s1], $0x2710  }
0x55: {  	[sflag:s1] =	ssyncset.done @!p0 $0x0  }
0x56: {  	s15 =	simm.s32 $0x50C0;
	[sflag:s1] =	ssyncadd.s32 @!p0 $0xFFFFD8F0  }
0x57: {  	s12 =	simm.s32 $0x9E40;
	v6 =	vld [tilespmem:s15+$0xC0]  }
0x58: {  	v7 =	vld [tilespmem:s12+$0x20];
	_ =	sdelay $0x4  }
0x59: {  	v6 =	vadd.f32 v7, v6;
	_ =	sdelay $0x1  }
0x5a: {  	v7 =	vmul.f32 $2.000000030e-01, v6  }
0x5b: {  	v8 =	vld [tilespmem:s15+$0xFFFFFFD0]  }
0x5c: {  	v9 =	vld [tilespmem:s12+$0xFFFFFFF0];
	v6 =	vmax.f32 v6, v7  }
0x5d: {  	v10 =	vld [tilespmem:s12+$0x0];
	v6 =	vmul.f32 $1.442695020e+00, v6  }
0x5e: {  	v11 =	vld [tilespmem:s15+$0x70]  }
0x5f: {  	v12 =	vld [tilespmem:s12+$0x10];
	(erf) = vpow2.f32 v6  }
0x60: {  	v6 =	vld [tilespmem:s15+$0x20]  }
0x61: {  	v13 =	vld [tilespmem:s15+$0xFFFFFF80]  }
0x62: {  	v7 =	vld [tilespmem:s12+$0xFFFFFFE0];
	_ =	sdelay $0x1  }
0x63: {  	v8 =	vadd.f32 v9, v8  }
0x64: {  	v6 =	vadd.f32 v10, v6  }
0x65: {  	v9 =	vadd.f32 v12, v11;
	v11 =	vmul.f32 $2.000000030e-01, v8  }
0x66: {  	v7 =	vadd.f32 v7, v13;
	v13 =	vmul.f32 $2.000000030e-01, v6  }
0x67: {  	v14 =	vmul.f32 $2.000000030e-01, v9;
	v8 =	vmax.f32 v8, v11;
	v10 =	vpop (erf)  }
0x68: {  	v8 =	vmul.f32 $1.442695020e+00, v8;
	v6 =	vmax.f32 v6, v13;
	v12 =	vmul.f32 v1, v10  }
0x69: {  	s6 =	simm.s32 $0xAE80;
	s14 =	simm.s32 $0x5250;
	v9 =	vmax.f32 v9, v14;
	v11 =	vmul.f32 $2.000000030e-01, v7;
	v6 =	vmul.f32 $1.442695020e+00, v6  }
0x6a: {  	v9 =	vmul.f32 $1.442695020e+00, v9;
	(erf) = vpow2.f32 v8;
	v8 =	vld [tilespmem:s14+$0xC0];
	[tilespmem:s6+$0xC0] =	vst v12  }
0x6b: {  	s13 =	simm.s32 $0x9E90;
	v7 =	vmax.f32 v7, v11;
	(erf) = vpow2.f32 v6;
	v12 =	vld [tilespmem:s15+$0x80]  }
0x6c: {  	s10 =	simm.s32 $0x53E0;
	v7 =	vmul.f32 $1.442695020e+00, v7;
	(erf) = vpow2.f32 v9;
	v9 =	vld [tilespmem:s13+$0x20]  }
0x6d: {  	s16 =	simm.s32 $0x9EE0;
	v37 =	vld [tilespmem:s10+$0xFFFFFFD0]  }
0x6e: {  	v40 =	vld [tilespmem:s16+$0xFFFFFFF0];
	v6 =	vperm.xlane v10, v2;
	(erf) = vpow2.f32 v7;
	_ =	sdelay $0x1  }
0x6f: {  	v6 =	vmul.f32 v12, v6  }
0x70: {  	v18 =	vld [tilespmem:s13+$0x0];
	v8 =	vadd.f32 v9, v8  }
0x71: {  	v22 =	vld [tilespmem:s14+$0x70];
	[tilespmem:s6+$0x80] =	vst v6  }
0x72: {  	v63 =	vadd.f32 v40, v37;
	v14 =	vmul.f32 $2.000000030e-01, v8;
	v6 =	vld [tilespmem:s15+$0x90]  }
0x73: {  	v11 =	vld [tilespmem:s14+$0xFFFFFFD0];
	v12 =	vpop (erf)  }
0x74: {  	v51 =	vmul.f32 $2.000000030e-01, v63;
	v13 =	vld [tilespmem:s14+$0x20];
	v17 =	vperm.xlane v10, v3;
	v16 =	vpop (erf)  }
0x75: {  	v30 =	vperm.xlane v10, v4;
	v10 =	vperm.xlane v10, v5;
	v9 =	vld [tilespmem:s13+$0xFFFFFFF0];
	v21 =	vpop (erf)  }
0x76: {  	v25 =	vld [tilespmem:s14+$0xFFFFFF80];
	v15 =	vmul.f32 v1, v12;
	v19 =	vperm.xlane v12, v2;
	v8 =	vmax.f32 v8, v14;
	v14 =	vpop (erf)  }
0x77: {  	v24 =	vmul.f32 v1, v14;
	v6 =	vmul.f32 v6, v17;
	v17 =	vld [tilespmem:s13+$0x10]  }
0x78: {  	v7 =	vld [tilespmem:s13+$0xFFFFFFE0];
	v20 =	vmul.f32 v1, v16;
	v8 =	vmul.f32 $1.442695020e+00, v8  }
0x79: {  	v13 =	vadd.f32 v18, v13;
	v18 =	vperm.xlane v16, v3;
	v23 =	vmul.f32 v1, v21;
	[tilespmem:s6+$0xFFFFFF80] =	vst v24  }
0x7a: {  	v27 =	vperm.xlane v21, v2;
	(erf) = vpow2.f32 v8;
	[tilespmem:s6+$0x90] =	vst v6;
	v6 =	vadd.f32 v9, v11;
	v29 =	vld [tilespmem:s15+$0xFFFFFF40]  }
0x7b: {  	[tilespmem:s6+$0xFFFFFFD0] =	vst v15;
	v15 =	vperm.xlane v21, v3;
	v26 =	vperm.xlane v14, v2;
	v9 =	vld [tilespmem:s15+$0xA0]  }
0x7c: {  	v8 =	vperm.xlane v16, v2;
	v28 =	vmul.f32 $2.000000030e-01, v6;
	v17 =	vadd.f32 v17, v22  }
0x7d: {  	v7 =	vadd.f32 v7, v25;
	v24 =	vperm.xlane v12, v3;
	v22 =	vmul.f32 $2.000000030e-01, v13  }
0x7e: {  	v11 =	vperm.xlane v14, v3;
	v6 =	vmax.f32 v6, v28;
	v25 =	vmul.f32 $2.000000030e-01, v17  }
0x7f: {  	v13 =	vmax.f32 v13, v22;
	v22 =	vmul.f32 $2.000000030e-01, v7;
	v6 =	vmul.f32 $1.442695020e+00, v6  }
0x80: {  	[tilespmem:s6+$0x20] =	vst v20;
	v20 =	vld [tilespmem:s15+$0xFFFFFF90];
	v26 =	vmul.f32 v29, v26;
	v9 =	vmul.f32 v9, v30  }
0x81: {  	[tilespmem:s6+$0x70] =	vst v23;
	v13 =	vmul.f32 $1.442695020e+00, v13;
	v17 =	vmax.f32 v17, v25;
	(erf) = vpow2.f32 v6  }
0x82: {  	v23 =	vld [tilespmem:s15+$0xFFFFFFE0];
	v7 =	vmax.f32 v7, v22;
	[tilespmem:s6+$0xFFFFFF40] =	vst v26;
	v26 =	vperm.xlane v16, v4;
	v17 =	vmul.f32 $1.442695020e+00, v17  }
0x83: {  	v41 =	vld [tilespmem:s10+$0x20];
	v7 =	vmul.f32 $1.442695020e+00, v7;
	(erf) = vpow2.f32 v13;
	v6 =	vpop (erf)  }
0x84: {  	v25 =	vld [tilespmem:s15+$0x30];
	v13 =	vmul.f32 v1, v6;
	(erf) = vpow2.f32 v17  }
0x85: {  	[tilespmem:s6+$0xA0] =	vst v9;
	v9 =	vld [tilespmem:s15+$0xFFFFFF50];
	v17 =	vmul.f32 v20, v19;
	v20 =	vperm.xlane v14, v4  }
0x86: {  	v44 =	vld [tilespmem:s16+$0x0];
	v42 =	vperm.xlane v6, v3;
	v52 =	vperm.xlane v6, v4  }
0x87: {  	s9 =	simm.s32 $0xB010;
	v19 =	vld [tilespmem:s15+$0xB0];
	(erf) = vpow2.f32 v7;
	v7 =	vmul.f32 v23, v8  }
0x88: {  	v28 =	vld [tilespmem:s10+$0xC0];
	v8 =	vperm.xlane v14, v5;
	v23 =	vperm.xlane v6, v2;
	[tilespmem:s9+$0xC0] =	vst v13  }
0x89: {  	[tilespmem:s6+$0xFFFFFF90] =	vst v17;
	v13 =	vmul.f32 v25, v27;
	v25 =	vperm.xlane v12, v4;
	v17 =	vld [tilespmem:s14+$0x80]  }
0x8a: {  	v22 =	vld [tilespmem:s15+$0xFFFFFFA0];
	[tilespmem:s6+$0xFFFFFFE0] =	vst v7;
	v7 =	vperm.xlane v21, v4;
	v9 =	vmul.f32 v9, v11  }
0x8b: {  	v11 =	vperm.xlane v12, v5;
	v12 =	vperm.xlane v21, v5;
	v14 =	vld [tilespmem:s15+$0xFFFFFFF0]  }
0x8c: {  	[tilespmem:s6+$0x30] =	vst v13;
	v13 =	vperm.xlane v16, v5;
	v16 =	vld [tilespmem:s16+$0x20];
	v10 =	vmul.f32 v19, v10;
	v29 =	vpop (erf)  }
0x8d: {  	v27 =	vld [tilespmem:s15+$0x40];
	v21 =	vmul.f32 v1, v29;
	v30 =	vperm.xlane v29, v2  }
0x8e: {  	v47 =	vld [tilespmem:s10+$0x70];
	[tilespmem:s6+$0xFFFFFF50] =	vst v9;
	v43 =	vperm.xlane v29, v3;
	v9 =	vmul.f32 v17, v23;
	v17 =	vpop (erf)  }
0x8f: {  	v62 =	vld [tilespmem:s10+$0xFFFFFF80];
	v22 =	vmul.f32 v22, v24;
	v38 =	vperm.xlane v17, v2  }
0x90: {  	v19 =	vld [tilespmem:s15+$0xFFFFFF60];
	v31 =	vpop (erf);
	v46 =	vperm.xlane v17, v3;
	v18 =	vmul.f32 v14, v18  }
0x91: {  	v24 =	vld [tilespmem:s16+$0x10];
	v16 =	vadd.f32 v16, v28;
	[tilespmem:s9+$0x80] =	vst v9;
	v9 =	vmul.f32 v1, v17;
	v32 =	vmul.f32 v1, v31  }
0x92: {  	v23 =	vld [tilespmem:s16+$0xFFFFFFE0];
	v39 =	vperm.xlane v31, v2;
	v27 =	vmul.f32 v27, v15  }
0x93: {  	v33 =	vpop (erf);
	v15 =	vperm.xlane v29, v4;
	v34 =	vld [tilespmem:s14+$0x90];
	v45 =	vmul.f32 $2.000000030e-01, v16  }
0x94: {  	v49 =	vadd.f32 v44, v41;
	v35 =	vmul.f32 v1, v33;
	v36 =	vperm.xlane v33, v2  }
0x95: {  	[tilespmem:s9+$0xFFFFFFD0] =	vst v21;
	v28 =	vperm.xlane v33, v3;
	v19 =	vmul.f32 v19, v20;
	v16 =	vmax.f32 v16, v45  }
0x96: {  	v20 =	vmul.f32 $2.000000030e-01, v49;
	[tilespmem:s6+$0xFFFFFFF0] =	vst v18;
	v24 =	vadd.f32 v24, v47;
	v14 =	vmul.f32 $1.442695020e+00, v16  }
0x97: {  	[tilespmem:s9+$0x20] =	vst v9;
	v9 =	vld [tilespmem:s14+$0xFFFFFF90];
	v21 =	vadd.f32 v23, v62;
	v23 =	vmax.f32 v63, v51;
	v16 =	vperm.xlane v17, v4  }
0x98: {  	v59 =	vld [tilespmem:s15+$0x0];
	v20 =	vmax.f32 v49, v20;
	v34 =	vmul.f32 v34, v42;
	(erf) = vpow2.f32 v14  }
0x99: {  	[tilespmem:s9+$0xFFFFFF80] =	vst v35;
	v55 =	vld [tilespmem:s14+$0xFFFFFFE0];
	v23 =	vmul.f32 $1.442695020e+00, v23;
	v20 =	vmul.f32 $1.442695020e+00, v20  }
0x9a: {  	v50 =	vld [tilespmem:s14+$0xFFFFFF40];
	v53 =	vmul.f32 $2.000000030e-01, v24;
	v56 =	vmul.f32 $2.000000030e-01, v21;
	[tilespmem:s9+$0x90] =	vst v34  }
0x9b: {  	[tilespmem:s6+$0xFFFFFFA0] =	vst v22;
	v42 =	vperm.xlane v31, v3;
	v14 =	vperm.xlane v31, v4;
	v48 =	vld [tilespmem:s14+$0xA0]  }
0x9c: {  	v58 =	vld [tilespmem:s15+$0xFFFFFFB0];
	v22 =	vmax.f32 v24, v53;
	(erf) = vpow2.f32 v23;
	v9 =	vmul.f32 v9, v30  }
0x9d: {  	[tilespmem:s9+$0x70] =	vst v32;
	v18 =	vmax.f32 v21, v56;
	v35 =	vmul.f32 v59, v26;
	v21 =	vmul.f32 $1.442695020e+00, v22  }
0x9e: {  	v57 =	vld [tilespmem:s14+$0x30];
	[tilespmem:s6+$0xFFFFFF60] =	vst v19;
	v22 =	vmul.f32 $1.442695020e+00, v18;
	(erf) = vpow2.f32 v20  }
0x9f: {  	[tilespmem:s6+$0x40] =	vst v27;
	v27 =	vld [tilespmem:s15+$0xFFFFFF70];
	v30 =	vmul.f32 v55, v38;
	v24 =	vmul.f32 v50, v36  }
0xa0: {  	[tilespmem:s9+$0xFFFFFF90] =	vst v9;
	(erf) = vpow2.f32 v21;
	v21 =	vld [tilespmem:s15+$0x50];
	v54 =	vmul.f32 v48, v52  }
0xa1: {  	v60 =	vld [tilespmem:s14+$0xFFFFFFA0];
	[tilespmem:s9+$0xFFFFFFE0] =	vst v30;
	v30 =	vmul.f32 v58, v25;
	v23 =	vpop (erf);
	(erf) = vpow2.f32 v22  }
0xa2: {  	v25 =	vld [tilespmem:s14+$0xFFFFFFF0];
	v22 =	vperm.xlane v29, v5;
	v29 =	vperm.xlane v6, v5;
	[tilespmem:s9+$0xA0] =	vst v54  }
0xa3: {  	[tilespmem:s9+$0xFFFFFF40] =	vst v24;
	v6 =	vperm.xlane v31, v5;
	v31 =	vmul.f32 v57, v39;
	v20 =	vld [tilespmem:s14+$0xB0]  }
0xa4: {  	s17 =	simm.s32 $0x9F30;
	v34 =	vperm.xlane v33, v4;
	v19 =	vld [tilespmem:s14+$0xFFFFFF50];
	v24 =	vmul.f32 v1, v23  }
0xa5: {  	s11 =	simm.s32 $0xB1A0;
	v45 =	vld [tilespmem:s17+$0xFFFFFFE0];
	v18 =	vperm.xlane v33, v5;
	v36 =	vmul.f32 v21, v7;
	[tilespmem:s9+$0x30] =	vst v31  }
0xa6: {  	v33 =	vmul.f32 v60, v43;
	v26 =	vperm.xlane v23, v2;
	[tilespmem:s11+$0xC0] =	vst v24;
	v21 =	vld [tilespmem:s14+$0x40]  }
0xa7: {  	s12 =	simm.s32 $0x5570;
	v53 =	vperm.xlane v23, v3;
	v46 =	vmul.f32 v25, v46;
	v9 =	vld [tilespmem:s10+$0x80]  }
0xa8: {  	v51 =	vld [tilespmem:s12+$0xFFFFFFD0];
	v24 =	vperm.xlane v17, v5;
	v17 =	vmul.f32 v20, v29  }
0xa9: {  	v63 =	vld [tilespmem:s17+$0x0];
	v20 =	vmul.f32 v19, v28;
	v29 =	vpop (erf);
	v19 =	vmul.f32 v27, v8  }
0xaa: {  	v7 =	vld [tilespmem:s17+$0x20];
	v27 =	vmul.f32 v1, v29;
	v38 =	vperm.xlane v29, v2  }
0xab: {  	v28 =	vld [tilespmem:s12+$0xC0];
	v31 =	vperm.xlane v29, v3;
	v42 =	vmul.f32 v21, v42  }
0xac: {  	v55 =	vld [tilespmem:s12+$0x70];
	v8 =	vpop (erf);
	v25 =	vperm.xlane v29, v4;
	v9 =	vmul.f32 v9, v26  }
0xad: {  	v52 =	vld [tilespmem:s12+$0x20];
	[tilespmem:s9+$0xFFFFFF50] =	vst v20;
	v37 =	vpop (erf);
	v39 =	vmul.f32 v1, v8;
	v47 =	vperm.xlane v8, v2  }
0xae: {  	v20 =	vperm.xlane v8, v3;
	v40 =	vld [tilespmem:s14+$0xFFFFFF60];
	v44 =	vmul.f32 v1, v37;
	[tilespmem:s11+$0x80] =	vst v9  }
0xaf: {  	v61 =	vpop (erf);
	v49 =	vperm.xlane v37, v2;
	v32 =	vperm.xlane v37, v3;
	v62 =	vld [tilespmem:s10+$0x90]  }
0xb0: {  	[tilespmem:s11+$0xFFFFFFD0] =	vst v27;
	v27 =	vperm.xlane v37, v4;
	v26 =	vmul.f32 v1, v61;
	v7 =	vadd.f32 v7, v28;
	v28 =	vld [tilespmem:s17+$0xFFFFFFF0]  }
0xb1: {  	v9 =	vperm.xlane v61, v2;
	v50 =	vperm.xlane v61, v3;
	v43 =	vld [tilespmem:s10+$0xFFFFFF90]  }
0xb2: {  	v58 =	vld [tilespmem:s12+$0xFFFFFF80];
	[tilespmem:s6+$0xFFFFFFB0] =	vst v30;
	v21 =	vperm.xlane v61, v4;
	v54 =	vmul.f32 $2.000000030e-01, v7  }
0xb3: {  	v57 =	vld [tilespmem:s17+$0x10];
	[tilespmem:s11+$0xFFFFFF80] =	vst v26;
	v26 =	vperm.xlane v8, v4;
	v8 =	vperm.xlane v8, v5  }
0xb4: {  	[tilespmem:s11+$0x20] =	vst v39;
	v34 =	vmul.f32 v40, v34;
	v40 =	vld [tilespmem:s10+$0xFFFFFF40];
	v7 =	vmax.f32 v7, v54;
	v48 =	vmul.f32 v62, v53  }
0xb5: {  	[tilespmem:s11+$0x70] =	vst v44;
	v44 =	vld [tilespmem:s10+$0xFFFFFFE0];
	v7 =	vmul.f32 $1.442695020e+00, v7;
	v59 =	vadd.f32 v28, v51;
	v28 =	vperm.xlane v61, v5  }
0xb6: {  	[tilespmem:s9+$0xFFFFFFA0] =	vst v33;
	v54 =	vld [tilespmem:s15+$0xFFFFFFC0];
	v62 =	vadd.f32 v63, v52;
	v63 =	vperm.xlane v23, v4;
	v52 =	vmul.f32 v43, v38  }
0xb7: {  	v45 =	vadd.f32 v45, v58;
	[tilespmem:s9+$0xFFFFFFF0] =	vst v46;
	v53 =	vld [tilespmem:s10+$0x30];
	v23 =	vperm.xlane v23, v5;
	v61 =	vmul.f32 $2.000000030e-01, v59  }
0xb8: {  	v51 =	vld [tilespmem:s14+$0xFFFFFFB0];
	[tilespmem:s11+$0x90] =	vst v48;
	(erf) = vpow2.f32 v7;
	v7 =	vperm.xlane v29, v5;
	v29 =	vadd.f32 v57, v55  }
0xb9: {  	[tilespmem:s9+$0xFFFFFF60] =	vst v34;
	v56 =	vmul.f32 $2.000000030e-01, v62;
	v60 =	vld [tilespmem:s10+$0xA0];
	v9 =	vmul.f32 v40, v9;
	v39 =	vmax.f32 v59, v61  }
0xba: {  	[tilespmem:s9+$0x40] =	vst v42;
	v46 =	vld [tilespmem:s14+$0xFFFFFF70];
	v57 =	vmul.f32 $2.000000030e-01, v29;
	v39 =	vmul.f32 $1.442695020e+00, v39  }
0xbb: {  	[tilespmem:s6+$0x0] =	vst v35;
	v33 =	vmax.f32 v62, v56;
	v59 =	vmul.f32 $2.000000030e-01, v45;
	v61 =	vld [tilespmem:s14+$0x50];
	v56 =	vmul.f32 v44, v47  }
0xbc: {  	v55 =	vld [tilespmem:s15+$0x10];
	v33 =	vmul.f32 $1.442695020e+00, v33;
	[tilespmem:s11+$0xFFFFFF40] =	vst v9;
	(erf) = vpow2.f32 v39  }
0xbd: {  	[tilespmem:s11+$0xFFFFFF90] =	vst v52;
	v9 =	vperm.xlane v37, v5;
	v15 =	vmul.f32 v51, v15;
	v29 =	vmax.f32 v29, v57;
	v48 =	vld [tilespmem:s10+$0xFFFFFF50]  }
0xbe: {  	v62 =	vmax.f32 v45, v59;
	v59 =	vld [tilespmem:s10+$0xFFFFFFA0];
	v58 =	vmul.f32 v60, v63;
	(erf) = vpow2.f32 v33  }
0xbf: {  	v57 =	vmul.f32 v53, v49;
	[tilespmem:s11+$0xFFFFFFE0] =	vst v56;
	v60 =	vld [tilespmem:s14+$0x0];
	v63 =	vmul.f32 $1.442695020e+00, v29  }
0xc0: {  	v34 =	vmul.f32 $1.442695020e+00, v62;
	v35 =	vmul.f32 v61, v14;
	v14 =	vld [tilespmem:s10+$0xFFFFFFF0];
	[tilespmem:s11+$0xA0] =	vst v58  }
0xc1: {  	s17 =	simm.s32 $0x9F80;
	v37 =	vmul.f32 v55, v13;
	(erf) = vpow2.f32 v63;
	v45 =	vld [tilespmem:s10+$0xB0];
	v29 =	vpop (erf)  }
0xc2: {  	[tilespmem:s6+$0xB0] =	vst v10;
	v56 =	vld [tilespmem:s17+$0x0];
	v33 =	vmul.f32 v46, v18;
	v30 =	vmul.f32 v1, v29  }
0xc3: {  	s13 =	simm.s32 $0xB330;
	[tilespmem:s6+$0x50] =	vst v36;
	v62 =	vld [tilespmem:s17+$0x20];
	(erf) = vpow2.f32 v34;
	v34 =	vmul.f32 v54, v11  }
0xc4: {  	v55 =	vld [tilespmem:s17+$0xFFFFFFE0];
	v39 =	vmul.f32 v60, v16;
	v16 =	vmul.f32 v48, v50;
	[tilespmem:s13+$0xC0] =	vst v30  }
0xc5: {  	[tilespmem:s9+$0xB0] =	vst v17;
	v60 =	vperm.xlane v29, v2;
	v48 =	vmul.f32 v14, v20;
	v58 =	vld [tilespmem:s12+$0x80];
	v11 =	vpop (erf)  }
0xc6: {  	[tilespmem:s11+$0x30] =	vst v57;
	v30 =	vld [tilespmem:s15+$0x60];
	v23 =	vmul.f32 v45, v23;
	v38 =	vmul.f32 v1, v11  }
0xc7: {  	s15 =	simm.s32 $0x5700;
	[tilespmem:s11+$0xFFFFFF50] =	vst v16;
	v16 =	vld [tilespmem:s10+$0x40];
	v40 =	vpop (erf);
	v42 =	vperm.xlane v11, v2;
	v17 =	vperm.xlane v11, v3  }
0xc8: {  	[tilespmem:s6+$0xFFFFFF70] =	vst v19;
	v61 =	vld [tilespmem:s15+$0xC0];
	v45 =	vmul.f32 v1, v40;
	v51 =	vperm.xlane v40, v2  }
0xc9: {  	v54 =	vld [tilespmem:s17+$0xFFFFFFF0];
	v19 =	vperm.xlane v40, v3;
	[tilespmem:s11+$0xB0] =	vst v23;
	v23 =	vmul.f32 v59, v31  }
0xca: {  	[tilespmem:s9+$0xFFFFFFB0] =	vst v15;
	v10 =	vld [tilespmem:s15+$0xFFFFFFD0];
	v15 =	vperm.xlane v40, v4;
	v43 =	vpop (erf);
	v13 =	vmul.f32 v58, v60  }
0xcb: {  	v41 =	vld [tilespmem:s10+$0xFFFFFF60];
	v46 =	vmul.f32 v1, v43;
	v52 =	vperm.xlane v43, v2  }
0xcc: {  	v31 =	vld [tilespmem:s15+$0x20];
	v18 =	vperm.xlane v43, v3;
	v60 =	vperm.xlane v29, v3;
	[tilespmem:s13+$0x80] =	vst v13  }
0xcd: {  	v47 =	vpop (erf);
	v63 =	vadd.f32 v62, v61;
	v32 =	vmul.f32 v16, v32;
	v16 =	vperm.xlane v11, v4;
	v13 =	vld [tilespmem:s12+$0x90]  }
0xce: {  	v61 =	vld [tilespmem:s15+$0x70];
	v49 =	vmul.f32 v1, v47;
	v50 =	vperm.xlane v47, v2  }
0xcf: {  	[tilespmem:s13+$0xFFFFFFD0] =	vst v38;
	v62 =	vld [tilespmem:s17+$0x10];
	v54 =	vadd.f32 v54, v10;
	v53 =	vperm.xlane v47, v3;
	v14 =	vmul.f32 $2.000000030e-01, v63  }
0xd0: {  	[tilespmem:s6+$0x10] =	vst v37;
	v59 =	vld [tilespmem:s12+$0xFFFFFF90];
	v20 =	vperm.xlane v47, v4;
	v41 =	vmul.f32 v41, v21  }
0xd1: {  	[tilespmem:s9+$0x50] =	vst v35;
	v57 =	vmul.f32 $2.000000030e-01, v54;
	v10 =	vmax.f32 v63, v14;
	v63 =	vld [tilespmem:s15+$0xFFFFFF80];
	v14 =	vperm.xlane v47, v5  }
0xd2: {  	[tilespmem:s11+$0xFFFFFFA0] =	vst v23;
	v31 =	vadd.f32 v56, v31;
	v21 =	vmul.f32 $1.442695020e+00, v10;
	v44 =	vmul.f32 v13, v60  }
0xd3: {  	[tilespmem:s13+$0xFFFFFF80] =	vst v49;
	v10 =	vperm.xlane v11, v5;
	v11 =	vperm.xlane v40, v5  }
0xd4: {  	v58 =	vld [tilespmem:s12+$0xFFFFFF40];
	v23 =	vmul.f32 $2.000000030e-01, v31;
	(erf) = vpow2.f32 v21;
	[tilespmem:s13+$0x90] =	vst v44  }
0xd5: {  	[tilespmem:s13+$0x20] =	vst v45;
	v59 =	vmul.f32 v59, v42;
	v21 =	vperm.xlane v43, v5;
	v60 =	vadd.f32 v62, v61;
	v44 =	vld [tilespmem:s12+$0xA0]  }
0xd6: {  	[tilespmem:s11+$0xFFFFFFF0] =	vst v48;
	v38 =	vld [tilespmem:s12+$0xFFFFFFE0];
	v61 =	vperm.xlane v29, v4;
	v62 =	vmax.f32 v54, v57;
	v36 =	vadd.f32 v55, v63  }
0xd7: {  	v48 =	vld [tilespmem:s10+$0xFFFFFFB0];
	[tilespmem:s13+$0x70] =	vst v46;
	v23 =	vmax.f32 v31, v23;
	v49 =	vmul.f32 $1.442695020e+00, v62;
	v63 =	vmul.f32 $2.000000030e-01, v60  }
0xd8: {  	v45 =	vld [tilespmem:s12+$0x30];
	[tilespmem:s11+$0xFFFFFF60] =	vst v41;
	v23 =	vmul.f32 $1.442695020e+00, v23;
	v31 =	vmul.f32 $2.000000030e-01, v36  }
0xd9: {  	[tilespmem:s11+$0x40] =	vst v32;
	v41 =	vld [tilespmem:s10+$0xFFFFFF70];
	v55 =	vmul.f32 v58, v50;
	(erf) = vpow2.f32 v49;
	v35 =	vmax.f32 v60, v63  }
0xda: {  	[tilespmem:s9+$0xFFFFFF70] =	vst v33;
	v56 =	vld [tilespmem:s10+$0x50];
	v31 =	vmax.f32 v36, v31;
	v35 =	vmul.f32 $1.442695020e+00, v35;
	v40 =	vmul.f32 v44, v61  }
0xdb: {  	v54 =	vld [tilespmem:s10+$0x0];
	[tilespmem:s13+$0xFFFFFF40] =	vst v55;
	(erf) = vpow2.f32 v23;
	v31 =	vmul.f32 $1.442695020e+00, v31  }
0xdc: {  	v13 =	vperm.xlane v43, v4;
	v58 =	vld [tilespmem:s12+$0xFFFFFF50];
	(erf) = vpow2.f32 v35;
	[tilespmem:s13+$0xA0] =	vst v40  }
0xdd: {  	[tilespmem:s6+$0xFFFFFFC0] =	vst v34;
	v29 =	vperm.xlane v29, v5;
	(erf) = vpow2.f32 v31;
	v23 =	vpop (erf);
	v57 =	vld [tilespmem:s12+$0xB0]  }
0xde: {  	[tilespmem:s9+$0x0] =	vst v39;
	v32 =	vmul.f32 v41, v28;
	v31 =	vld [tilespmem:s14+$0xFFFFFFC0];
	v60 =	vmul.f32 v1, v23  }
0xdf: {  	s16 =	simm.s32 $0xB4C0;
	[tilespmem:s13+$0xFFFFFF90] =	vst v59;
	v62 =	vld [tilespmem:s14+$0x10];
	v63 =	vmul.f32 v45, v52;
	v36 =	vmul.f32 v56, v27  }
0xe0: {  	v34 =	vld [tilespmem:s12+$0xFFFFFFA0];
	v27 =	vmul.f32 v30, v12;
	v61 =	vmul.f32 v38, v51;
	[tilespmem:s16+$0xC0] =	vst v60  }
0xe1: {  	[tilespmem:s13+$0x30] =	vst v63;
	v35 =	vmul.f32 v54, v26;
	v26 =	vmul.f32 v58, v53;
	v40 =	vld [tilespmem:s15+$0x80]  }
0xe2: {  	v39 =	vld [tilespmem:s12+$0x40];
	v44 =	vmul.f32 v48, v25;
	[tilespmem:s13+$0xFFFFFFE0] =	vst v61;
	v29 =	vmul.f32 v57, v29  }
0xe3: {  	v25 =	vld [tilespmem:s14+$0x60];
	v33 =	vperm.xlane v23, v2;
	[tilespmem:s13+$0xFFFFFF50] =	vst v26;
	v28 =	vmul.f32 v31, v22;
	v22 =	vpop (erf)  }
0xe4: {  	v38 =	vld [tilespmem:s12+$0xFFFFFFF0];
	v30 =	vmul.f32 v1, v22;
	[tilespmem:s13+$0xB0] =	vst v29;
	v29 =	vmul.f32 v62, v24;
	v24 =	vpop (erf)  }
0xe5: {  	s1 =	simm.s32 $0x5890;
	s14 =	simm.s32 $0x14;
	[tilespmem:s11+$0xFFFFFFB0] =	vst v44;
	v37 =	vld [tilespmem:s12+$0xFFFFFF60];
	v26 =	vperm.xlane v22, v2;
	v31 =	vmul.f32 v1, v24;
	v12 =	vpop (erf)  }
.LBB2_5:
0xe6: {  	v41 =	vld [tilespmem:s1+$0xC0];
	[tilespmem:s16+$0xFFFFFFD0] =	vst v30;
	v42 =	vmul.f32 v1, v12;
	v33 =	vmul.f32 v40, v33;
	s17 =	sadd.s32 $0x50, s17;
	v40 =	vpop (erf);
	v30 =	vmov v6  }
0xe7: {  	s14 =	sadd.s32 $0x5, s14;
	v6 =	vmovc v9;
	v9 =	vmov v21;
	v43 =	vld [tilespmem:s17+$0x20];
	v44 =	vmul.f32 v1, v40;
	v45 =	vperm.xlane v40, v2;
	[tilespmem:s16+$0x20] =	vst v31  }
0xe8: {  	v46 =	vperm.xlane v24, v2;
	v47 =	vperm.xlane v12, v2;
	p1 =	slt.u32 s14, $0x78;
	v31 =	vmov v25;
	v21 =	vld [tilespmem:s17+$0xFFFFFFE0];
	[tilespmem:s16+$0x80] =	vst v33  }
0xe9: {  	v25 =	vperm.xlane v22, v3;
	v33 =	vperm.xlane v40, v3;
	[tilespmem:s16+$0xFFFFFF80] =	vst v44;
	v44 =	vld [tilespmem:s15+$0x90]  }
0xea: {  	v49 =	vperm.xlane v24, v3;
	v48 =	vld [tilespmem:s1+$0xFFFFFFD0];
	[tilespmem:s16+$0x70] =	vst v42;
	v42 =	vperm.xlane v12, v3  }
0xeb: {  	v34 =	vmul.f32 v34, v17;
	v38 =	vmul.f32 v38, v19;
	v17 =	vmov v25;
	v50 =	vld [tilespmem:s17+$0xFFFFFFF0];
	[tilespmem:s11+$0x0] =	vst v35  }
0xec: {  	v39 =	vmul.f32 v39, v18;
	v25 =	vld [tilespmem:s1+$0x20];
	v35 =	vadd.f32 v43, v41;
	v41 =	vperm.xlane v23, v3;
	[tilespmem:s11+$0x50] =	vst v36  }
0xed: {  	v51 =	vperm.xlane v22, v4;
	v19 =	vmovc v49;
	v43 =	vperm.xlane v40, v4;
	v18 =	vmov v42;
	v36 =	vld [tilespmem:s17+$0x0];
	[tilespmem:s13+$0xFFFFFFA0] =	vst v34  }
0xee: {  	v34 =	vld [tilespmem:s1+$0x70];
	v42 =	vmul.f32 $2.000000030e-01, v35;
	v41 =	vmul.f32 v44, v41;
	[tilespmem:s13+$0xFFFFFFF0] =	vst v38  }
0xef: {  	v49 =	vperm.xlane v12, v4;
	v44 =	vperm.xlane v24, v4;
	v38 =	vld [tilespmem:s17+$0x10];
	[tilespmem:s13+$0x40] =	vst v39  }
0xf0: {  	v37 =	vmul.f32 v37, v20;
	v39 =	vld [tilespmem:s1+$0xFFFFFF80];
	v48 =	vadd.f32 v50, v48;
	v35 =	vmax.f32 v35, v42;
	[tilespmem:s16+$0x90] =	vst v41  }
0xf1: {  	v20 =	vmov v43;
	v41 =	vperm.xlane v40, v5;
	v35 =	vmul.f32 $1.442695020e+00, v35;
	v40 =	vld [tilespmem:s15+$0xA0];
	[tilespmem:s11+$0xFFFFFF70] =	vst v32  }
0xf2: {  	v42 =	vperm.xlane v22, v5;
	v32 =	vmul.f32 $2.000000030e-01, v48;
	v25 =	vadd.f32 v36, v25;
	v36 =	vld [tilespmem:s15+$0xFFFFFF40];
	[tilespmem:s13+$0xFFFFFF60] =	vst v37  }
0xf3: {  	v43 =	vperm.xlane v24, v5;
	(erf) = vpow2.f32 v35;
	v22 =	vld [tilespmem:s15+$0xFFFFFF90];
	[tilespmem:s9+$0xFFFFFFC0] =	vst v28  }
0xf4: {  	v35 =	vperm.xlane v23, v4;
	v24 =	vmul.f32 $2.000000030e-01, v25;
	v28 =	vadd.f32 v38, v34;
	v34 =	vld [tilespmem:s15+$0xFFFFFFE0];
	[tilespmem:s9+$0x10] =	vst v29  }
0xf5: {  	v32 =	vmax.f32 v48, v32;
	v29 =	vadd.f32 v21, v39;
	v37 =	vld [tilespmem:s15+$0x30];
	v21 =	vperm.xlane v12, v5;
	[tilespmem:s6+$0x60] =	vst v27;
	s6 =	smov.u32 s9;
	s9 =	smov.u32 s11;
	s11 =	smov.u32 s13  }
0xf6: {  	s13 =	smov.u32 s16;
	v12 =	vmax.f32 v25, v24;
	v24 =	vmul.f32 $2.000000030e-01, v28;
	v25 =	vmul.f32 v40, v35;
	v27 =	vld [tilespmem:s12+$0xFFFFFFB0]  }
0xf7: {  	v32 =	vmul.f32 $1.442695020e+00, v32;
	v35 =	vmul.f32 $2.000000030e-01, v29;
	v38 =	vld [tilespmem:s12+$0x0]  }
0xf8: {  	v12 =	vmul.f32 $1.442695020e+00, v12;
	v24 =	vmax.f32 v28, v24;
	v28 =	vmul.f32 v36, v45;
	[tilespmem:s16+$0xA0] =	vst v25;
	v36 =	vld [tilespmem:s12+$0x50]  }
0xf9: {  	v25 =	vmax.f32 v29, v35;
	v24 =	vmul.f32 $1.442695020e+00, v24;
	(erf) = vpow2.f32 v32;
	v29 =	vld [tilespmem:s15+$0xB0]  }
0xfa: {  	v25 =	vmul.f32 $1.442695020e+00, v25;
	(erf) = vpow2.f32 v12;
	[tilespmem:s16+$0xFFFFFF40] =	vst v28;
	v12 =	vld [tilespmem:s12+$0xFFFFFF70]  }
0xfb: {  	v22 =	vmul.f32 v22, v26;
	(erf) = vpow2.f32 v24;
	v24 =	vld [tilespmem:s15+$0xFFFFFF50]  }
0xfc: {  	(erf) = vpow2.f32 v25;
	v25 =	vperm.xlane v23, v5;
	v23 =	vpop (erf);
	v26 =	vld [tilespmem:s10+$0xFFFFFFC0]  }
0xfd: {  	v28 =	vmul.f32 v1, v23;
	[tilespmem:s16+$0xFFFFFF90] =	vst v22;
	v22 =	vmul.f32 v34, v46;
	v39 =	vld [tilespmem:s10+$0x10]  }
0xfe: {  	v37 =	vmul.f32 v37, v47;
	s16 =	sadd.s32 $0x190, s16;
	v34 =	vld [tilespmem:s15+$0xFFFFFFA0];
	v29 =	vmul.f32 v29, v25  }
0xff: {  	v45 =	vmul.f32 v27, v16;
	v16 =	vmovc v51;
	v35 =	vmul.f32 v38, v15;
	v15 =	vmov v44;
	[tilespmem:s16+$0xC0] =	vst v28;
	v25 =	vld [tilespmem:s10+$0x60];
	s10 =	smov.u32 s12;
	s12 =	smov.u32 s15;
	s15 =	smov.u32 s1  }
.Ltmp1:
0x100: {  	v36 =	vmul.f32 v36, v13;
	v13 =	vmov v49;
	v40 =	vld [tilespmem:s1+$0x80];
	v44 =	vmul.f32 v24, v33;
	[tilespmem:s13+$0xB0] =	vst v29;
	(pc) =	sbr.rel @p1 .LBB2_5-.Ltmp1, $4  }
0x101: {  	v32 =	vmul.f32 v12, v14;
	v14 =	vmovc v41;
	[tilespmem:s13+$0xFFFFFFE0] =	vst v22;
	v28 =	vmul.f32 v26, v7;
	v7 =	vmov v10  }
0x102: {  	v27 =	vmul.f32 v31, v30;
	v10 =	vmov v42;
	v22 =	vpop (erf);
	v38 =	vld [tilespmem:s12+$0xFFFFFFF0];
	[tilespmem:s13+$0x30] =	vst v37;
	v29 =	vmul.f32 v39, v8  }
0x103: {  	v33 =	vperm.xlane v23, v2;
	v8 =	vmov v11;
	v30 =	vmul.f32 v1, v22;
	v24 =	vpop (erf);
	[tilespmem:s13+$0xFFFFFF50] =	vst v44;
	v39 =	vld [tilespmem:s12+$0x40]  }
0x104: {  	s1 =	sadd.s32 $0x190, s1;
	v11 =	vmov v43;
	v26 =	vperm.xlane v22, v2;
	v31 =	vmul.f32 v1, v24;
	v12 =	vpop (erf);
	v37 =	vld [tilespmem:s12+$0xFFFFFF60];
	[tilespmem:s11+$0xFFFFFFB0] =	vst v45  }
0x105: {  	v33 =	vmul.f32 v40, v33;
	_ =	sdelay $0x1  }
0x106: {  	[tilespmem:s16+$0x80] =	vst v33  }
0x107: {  	v33 =	vld [tilespmem:s15+$0x90];
	_ =	sdelay $0x1  }
0x108: {  	v53 =	vpop (erf);
	[tilespmem:s16+$0xFFFFFFD0] =	vst v30  }
0x109: {  	v30 =	vmul.f32 v1, v53;
	[tilespmem:s16+$0x20] =	vst v31;
	v31 =	vperm.xlane v23, v3  }
0x10a: {  	[tilespmem:s11+$0x0] =	vst v35  }
0x10b: {  	[tilespmem:s16+$0xFFFFFF80] =	vst v30;
	v30 =	vmul.f32 v33, v31  }
0x10c: {  	[tilespmem:s11+$0x50] =	vst v36  }
0x10d: {  	v17 =	vmul.f32 v34, v17;
	[tilespmem:s16+$0x90] =	vst v30;
	v30 =	vld [tilespmem:s15+$0xFFFFFF40]  }
0x10e: {  	[tilespmem:s11+$0xFFFFFF70] =	vst v32;
	v19 =	vmul.f32 v38, v19;
	v31 =	vld [tilespmem:s15+$0xA0]  }
0x10f: {  	[tilespmem:s13+$0xFFFFFFA0] =	vst v17;
	v18 =	vmul.f32 v39, v18  }
0x110: {  	v41 =	vmul.f32 v1, v12;
	v17 =	vperm.xlane v53, v2;
	[tilespmem:s13+$0xFFFFFFF0] =	vst v19  }
0x111: {  	v19 =	vld [tilespmem:s15+$0xFFFFFF90];
	[tilespmem:s13+$0x40] =	vst v18;
	v18 =	vmul.f32 v37, v20;
	v20 =	vperm.xlane v23, v4  }
0x112: {  	[tilespmem:s16+$0x70] =	vst v41;
	v54 =	vld [tilespmem:s15+$0xFFFFFFE0];
	v17 =	vmul.f32 v30, v17  }
0x113: {  	[tilespmem:s13+$0xFFFFFF60] =	vst v18;
	v18 =	vmul.f32 v31, v20  }
0x114: {  	v20 =	vld [tilespmem:s15+$0x30];
	[tilespmem:s16+$0xFFFFFF40] =	vst v17  }
0x115: {  	v17 =	vperm.xlane v24, v2;
	[tilespmem:s16+$0xA0] =	vst v18;
	v18 =	vld [tilespmem:s15+$0xFFFFFF50]  }
0x116: {  	[tilespmem:s9+$0xFFFFFFC0] =	vst v28;
	v19 =	vmul.f32 v19, v26;
	v28 =	vld [tilespmem:s15+$0xB0]  }
0x117: {  	[tilespmem:s9+$0x10] =	vst v29;
	v29 =	vld [tilespmem:s12+$0xFFFFFFB0];
	v26 =	vperm.xlane v12, v2;
	v17 =	vmul.f32 v54, v17  }
0x118: {  	[tilespmem:s16+$0xFFFFFF90] =	vst v19;
	v30 =	vperm.xlane v53, v3;
	v31 =	vld [tilespmem:s12+$0x0]  }
0x119: {  	v19 =	vperm.xlane v23, v5;
	v23 =	vld [tilespmem:s15+$0xFFFFFFA0];
	v20 =	vmul.f32 v20, v26;
	[tilespmem:s16+$0xFFFFFFE0] =	vst v17  }
0x11a: {  	[tilespmem:s6+$0x60] =	vst v27;
	v17 =	vmul.f32 v18, v30;
	v18 =	vld [tilespmem:s15+$0xFFFFFFF0]  }
0x11b: {  	v26 =	vld [tilespmem:s12+$0x50];
	[tilespmem:s16+$0x30] =	vst v20;
	v19 =	vmul.f32 v28, v19  }
0x11c: {  	v16 =	vmul.f32 v29, v16;
	v20 =	vperm.xlane v22, v3;
	[tilespmem:s16+$0xFFFFFF50] =	vst v17;
	v17 =	vld [tilespmem:s15+$0x40]  }
0x11d: {  	v27 =	vperm.xlane v24, v3;
	v15 =	vmul.f32 v31, v15;
	[tilespmem:s16+$0xB0] =	vst v19;
	v19 =	vld [tilespmem:s15+$0xFFFFFF60]  }
0x11e: {  	[tilespmem:s13+$0xFFFFFFB0] =	vst v16;
	v28 =	vld [tilespmem:s12+$0xFFFFFF70];
	v16 =	vmul.f32 v23, v20  }
0x11f: {  	[tilespmem:s13+$0x0] =	vst v15;
	v20 =	vperm.xlane v12, v3;
	v23 =	vld [tilespmem:s10+$0xFFFFFFC0];
	v18 =	vmul.f32 v18, v27  }
0x120: {  	v15 =	vperm.xlane v53, v4;
	v13 =	vmul.f32 v26, v13;
	[tilespmem:s16+$0xFFFFFFA0] =	vst v16;
	v27 =	vld [tilespmem:s10+$0x10]  }
0x121: {  	v16 =	vmul.f32 v17, v20;
	[tilespmem:s16+$0xFFFFFFF0] =	vst v18;
	v17 =	vld [tilespmem:s15+$0xFFFFFFB0]  }
0x122: {  	[tilespmem:s13+$0x50] =	vst v13;
	v13 =	vmul.f32 v19, v15;
	v15 =	vld [tilespmem:s15+$0x0]  }
0x123: {  	v14 =	vmul.f32 v28, v14;
	[tilespmem:s16+$0x40] =	vst v16  }
0x124: {  	v7 =	vmul.f32 v23, v7;
	v16 =	vperm.xlane v22, v4;
	[tilespmem:s16+$0xFFFFFF60] =	vst v13;
	v13 =	vld [tilespmem:s15+$0x50]  }
0x125: {  	v18 =	vperm.xlane v24, v4;
	[tilespmem:s13+$0xFFFFFF70] =	vst v14;
	v8 =	vmul.f32 v27, v8;
	v14 =	vld [tilespmem:s15+$0xFFFFFF70]  }
0x126: {  	v19 =	vld [tilespmem:s10+$0x60];
	[tilespmem:s11+$0xFFFFFFC0] =	vst v7;
	v16 =	vmul.f32 v17, v16  }
0x127: {  	v7 =	vld [tilespmem:s12+$0xFFFFFFC0];
	v17 =	vperm.xlane v12, v4;
	[tilespmem:s11+$0x10] =	vst v8;
	v15 =	vmul.f32 v15, v18  }
0x128: {  	v6 =	vmul.f32 v25, v6;
	v8 =	vld [tilespmem:s12+$0x10];
	v18 =	vperm.xlane v53, v5;
	[tilespmem:s16+$0xFFFFFFB0] =	vst v16  }
0x129: {  	v13 =	vmul.f32 v13, v17;
	[tilespmem:s16+$0x0] =	vst v15;
	v15 =	vld [tilespmem:s15+$0xFFFFFFC0]  }
0x12a: {  	[tilespmem:s9+$0x60] =	vst v6;
	v16 =	vld [tilespmem:s12+$0x60];
	v6 =	vmul.f32 v14, v18  }
0x12b: {  	v9 =	vmul.f32 v19, v9;
	v14 =	vld [tilespmem:s15+$0x10];
	[tilespmem:s16+$0x50] =	vst v13  }
0x12c: {  	v7 =	vmul.f32 v7, v10;
	v10 =	vperm.xlane v22, v5;
	[tilespmem:s16+$0xFFFFFF70] =	vst v6;
	v6 =	vld [tilespmem:s15+$0x60]  }
0x12d: {  	[tilespmem:s11+$0x60] =	vst v9;
	v8 =	vmul.f32 v8, v11  }
0x12e: {  	[tilespmem:s13+$0xFFFFFFC0] =	vst v7;
	v11 =	vperm.xlane v24, v5;
	v7 =	vmul.f32 v15, v10  }
0x12f: {  	[tilespmem:s13+$0x10] =	vst v8;
	v8 =	vperm.xlane v12, v5;
	v10 =	vmul.f32 v16, v21  }
0x130: {  	v9 =	vmul.f32 v14, v11;
	[tilespmem:s16+$0xFFFFFFC0] =	vst v7  }
0x131: {  	[tilespmem:s13+$0x60] =	vst v10;
	v6 =	vmul.f32 v6, v8  }
0x132: {  	s1 =	sand.u32 $0x3FFFFF00, s20;
	[tilespmem:s16+$0x10] =	vst v9  }
0x133: {  	p1 =	seq.s32 s22, $0x27;
	s1 =	sadd.s32 $0x2800, s1;
	[tilespmem:s16+$0x60] =	vst v6  }
0x134: {  	[spmem:s3] =	stream.indirect.scatter.add.f32 [tilespmem:s19], [sflag:$0x5], $0x50, s1, s21, $0xb8;
	[tilespmem:$0x1E640] =	vst v63  }
0x135: {  	s6 =	simm.s32 @!p1 $0x7D;
	s9 =	simm.s32 @!p1 $0x5000;
	s1 =	sadd.s32 @!p1 $0x100, s20  }
0x136: {  	[tilespmem:s9], [sflag:$0x1] =	stream.indirect.gather @!p1 [hbm4b:s5+s6], $0x50, s1, s6, $0xb8;
	[tilespmem:$0x1E640] =	vst v63  }
0x137: {  	s1 =	sadd.s32 @!p1 $0x2900, s20;
	s9 =	simm.s32 @!p1 $0x9E20  }
0x138: {  	[tilespmem:s9], [sflag:$0x3] =	stream.indirect.gather @!p1 [spmem:s2], $0x10, s1, s6, $0xb8;
	[tilespmem:$0x1E640] =	vst v63  }
0x139: {  	_ =	swait.ge [sflag:s29], $0x2710  }
0x13a: {  	[sflag:s29] =	ssyncset.done $0x0  }
0x13b: {  	[sflag:s29] =	ssyncadd.s32 $0xFFFFD8F0  }
0x13c: {  	_ =	swait.ge [sflag:s30], $0x7D0  }
0x13d: {  	[sflag:s30] =	ssyncset.done $0x0  }
0x13e: {  	s1 =	simm.s32 @!p0 $0x6;
	[sflag:s30] =	ssyncadd.s32 $0xFFFFF830  }
0x13f: {  	_ =	swait.ge @!p0 [sflag:s1], $0x2710  }
0x140: {  	[sflag:s1] =	ssyncset.done @!p0 $0x0  }
0x141: {  	s15 =	simm.s32 $0x77D0;
	[sflag:s1] =	ssyncadd.s32 @!p0 $0xFFFFD8F0  }
0x142: {  	s14 =	simm.s32 $0xA610;
	v6 =	vld [tilespmem:s15+$0xC0]  }
0x143: {  	v7 =	vld [tilespmem:s14+$0x20];
	_ =	sdelay $0x4  }
0x144: {  	v6 =	vadd.f32 v7, v6;
	_ =	sdelay $0x1  }
0x145: {  	v7 =	vmul.f32 $2.000000030e-01, v6  }
0x146: {  	v8 =	vld [tilespmem:s15+$0xFFFFFFD0]  }
0x147: {  	v9 =	vld [tilespmem:s14+$0xFFFFFFF0];
	v6 =	vmax.f32 v6, v7  }
0x148: {  	v10 =	vld [tilespmem:s14+$0x0];
	v6 =	vmul.f32 $1.442695020e+00, v6  }
0x149: {  	v11 =	vld [tilespmem:s15+$0x70]  }
0x14a: {  	v12 =	vld [tilespmem:s14+$0x10];
	(erf) = vpow2.f32 v6  }
0x14b: {  	v6 =	vld [tilespmem:s15+$0x20]  }
0x14c: {  	v13 =	vld [tilespmem:s15+$0xFFFFFF80]  }
0x14d: {  	v7 =	vld [tilespmem:s14+$0xFFFFFFE0];
	_ =	sdelay $0x1  }
0x14e: {  	v8 =	vadd.f32 v9, v8  }
0x14f: {  	v6 =	vadd.f32 v10, v6  }
0x150: {  	v9 =	vadd.f32 v12, v11;
	v11 =	vmul.f32 $2.000000030e-01, v8  }
0x151: {  	v7 =	vadd.f32 v7, v13;
	v13 =	vmul.f32 $2.000000030e-01, v6  }
0x152: {  	v14 =	vmul.f32 $2.000000030e-01, v9;
	v8 =	vmax.f32 v8, v11;
	v10 =	vpop (erf)  }
0x153: {  	v8 =	vmul.f32 $1.442695020e+00, v8;
	v6 =	vmax.f32 v6, v13;
	v12 =	vmul.f32 v1, v10  }
0x154: {  	s6 =	simm.s32 $0xD590;
	v9 =	vmax.f32 v9, v14;
	s14 =	simm.s32 $0x7960;
	v11 =	vmul.f32 $2.000000030e-01, v7;
	v6 =	vmul.f32 $1.442695020e+00, v6  }
0x155: {  	v9 =	vmul.f32 $1.442695020e+00, v9;
	(erf) = vpow2.f32 v8;
	v8 =	vld [tilespmem:s14+$0xC0];
	[tilespmem:s6+$0xC0] =	vst v12  }
0x156: {  	s16 =	simm.s32 $0xA660;
	v7 =	vmax.f32 v7, v11;
	(erf) = vpow2.f32 v6;
	v12 =	vld [tilespmem:s15+$0x80]  }
0x157: {  	s10 =	simm.s32 $0x7AF0;
	v7 =	vmul.f32 $1.442695020e+00, v7;
	(erf) = vpow2.f32 v9;
	v9 =	vld [tilespmem:s16+$0x20]  }
0x158: {  	s17 =	simm.s32 $0xA6B0;
	v59 =	vld [tilespmem:s10+$0xFFFFFFD0]  }
0x159: {  	v60 =	vld [tilespmem:s17+$0xFFFFFFF0];
	v6 =	vperm.xlane v10, v2;
	(erf) = vpow2.f32 v7;
	_ =	sdelay $0x1  }
0x15a: {  	v6 =	vmul.f32 v12, v6  }
0x15b: {  	v18 =	vld [tilespmem:s16+$0x0];
	v8 =	vadd.f32 v9, v8  }
0x15c: {  	v22 =	vld [tilespmem:s14+$0x70];
	[tilespmem:s6+$0x80] =	vst v6  }
0x15d: {  	v63 =	vadd.f32 v60, v59;
	v14 =	vmul.f32 $2.000000030e-01, v8;
	v6 =	vld [tilespmem:s15+$0x90]  }
0x15e: {  	v11 =	vld [tilespmem:s14+$0xFFFFFFD0];
	v12 =	vpop (erf)  }
0x15f: {  	v51 =	vmul.f32 $2.000000030e-01, v63;
	v13 =	vld [tilespmem:s14+$0x20];
	v17 =	vperm.xlane v10, v3;
	v16 =	vpop (erf)  }
0x160: {  	v30 =	vperm.xlane v10, v4;
	v10 =	vperm.xlane v10, v5;
	v9 =	vld [tilespmem:s16+$0xFFFFFFF0];
	v21 =	vpop (erf)  }
0x161: {  	v25 =	vld [tilespmem:s14+$0xFFFFFF80];
	v15 =	vmul.f32 v1, v12;
	v19 =	vperm.xlane v12, v2;
	v8 =	vmax.f32 v8, v14;
	v14 =	vpop (erf)  }
0x162: {  	v24 =	vmul.f32 v1, v14;
	v6 =	vmul.f32 v6, v17;
	v17 =	vld [tilespmem:s16+$0x10]  }
0x163: {  	v7 =	vld [tilespmem:s16+$0xFFFFFFE0];
	v20 =	vmul.f32 v1, v16;
	v8 =	vmul.f32 $1.442695020e+00, v8  }
0x164: {  	v13 =	vadd.f32 v18, v13;
	v18 =	vperm.xlane v16, v3;
	v23 =	vmul.f32 v1, v21;
	[tilespmem:s6+$0xFFFFFF80] =	vst v24  }
0x165: {  	v27 =	vperm.xlane v21, v2;
	(erf) = vpow2.f32 v8;
	[tilespmem:s6+$0x90] =	vst v6;
	v6 =	vadd.f32 v9, v11;
	v29 =	vld [tilespmem:s15+$0xFFFFFF40]  }
0x166: {  	[tilespmem:s6+$0xFFFFFFD0] =	vst v15;
	v15 =	vperm.xlane v21, v3;
	v26 =	vperm.xlane v14, v2;
	v9 =	vld [tilespmem:s15+$0xA0]  }
0x167: {  	v8 =	vperm.xlane v16, v2;
	v28 =	vmul.f32 $2.000000030e-01, v6;
	v17 =	vadd.f32 v17, v22  }
0x168: {  	v7 =	vadd.f32 v7, v25;
	v24 =	vperm.xlane v12, v3;
	v22 =	vmul.f32 $2.000000030e-01, v13  }
0x169: {  	v11 =	vperm.xlane v14, v3;
	v6 =	vmax.f32 v6, v28;
	v25 =	vmul.f32 $2.000000030e-01, v17  }
0x16a: {  	v13 =	vmax.f32 v13, v22;
	v22 =	vmul.f32 $2.000000030e-01, v7;
	v6 =	vmul.f32 $1.442695020e+00, v6  }
0x16b: {  	[tilespmem:s6+$0x20] =	vst v20;
	v20 =	vld [tilespmem:s15+$0xFFFFFF90];
	v26 =	vmul.f32 v29, v26;
	v9 =	vmul.f32 v9, v30  }
0x16c: {  	[tilespmem:s6+$0x70] =	vst v23;
	v13 =	vmul.f32 $1.442695020e+00, v13;
	v17 =	vmax.f32 v17, v25;
	(erf) = vpow2.f32 v6  }
0x16d: {  	v23 =	vld [tilespmem:s15+$0xFFFFFFE0];
	v7 =	vmax.f32 v7, v22;
	[tilespmem:s6+$0xFFFFFF40] =	vst v26;
	v26 =	vperm.xlane v16, v4;
	v17 =	vmul.f32 $1.442695020e+00, v17  }
0x16e: {  	v61 =	vld [tilespmem:s10+$0x20];
	v7 =	vmul.f32 $1.442695020e+00, v7;
	(erf) = vpow2.f32 v13;
	v6 =	vpop (erf)  }
0x16f: {  	v25 =	vld [tilespmem:s15+$0x30];
	v13 =	vmul.f32 v1, v6;
	(erf) = vpow2.f32 v17  }
0x170: {  	[tilespmem:s6+$0xA0] =	vst v9;
	v9 =	vld [tilespmem:s15+$0xFFFFFF50];
	v17 =	vmul.f32 v20, v19;
	v20 =	vperm.xlane v14, v4  }
0x171: {  	v44 =	vld [tilespmem:s17+$0x0];
	v42 =	vperm.xlane v6, v3;
	v52 =	vperm.xlane v6, v4  }
0x172: {  	s9 =	simm.s32 $0xD720;
	v19 =	vld [tilespmem:s15+$0xB0];
	(erf) = vpow2.f32 v7;
	v7 =	vmul.f32 v23, v8  }
0x173: {  	v28 =	vld [tilespmem:s10+$0xC0];
	v8 =	vperm.xlane v14, v5;
	v23 =	vperm.xlane v6, v2;
	[tilespmem:s9+$0xC0] =	vst v13  }
0x174: {  	[tilespmem:s6+$0xFFFFFF90] =	vst v17;
	v13 =	vmul.f32 v25, v27;
	v25 =	vperm.xlane v12, v4;
	v17 =	vld [tilespmem:s14+$0x80]  }
0x175: {  	v22 =	vld [tilespmem:s15+$0xFFFFFFA0];
	[tilespmem:s6+$0xFFFFFFE0] =	vst v7;
	v7 =	vperm.xlane v21, v4;
	v9 =	vmul.f32 v9, v11  }
0x176: {  	v11 =	vperm.xlane v12, v5;
	v12 =	vperm.xlane v21, v5;
	v14 =	vld [tilespmem:s15+$0xFFFFFFF0]  }
0x177: {  	[tilespmem:s6+$0x30] =	vst v13;
	v13 =	vperm.xlane v16, v5;
	v16 =	vld [tilespmem:s17+$0x20];
	v10 =	vmul.f32 v19, v10;
	v29 =	vpop (erf)  }
0x178: {  	v27 =	vld [tilespmem:s15+$0x40];
	v21 =	vmul.f32 v1, v29;
	v30 =	vperm.xlane v29, v2  }
0x179: {  	v47 =	vld [tilespmem:s10+$0x70];
	[tilespmem:s6+$0xFFFFFF50] =	vst v9;
	v43 =	vperm.xlane v29, v3;
	v9 =	vmul.f32 v17, v23;
	v17 =	vpop (erf)  }
0x17a: {  	v62 =	vld [tilespmem:s10+$0xFFFFFF80];
	v22 =	vmul.f32 v22, v24;
	v38 =	vperm.xlane v17, v2  }
0x17b: {  	v19 =	vld [tilespmem:s15+$0xFFFFFF60];
	v31 =	vpop (erf);
	v46 =	vperm.xlane v17, v3;
	v18 =	vmul.f32 v14, v18  }
0x17c: {  	v24 =	vld [tilespmem:s17+$0x10];
	v16 =	vadd.f32 v16, v28;
	[tilespmem:s9+$0x80] =	vst v9;
	v9 =	vmul.f32 v1, v17;
	v55 =	vmul.f32 v1, v31  }
0x17d: {  	v23 =	vld [tilespmem:s17+$0xFFFFFFE0];
	v39 =	vperm.xlane v31, v2;
	v27 =	vmul.f32 v27, v15  }
0x17e: {  	v33 =	vpop (erf);
	v15 =	vperm.xlane v29, v4;
	v56 =	vld [tilespmem:s14+$0x90];
	v45 =	vmul.f32 $2.000000030e-01, v16  }
0x17f: {  	v49 =	vadd.f32 v44, v61;
	[tilespmem:s9+$0xFFFFFFD0] =	vst v21;
	v57 =	vmul.f32 v1, v33;
	v58 =	vperm.xlane v33, v2  }
0x180: {  	v28 =	vperm.xlane v33, v3;
	v19 =	vmul.f32 v19, v20;
	[tilespmem:s9+$0x20] =	vst v9;
	v16 =	vmax.f32 v16, v45  }
0x181: {  	v20 =	vmul.f32 $2.000000030e-01, v49;
	v9 =	vld [tilespmem:s14+$0xFFFFFF90];
	[tilespmem:s9+$0xFFFFFF80] =	vst v57;
	v24 =	vadd.f32 v24, v47;
	v14 =	vmul.f32 $1.442695020e+00, v16  }
0x182: {  	[tilespmem:s6+$0xFFFFFFF0] =	vst v18;
	v21 =	vadd.f32 v23, v62;
	v23 =	vmax.f32 v63, v51;
	v16 =	vperm.xlane v17, v4;
	v50 =	vld [tilespmem:s14+$0xFFFFFF40]  }
0x183: {  	v59 =	vld [tilespmem:s15+$0x0];
	v20 =	vmax.f32 v49, v20;
	v34 =	vmul.f32 v56, v42;
	(erf) = vpow2.f32 v14  }
0x184: {  	[tilespmem:s9+$0x70] =	vst v55;
	v23 =	vmul.f32 $1.442695020e+00, v23;
	v20 =	vmul.f32 $1.442695020e+00, v20  }
0x185: {  	v55 =	vld [tilespmem:s14+$0xFFFFFFE0];
	v53 =	vmul.f32 $2.000000030e-01, v24;
	v42 =	vperm.xlane v31, v3;
	[tilespmem:s9+$0x90] =	vst v34  }
0x186: {  	[tilespmem:s6+$0xFFFFFFA0] =	vst v22;
	v14 =	vperm.xlane v31, v4;
	v56 =	vmul.f32 $2.000000030e-01, v21;
	v48 =	vld [tilespmem:s14+$0xA0]  }
0x187: {  	v22 =	vmax.f32 v24, v53;
	(erf) = vpow2.f32 v23;
	v24 =	vmul.f32 v50, v58;
	v58 =	vld [tilespmem:s15+$0xFFFFFFB0]  }
0x188: {  	v9 =	vmul.f32 v9, v30;
	v35 =	vmul.f32 v59, v26  }
0x189: {  	v57 =	vld [tilespmem:s14+$0x30];
	[tilespmem:s6+$0xFFFFFF60] =	vst v19;
	v18 =	vmax.f32 v21, v56;
	v21 =	vmul.f32 $1.442695020e+00, v22;
	(erf) = vpow2.f32 v20  }
0x18a: {  	[tilespmem:s6+$0x40] =	vst v27;
	v27 =	vld [tilespmem:s15+$0xFFFFFF70];
	v30 =	vmul.f32 v55, v38;
	v22 =	vmul.f32 $1.442695020e+00, v18  }
0x18b: {  	[tilespmem:s9+$0xFFFFFF90] =	vst v9;
	(erf) = vpow2.f32 v21;
	v21 =	vld [tilespmem:s15+$0x50];
	v54 =	vmul.f32 v48, v52  }
0x18c: {  	v60 =	vld [tilespmem:s14+$0xFFFFFFA0];
	[tilespmem:s9+$0xFFFFFFE0] =	vst v30;
	v30 =	vmul.f32 v58, v25;
	v23 =	vpop (erf);
	(erf) = vpow2.f32 v22  }
0x18d: {  	v25 =	vld [tilespmem:s14+$0xFFFFFFF0];
	v22 =	vperm.xlane v29, v5;
	v29 =	vperm.xlane v6, v5;
	[tilespmem:s9+$0xA0] =	vst v54  }
0x18e: {  	[tilespmem:s9+$0xFFFFFF40] =	vst v24;
	v6 =	vperm.xlane v31, v5;
	v31 =	vmul.f32 v57, v39;
	v20 =	vld [tilespmem:s14+$0xB0]  }
0x18f: {  	s20 =	simm.s32 $0xA700;
	v34 =	vperm.xlane v33, v4;
	v19 =	vld [tilespmem:s14+$0xFFFFFF50];
	v24 =	vmul.f32 v1, v23  }
0x190: {  	s11 =	simm.s32 $0xD8B0;
	v45 =	vld [tilespmem:s20+$0xFFFFFFE0];
	v18 =	vperm.xlane v33, v5;
	v36 =	vmul.f32 v21, v7;
	[tilespmem:s9+$0x30] =	vst v31  }
0x191: {  	v33 =	vmul.f32 v60, v43;
	v26 =	vperm.xlane v23, v2;
	[tilespmem:s11+$0xC0] =	vst v24;
	v21 =	vld [tilespmem:s14+$0x40]  }
0x192: {  	s12 =	simm.s32 $0x7C80;
	v53 =	vperm.xlane v23, v3;
	v24 =	vperm.xlane v17, v5;
	v9 =	vld [tilespmem:s10+$0x80]  }
0x193: {  	v51 =	vld [tilespmem:s12+$0xFFFFFFD0];
	v46 =	vmul.f32 v25, v46;
	v17 =	vmul.f32 v20, v29  }
0x194: {  	v63 =	vld [tilespmem:s20+$0x0];
	v20 =	vmul.f32 v19, v28;
	v29 =	vpop (erf);
	v19 =	vmul.f32 v27, v8  }
0x195: {  	v7 =	vld [tilespmem:s20+$0x20];
	v27 =	vmul.f32 v1, v29;
	v38 =	vperm.xlane v29, v2  }
0x196: {  	v28 =	vld [tilespmem:s12+$0xC0];
	v31 =	vperm.xlane v29, v3;
	v42 =	vmul.f32 v21, v42  }
0x197: {  	v55 =	vld [tilespmem:s12+$0x70];
	v8 =	vpop (erf);
	v25 =	vperm.xlane v29, v4;
	v9 =	vmul.f32 v9, v26  }
0x198: {  	v52 =	vld [tilespmem:s12+$0x20];
	[tilespmem:s9+$0xFFFFFF50] =	vst v20;
	v37 =	vpop (erf);
	v39 =	vmul.f32 v1, v8;
	v47 =	vperm.xlane v8, v2  }
0x199: {  	v20 =	vperm.xlane v8, v3;
	v40 =	vld [tilespmem:s14+$0xFFFFFF60];
	v44 =	vmul.f32 v1, v37;
	[tilespmem:s11+$0x80] =	vst v9  }
0x19a: {  	v61 =	vpop (erf);
	v49 =	vperm.xlane v37, v2;
	v32 =	vperm.xlane v37, v3;
	v62 =	vld [tilespmem:s10+$0x90]  }
0x19b: {  	[tilespmem:s11+$0xFFFFFFD0] =	vst v27;
	v27 =	vperm.xlane v37, v4;
	v26 =	vmul.f32 v1, v61;
	v7 =	vadd.f32 v7, v28;
	v28 =	vld [tilespmem:s20+$0xFFFFFFF0]  }
0x19c: {  	v9 =	vperm.xlane v61, v2;
	v50 =	vperm.xlane v61, v3;
	v43 =	vld [tilespmem:s10+$0xFFFFFF90]  }
0x19d: {  	v58 =	vld [tilespmem:s12+$0xFFFFFF80];
	[tilespmem:s6+$0xFFFFFFB0] =	vst v30;
	v21 =	vperm.xlane v61, v4;
	v54 =	vmul.f32 $2.000000030e-01, v7  }
0x19e: {  	v57 =	vld [tilespmem:s20+$0x10];
	[tilespmem:s11+$0xFFFFFF80] =	vst v26;
	v26 =	vperm.xlane v8, v4;
	v8 =	vperm.xlane v8, v5  }
0x19f: {  	[tilespmem:s11+$0x20] =	vst v39;
	v34 =	vmul.f32 v40, v34;
	v40 =	vld [tilespmem:s10+$0xFFFFFF40];
	v7 =	vmax.f32 v7, v54;
	v48 =	vmul.f32 v62, v53  }
0x1a0: {  	[tilespmem:s11+$0x70] =	vst v44;
	v44 =	vld [tilespmem:s10+$0xFFFFFFE0];
	v7 =	vmul.f32 $1.442695020e+00, v7;
	v59 =	vadd.f32 v28, v51;
	v28 =	vperm.xlane v61, v5  }
0x1a1: {  	[tilespmem:s9+$0xFFFFFFA0] =	vst v33;
	v54 =	vld [tilespmem:s15+$0xFFFFFFC0];
	v62 =	vadd.f32 v63, v52;
	v63 =	vperm.xlane v23, v4;
	v52 =	vmul.f32 v43, v38  }
0x1a2: {  	v45 =	vadd.f32 v45, v58;
	[tilespmem:s9+$0xFFFFFFF0] =	vst v46;
	v53 =	vld [tilespmem:s10+$0x30];
	v23 =	vperm.xlane v23, v5;
	v61 =	vmul.f32 $2.000000030e-01, v59  }
0x1a3: {  	v51 =	vld [tilespmem:s14+$0xFFFFFFB0];
	[tilespmem:s11+$0x90] =	vst v48;
	(erf) = vpow2.f32 v7;
	v7 =	vperm.xlane v29, v5;
	v29 =	vadd.f32 v57, v55  }
0x1a4: {  	[tilespmem:s9+$0xFFFFFF60] =	vst v34;
	v56 =	vmul.f32 $2.000000030e-01, v62;
	v60 =	vld [tilespmem:s10+$0xA0];
	v9 =	vmul.f32 v40, v9;
	v39 =	vmax.f32 v59, v61  }
0x1a5: {  	[tilespmem:s9+$0x40] =	vst v42;
	v46 =	vld [tilespmem:s14+$0xFFFFFF70];
	v57 =	vmul.f32 $2.000000030e-01, v29;
	v39 =	vmul.f32 $1.442695020e+00, v39  }
0x1a6: {  	[tilespmem:s6+$0x0] =	vst v35;
	v33 =	vmax.f32 v62, v56;
	v59 =	vmul.f32 $2.000000030e-01, v45;
	v61 =	vld [tilespmem:s14+$0x50];
	v56 =	vmul.f32 v44, v47  }
0x1a7: {  	v55 =	vld [tilespmem:s15+$0x10];
	v33 =	vmul.f32 $1.442695020e+00, v33;
	[tilespmem:s11+$0xFFFFFF40] =	vst v9;
	(erf) = vpow2.f32 v39  }
0x1a8: {  	[tilespmem:s11+$0xFFFFFF90] =	vst v52;
	v9 =	vperm.xlane v37, v5;
	v15 =	vmul.f32 v51, v15;
	v29 =	vmax.f32 v29, v57;
	v48 =	vld [tilespmem:s10+$0xFFFFFF50]  }
0x1a9: {  	v62 =	vmax.f32 v45, v59;
	v59 =	vld [tilespmem:s10+$0xFFFFFFA0];
	v58 =	vmul.f32 v60, v63;
	(erf) = vpow2.f32 v33  }
0x1aa: {  	v57 =	vmul.f32 v53, v49;
	[tilespmem:s11+$0xFFFFFFE0] =	vst v56;
	v60 =	vld [tilespmem:s14+$0x0];
	v63 =	vmul.f32 $1.442695020e+00, v29  }
0x1ab: {  	v34 =	vmul.f32 $1.442695020e+00, v62;
	v35 =	vmul.f32 v61, v14;
	v14 =	vld [tilespmem:s10+$0xFFFFFFF0];
	[tilespmem:s11+$0xA0] =	vst v58  }
0x1ac: {  	s17 =	simm.s32 $0xA750;
	v37 =	vmul.f32 v55, v13;
	(erf) = vpow2.f32 v63;
	v45 =	vld [tilespmem:s10+$0xB0];
	v29 =	vpop (erf)  }
0x1ad: {  	[tilespmem:s6+$0xB0] =	vst v10;
	v56 =	vld [tilespmem:s17+$0x0];
	v33 =	vmul.f32 v46, v18;
	v30 =	vmul.f32 v1, v29  }
0x1ae: {  	s13 =	simm.s32 $0xDA40;
	[tilespmem:s6+$0x50] =	vst v36;
	v62 =	vld [tilespmem:s17+$0x20];
	(erf) = vpow2.f32 v34;
	v34 =	vmul.f32 v54, v11  }
0x1af: {  	v55 =	vld [tilespmem:s17+$0xFFFFFFE0];
	v39 =	vmul.f32 v60, v16;
	v16 =	vmul.f32 v48, v50;
	[tilespmem:s13+$0xC0] =	vst v30  }
0x1b0: {  	[tilespmem:s9+$0xB0] =	vst v17;
	v60 =	vperm.xlane v29, v2;
	v48 =	vmul.f32 v14, v20;
	v58 =	vld [tilespmem:s12+$0x80];
	v11 =	vpop (erf)  }
0x1b1: {  	[tilespmem:s11+$0x30] =	vst v57;
	v30 =	vld [tilespmem:s15+$0x60];
	v23 =	vmul.f32 v45, v23;
	v38 =	vmul.f32 v1, v11  }
0x1b2: {  	s15 =	simm.s32 $0x7E10;
	[tilespmem:s11+$0xFFFFFF50] =	vst v16;
	v16 =	vld [tilespmem:s10+$0x40];
	v40 =	vpop (erf);
	v42 =	vperm.xlane v11, v2;
	v17 =	vperm.xlane v11, v3  }
0x1b3: {  	[tilespmem:s6+$0xFFFFFF70] =	vst v19;
	v61 =	vld [tilespmem:s15+$0xC0];
	v45 =	vmul.f32 v1, v40;
	v51 =	vperm.xlane v40, v2  }
0x1b4: {  	v54 =	vld [tilespmem:s17+$0xFFFFFFF0];
	v19 =	vperm.xlane v40, v3;
	[tilespmem:s11+$0xB0] =	vst v23;
	v23 =	vmul.f32 v59, v31  }
0x1b5: {  	[tilespmem:s9+$0xFFFFFFB0] =	vst v15;
	v10 =	vld [tilespmem:s15+$0xFFFFFFD0];
	v15 =	vperm.xlane v40, v4;
	v43 =	vpop (erf);
	v13 =	vmul.f32 v58, v60  }
0x1b6: {  	v41 =	vld [tilespmem:s10+$0xFFFFFF60];
	v46 =	vmul.f32 v1, v43;
	v52 =	vperm.xlane v43, v2  }
0x1b7: {  	v31 =	vld [tilespmem:s15+$0x20];
	v18 =	vperm.xlane v43, v3;
	v60 =	vperm.xlane v29, v3;
	[tilespmem:s13+$0x80] =	vst v13  }
0x1b8: {  	v47 =	vpop (erf);
	v63 =	vadd.f32 v62, v61;
	v32 =	vmul.f32 v16, v32;
	v16 =	vperm.xlane v11, v4;
	v13 =	vld [tilespmem:s12+$0x90]  }
0x1b9: {  	v61 =	vld [tilespmem:s15+$0x70];
	v49 =	vmul.f32 v1, v47;
	v50 =	vperm.xlane v47, v2  }
0x1ba: {  	[tilespmem:s13+$0xFFFFFFD0] =	vst v38;
	v62 =	vld [tilespmem:s17+$0x10];
	v54 =	vadd.f32 v54, v10;
	v53 =	vperm.xlane v47, v3;
	v14 =	vmul.f32 $2.000000030e-01, v63  }
0x1bb: {  	[tilespmem:s6+$0x10] =	vst v37;
	v59 =	vld [tilespmem:s12+$0xFFFFFF90];
	v20 =	vperm.xlane v47, v4;
	v41 =	vmul.f32 v41, v21  }
0x1bc: {  	[tilespmem:s9+$0x50] =	vst v35;
	v57 =	vmul.f32 $2.000000030e-01, v54;
	v10 =	vmax.f32 v63, v14;
	v63 =	vld [tilespmem:s15+$0xFFFFFF80];
	v14 =	vperm.xlane v47, v5  }
0x1bd: {  	[tilespmem:s11+$0xFFFFFFA0] =	vst v23;
	v31 =	vadd.f32 v56, v31;
	v21 =	vmul.f32 $1.442695020e+00, v10;
	v44 =	vmul.f32 v13, v60  }
0x1be: {  	[tilespmem:s13+$0xFFFFFF80] =	vst v49;
	v10 =	vperm.xlane v11, v5;
	v11 =	vperm.xlane v40, v5  }
0x1bf: {  	v58 =	vld [tilespmem:s12+$0xFFFFFF40];
	v23 =	vmul.f32 $2.000000030e-01, v31;
	(erf) = vpow2.f32 v21;
	[tilespmem:s13+$0x90] =	vst v44  }
0x1c0: {  	[tilespmem:s13+$0x20] =	vst v45;
	v59 =	vmul.f32 v59, v42;
	v21 =	vperm.xlane v43, v5;
	v60 =	vadd.f32 v62, v61;
	v44 =	vld [tilespmem:s12+$0xA0]  }
0x1c1: {  	[tilespmem:s11+$0xFFFFFFF0] =	vst v48;
	v38 =	vld [tilespmem:s12+$0xFFFFFFE0];
	v61 =	vperm.xlane v29, v4;
	v62 =	vmax.f32 v54, v57;
	v36 =	vadd.f32 v55, v63  }
0x1c2: {  	v48 =	vld [tilespmem:s10+$0xFFFFFFB0];
	[tilespmem:s13+$0x70] =	vst v46;
	v23 =	vmax.f32 v31, v23;
	v49 =	vmul.f32 $1.442695020e+00, v62;
	v63 =	vmul.f32 $2.000000030e-01, v60  }
0x1c3: {  	v45 =	vld [tilespmem:s12+$0x30];
	[tilespmem:s11+$0xFFFFFF60] =	vst v41;
	v23 =	vmul.f32 $1.442695020e+00, v23;
	v31 =	vmul.f32 $2.000000030e-01, v36  }
0x1c4: {  	[tilespmem:s11+$0x40] =	vst v32;
	v41 =	vld [tilespmem:s10+$0xFFFFFF70];
	v55 =	vmul.f32 v58, v50;
	(erf) = vpow2.f32 v49;
	v35 =	vmax.f32 v60, v63  }
0x1c5: {  	[tilespmem:s9+$0xFFFFFF70] =	vst v33;
	v56 =	vld [tilespmem:s10+$0x50];
	v31 =	vmax.f32 v36, v31;
	v35 =	vmul.f32 $1.442695020e+00, v35;
	v40 =	vmul.f32 v44, v61  }
0x1c6: {  	v54 =	vld [tilespmem:s10+$0x0];
	[tilespmem:s13+$0xFFFFFF40] =	vst v55;
	(erf) = vpow2.f32 v23;
	v31 =	vmul.f32 $1.442695020e+00, v31  }
0x1c7: {  	v13 =	vperm.xlane v43, v4;
	v58 =	vld [tilespmem:s12+$0xFFFFFF50];
	(erf) = vpow2.f32 v35;
	[tilespmem:s13+$0xA0] =	vst v40  }
0x1c8: {  	[tilespmem:s6+$0xFFFFFFC0] =	vst v34;
	v29 =	vperm.xlane v29, v5;
	(erf) = vpow2.f32 v31;
	v23 =	vpop (erf);
	v57 =	vld [tilespmem:s12+$0xB0]  }
0x1c9: {  	[tilespmem:s9+$0x0] =	vst v39;
	v32 =	vmul.f32 v41, v28;
	v31 =	vld [tilespmem:s14+$0xFFFFFFC0];
	v60 =	vmul.f32 v1, v23  }
0x1ca: {  	s16 =	simm.s32 $0xDBD0;
	[tilespmem:s13+$0xFFFFFF90] =	vst v59;
	v62 =	vld [tilespmem:s14+$0x10];
	v63 =	vmul.f32 v45, v52;
	v36 =	vmul.f32 v56, v27  }
0x1cb: {  	v34 =	vld [tilespmem:s12+$0xFFFFFFA0];
	v27 =	vmul.f32 v30, v12;
	v61 =	vmul.f32 v38, v51;
	[tilespmem:s16+$0xC0] =	vst v60  }
0x1cc: {  	[tilespmem:s13+$0x30] =	vst v63;
	v35 =	vmul.f32 v54, v26;
	v26 =	vmul.f32 v58, v53;
	v40 =	vld [tilespmem:s15+$0x80]  }
0x1cd: {  	v39 =	vld [tilespmem:s12+$0x40];
	v44 =	vmul.f32 v48, v25;
	[tilespmem:s13+$0xFFFFFFE0] =	vst v61;
	v29 =	vmul.f32 v57, v29  }
0x1ce: {  	v25 =	vld [tilespmem:s14+$0x60];
	v33 =	vperm.xlane v23, v2;
	[tilespmem:s13+$0xFFFFFF50] =	vst v26;
	v28 =	vmul.f32 v31, v22;
	v22 =	vpop (erf)  }
0x1cf: {  	v38 =	vld [tilespmem:s12+$0xFFFFFFF0];
	v30 =	vmul.f32 v1, v22;
	[tilespmem:s13+$0xB0] =	vst v29;
	v29 =	vmul.f32 v62, v24;
	v24 =	vpop (erf)  }
0x1d0: {  	s1 =	simm.s32 $0x7FA0;
	s14 =	simm.s32 $0x14;
	[tilespmem:s11+$0xFFFFFFB0] =	vst v44;
	v37 =	vld [tilespmem:s12+$0xFFFFFF60];
	v26 =	vperm.xlane v22, v2;
	v31 =	vmul.f32 v1, v24;
	v12 =	vpop (erf)  }
.LBB2_7:
0x1d1: {  	v41 =	vld [tilespmem:s1+$0xC0];
	[tilespmem:s16+$0xFFFFFFD0] =	vst v30;
	v42 =	vmul.f32 v1, v12;
	v33 =	vmul.f32 v40, v33;
	s17 =	sadd.s32 $0x50, s17;
	v40 =	vpop (erf);
	v30 =	vmov v6  }
0x1d2: {  	s14 =	sadd.s32 $0x5, s14;
	v6 =	vmovc v9;
	v9 =	vmov v21;
	v43 =	vld [tilespmem:s17+$0x20];
	v44 =	vmul.f32 v1, v40;
	v45 =	vperm.xlane v40, v2;
	[tilespmem:s16+$0x20] =	vst v31  }
0x1d3: {  	v46 =	vperm.xlane v24, v2;
	v47 =	vperm.xlane v12, v2;
	p0 =	slt.u32 s14, $0x78;
	v31 =	vmov v25;
	v21 =	vld [tilespmem:s17+$0xFFFFFFE0];
	[tilespmem:s16+$0x80] =	vst v33  }
0x1d4: {  	v25 =	vperm.xlane v22, v3;
	v33 =	vperm.xlane v40, v3;
	[tilespmem:s16+$0xFFFFFF80] =	vst v44;
	v44 =	vld [tilespmem:s15+$0x90]  }
0x1d5: {  	v49 =	vperm.xlane v24, v3;
	v48 =	vld [tilespmem:s1+$0xFFFFFFD0];
	[tilespmem:s16+$0x70] =	vst v42;
	v42 =	vperm.xlane v12, v3  }
0x1d6: {  	v34 =	vmul.f32 v34, v17;
	v38 =	vmul.f32 v38, v19;
	v17 =	vmov v25;
	v50 =	vld [tilespmem:s17+$0xFFFFFFF0];
	[tilespmem:s11+$0x0] =	vst v35  }
0x1d7: {  	v39 =	vmul.f32 v39, v18;
	v25 =	vld [tilespmem:s1+$0x20];
	v35 =	vadd.f32 v43, v41;
	v41 =	vperm.xlane v23, v3;
	[tilespmem:s11+$0x50] =	vst v36  }
0x1d8: {  	v51 =	vperm.xlane v22, v4;
	v19 =	vmovc v49;
	v43 =	vperm.xlane v40, v4;
	v18 =	vmov v42;
	v36 =	vld [tilespmem:s17+$0x0];
	[tilespmem:s13+$0xFFFFFFA0] =	vst v34  }
0x1d9: {  	v34 =	vld [tilespmem:s1+$0x70];
	v42 =	vmul.f32 $2.000000030e-01, v35;
	v41 =	vmul.f32 v44, v41;
	[tilespmem:s13+$0xFFFFFFF0] =	vst v38  }
0x1da: {  	v49 =	vperm.xlane v12, v4;
	v44 =	vperm.xlane v24, v4;
	v38 =	vld [tilespmem:s17+$0x10];
	[tilespmem:s13+$0x40] =	vst v39  }
0x1db: {  	v37 =	vmul.f32 v37, v20;
	v39 =	vld [tilespmem:s1+$0xFFFFFF80];
	v48 =	vadd.f32 v50, v48;
	v35 =	vmax.f32 v35, v42;
	[tilespmem:s16+$0x90] =	vst v41  }
0x1dc: {  	v20 =	vmov v43;
	v41 =	vperm.xlane v40, v5;
	v35 =	vmul.f32 $1.442695020e+00, v35;
	v40 =	vld [tilespmem:s15+$0xA0];
	[tilespmem:s11+$0xFFFFFF70] =	vst v32  }
0x1dd: {  	v42 =	vperm.xlane v22, v5;
	v32 =	vmul.f32 $2.000000030e-01, v48;
	v25 =	vadd.f32 v36, v25;
	v36 =	vld [tilespmem:s15+$0xFFFFFF40];
	[tilespmem:s13+$0xFFFFFF60] =	vst v37  }
0x1de: {  	v43 =	vperm.xlane v24, v5;
	(erf) = vpow2.f32 v35;
	v22 =	vld [tilespmem:s15+$0xFFFFFF90];
	[tilespmem:s9+$0xFFFFFFC0] =	vst v28  }
0x1df: {  	v35 =	vperm.xlane v23, v4;
	v24 =	vmul.f32 $2.000000030e-01, v25;
	v28 =	vadd.f32 v38, v34;
	v34 =	vld [tilespmem:s15+$0xFFFFFFE0];
	[tilespmem:s9+$0x10] =	vst v29  }
0x1e0: {  	v32 =	vmax.f32 v48, v32;
	v29 =	vadd.f32 v21, v39;
	v37 =	vld [tilespmem:s15+$0x30];
	v21 =	vperm.xlane v12, v5;
	[tilespmem:s6+$0x60] =	vst v27;
	s6 =	smov.u32 s9;
	s9 =	smov.u32 s11;
	s11 =	smov.u32 s13  }
0x1e1: {  	s13 =	smov.u32 s16;
	v12 =	vmax.f32 v25, v24;
	v24 =	vmul.f32 $2.000000030e-01, v28;
	v25 =	vmul.f32 v40, v35;
	v27 =	vld [tilespmem:s12+$0xFFFFFFB0]  }
0x1e2: {  	v32 =	vmul.f32 $1.442695020e+00, v32;
	v35 =	vmul.f32 $2.000000030e-01, v29;
	v38 =	vld [tilespmem:s12+$0x0]  }
0x1e3: {  	v12 =	vmul.f32 $1.442695020e+00, v12;
	v24 =	vmax.f32 v28, v24;
	v28 =	vmul.f32 v36, v45;
	[tilespmem:s16+$0xA0] =	vst v25;
	v36 =	vld [tilespmem:s12+$0x50]  }
0x1e4: {  	v25 =	vmax.f32 v29, v35;
	v24 =	vmul.f32 $1.442695020e+00, v24;
	(erf) = vpow2.f32 v32;
	v29 =	vld [tilespmem:s15+$0xB0]  }
0x1e5: {  	v25 =	vmul.f32 $1.442695020e+00, v25;
	(erf) = vpow2.f32 v12;
	[tilespmem:s16+$0xFFFFFF40] =	vst v28;
	v12 =	vld [tilespmem:s12+$0xFFFFFF70]  }
0x1e6: {  	v22 =	vmul.f32 v22, v26;
	(erf) = vpow2.f32 v24;
	v24 =	vld [tilespmem:s15+$0xFFFFFF50]  }
0x1e7: {  	(erf) = vpow2.f32 v25;
	v25 =	vperm.xlane v23, v5;
	v23 =	vpop (erf);
	v26 =	vld [tilespmem:s10+$0xFFFFFFC0]  }
0x1e8: {  	v28 =	vmul.f32 v1, v23;
	[tilespmem:s16+$0xFFFFFF90] =	vst v22;
	v22 =	vmul.f32 v34, v46;
	v39 =	vld [tilespmem:s10+$0x10]  }
0x1e9: {  	v37 =	vmul.f32 v37, v47;
	s16 =	sadd.s32 $0x190, s16;
	v34 =	vld [tilespmem:s15+$0xFFFFFFA0];
	v29 =	vmul.f32 v29, v25  }
0x1ea: {  	v45 =	vmul.f32 v27, v16;
	v16 =	vmovc v51;
	v35 =	vmul.f32 v38, v15;
	v15 =	vmov v44;
	[tilespmem:s16+$0xC0] =	vst v28;
	v25 =	vld [tilespmem:s10+$0x60];
	s10 =	smov.u32 s12;
	s12 =	smov.u32 s15;
	s15 =	smov.u32 s1  }
.Ltmp2:
0x1eb: {  	v36 =	vmul.f32 v36, v13;
	v13 =	vmov v49;
	v40 =	vld [tilespmem:s1+$0x80];
	v44 =	vmul.f32 v24, v33;
	[tilespmem:s13+$0xB0] =	vst v29;
	(pc) =	sbr.rel @p0 .LBB2_7-.Ltmp2, $4  }
0x1ec: {  	v32 =	vmul.f32 v12, v14;
	v14 =	vmovc v41;
	[tilespmem:s13+$0xFFFFFFE0] =	vst v22;
	v28 =	vmul.f32 v26, v7;
	v7 =	vmov v10  }
0x1ed: {  	v27 =	vmul.f32 v31, v30;
	v10 =	vmov v42;
	v22 =	vpop (erf);
	v38 =	vld [tilespmem:s12+$0xFFFFFFF0];
	[tilespmem:s13+$0x30] =	vst v37;
	v29 =	vmul.f32 v39, v8  }
0x1ee: {  	v33 =	vperm.xlane v23, v2;
	v8 =	vmov v11;
	v30 =	vmul.f32 v1, v22;
	v24 =	vpop (erf);
	[tilespmem:s13+$0xFFFFFF50] =	vst v44;
	v39 =	vld [tilespmem:s12+$0x40]  }
0x1ef: {  	s1 =	sadd.s32 $0x190, s1;
	v11 =	vmov v43;
	v26 =	vperm.xlane v22, v2;
	v31 =	vmul.f32 v1, v24;
	v12 =	vpop (erf);
	v37 =	vld [tilespmem:s12+$0xFFFFFF60];
	[tilespmem:s11+$0xFFFFFFB0] =	vst v45  }
0x1f0: {  	[tilespmem:s16+$0xFFFFFFD0] =	vst v30  }
0x1f1: {  	[tilespmem:s11+$0x0] =	vst v35  }
0x1f2: {  	v33 =	vmul.f32 v40, v33;
	v40 =	vpop (erf);
	[tilespmem:s11+$0x50] =	vst v36  }
0x1f3: {  	[tilespmem:s11+$0xFFFFFF70] =	vst v32;
	v63 =	vmul.f32 v1, v40  }
0x1f4: {  	[tilespmem:s9+$0xFFFFFFC0] =	vst v28  }
0x1f5: {  	[tilespmem:s16+$0xFFFFFF80] =	vst v63  }
0x1f6: {  	[tilespmem:s9+$0x10] =	vst v29;
	v44 =	vld [tilespmem:s15+$0xFFFFFF40]  }
0x1f7: {  	[tilespmem:s6+$0x60] =	vst v27  }
0x1f8: {  	v41 =	vmul.f32 v1, v12;
	[tilespmem:s16+$0x20] =	vst v31  }
0x1f9: {  	v17 =	vmul.f32 v34, v17;
	v46 =	vperm.xlane v40, v2;
	v48 =	vld [tilespmem:s15+$0xFFFFFF90];
	[tilespmem:s16+$0x80] =	vst v33  }
0x1fa: {  	v6 =	vmul.f32 v25, v6;
	[tilespmem:s16+$0x70] =	vst v41;
	v50 =	vld [tilespmem:s15+$0xFFFFFFE0]  }
0x1fb: {  	[tilespmem:s13+$0xFFFFFFA0] =	vst v17;
	v33 =	vld [tilespmem:s15+$0x90];
	v17 =	vmul.f32 v44, v46  }
0x1fc: {  	v19 =	vmul.f32 v38, v19;
	v41 =	vld [tilespmem:s10+$0xFFFFFFC0];
	[tilespmem:s9+$0x60] =	vst v6  }
0x1fd: {  	v18 =	vmul.f32 v39, v18;
	v52 =	vld [tilespmem:s15+$0x30];
	[tilespmem:s16+$0xFFFFFF40] =	vst v17  }
0x1fe: {  	v42 =	vperm.xlane v23, v3;
	[tilespmem:s13+$0xFFFFFFF0] =	vst v19;
	v47 =	vmul.f32 v37, v20;
	v54 =	vld [tilespmem:s15+$0xFFFFFF50]  }
0x1ff: {  	v53 =	vperm.xlane v24, v2;
	v57 =	vld [tilespmem:s12+$0xFFFFFFB0];
	[tilespmem:s13+$0x40] =	vst v18;
	v19 =	vmul.f32 v48, v26  }
0x200: {  	v56 =	vperm.xlane v12, v2;
	v59 =	vld [tilespmem:s12+$0x0];
	[tilespmem:s13+$0xFFFFFF60] =	vst v47;
	v43 =	vmul.f32 v33, v42  }
0x201: {  	v58 =	vperm.xlane v40, v3;
	v32 =	vld [tilespmem:s12+$0x50];
	[tilespmem:s16+$0xFFFFFF90] =	vst v19;
	v17 =	vmul.f32 v50, v53  }
0x202: {  	v20 =	vmul.f32 v52, v56;
	v61 =	vld [tilespmem:s15+$0xFFFFFFA0];
	[tilespmem:s16+$0x90] =	vst v43  }
0x203: {  	v45 =	vld [tilespmem:s15+$0xA0];
	[tilespmem:s16+$0xFFFFFFE0] =	vst v17;
	v62 =	vmul.f32 v54, v58  }
0x204: {  	v7 =	vmul.f32 v41, v7;
	[tilespmem:s16+$0x30] =	vst v20;
	v63 =	vld [tilespmem:s15+$0xFFFFFFF0]  }
0x205: {  	v33 =	vperm.xlane v22, v3;
	v16 =	vmul.f32 v57, v16;
	v34 =	vld [tilespmem:s15+$0x40];
	[tilespmem:s16+$0xFFFFFF50] =	vst v62  }
0x206: {  	v49 =	vperm.xlane v23, v4;
	[tilespmem:s11+$0xFFFFFFC0] =	vst v7;
	v15 =	vmul.f32 v59, v15;
	v36 =	vld [tilespmem:s15+$0xFFFFFF60]  }
0x207: {  	v35 =	vperm.xlane v24, v3;
	v37 =	vld [tilespmem:s12+$0xFFFFFF70];
	[tilespmem:s13+$0xFFFFFFB0] =	vst v16;
	v38 =	vmul.f32 v61, v33  }
0x208: {  	v39 =	vperm.xlane v12, v3;
	v43 =	vld [tilespmem:s10+$0x10];
	[tilespmem:s13+$0x0] =	vst v15;
	v51 =	vmul.f32 v45, v49  }
0x209: {  	v42 =	vperm.xlane v40, v4;
	v7 =	vld [tilespmem:s12+$0xFFFFFFC0];
	[tilespmem:s16+$0xFFFFFFA0] =	vst v38;
	v18 =	vmul.f32 v63, v35  }
0x20a: {  	v44 =	vmul.f32 v34, v39;
	v45 =	vld [tilespmem:s15+$0xFFFFFFB0];
	[tilespmem:s16+$0xA0] =	vst v51  }
0x20b: {  	v55 =	vld [tilespmem:s15+$0xB0];
	[tilespmem:s16+$0xFFFFFFF0] =	vst v18;
	v46 =	vmul.f32 v36, v42  }
0x20c: {  	v13 =	vmul.f32 v32, v13;
	[tilespmem:s16+$0x40] =	vst v44;
	v47 =	vld [tilespmem:s15+$0x0]  }
0x20d: {  	v60 =	vperm.xlane v23, v5;
	v14 =	vmul.f32 v37, v14;
	v49 =	vld [tilespmem:s15+$0x50];
	[tilespmem:s16+$0xFFFFFF60] =	vst v46  }
0x20e: {  	v48 =	vperm.xlane v22, v4;
	[tilespmem:s13+$0x50] =	vst v13;
	v8 =	vmul.f32 v43, v8;
	v51 =	vld [tilespmem:s15+$0xFFFFFF70]  }
0x20f: {  	v50 =	vperm.xlane v24, v4;
	v53 =	vld [tilespmem:s12+$0x10];
	[tilespmem:s13+$0xFFFFFF70] =	vst v14;
	v7 =	vmul.f32 v7, v10  }
0x210: {  	v52 =	vperm.xlane v12, v4;
	[tilespmem:s11+$0x10] =	vst v8;
	v58 =	vld [tilespmem:s12+$0x60];
	v16 =	vmul.f32 v45, v48  }
0x211: {  	v54 =	vperm.xlane v40, v5;
	[tilespmem:s13+$0xFFFFFFC0] =	vst v7;
	v15 =	vmul.f32 v47, v50  }
0x212: {  	v19 =	vmul.f32 v55, v60;
	v55 =	vld [tilespmem:s10+$0x60];
	[tilespmem:s16+$0xFFFFFFB0] =	vst v16;
	v13 =	vmul.f32 v49, v52  }
0x213: {  	v56 =	vld [tilespmem:s15+$0xFFFFFFC0];
	[tilespmem:s16+$0x0] =	vst v15;
	v6 =	vmul.f32 v51, v54  }
0x214: {  	v8 =	vmul.f32 v53, v11;
	[tilespmem:s16+$0x50] =	vst v13;
	v57 =	vld [tilespmem:s15+$0x10]  }
0x215: {  	v63 =	vmul.f32 v58, v21;
	[tilespmem:s16+$0xFFFFFF70] =	vst v6;
	v6 =	vld [tilespmem:s15+$0x60]  }
0x216: {  	v59 =	vperm.xlane v22, v5;
	[tilespmem:s13+$0x10] =	vst v8  }
0x217: {  	s22 =	sadd.s32 $0x1, s22;
	v60 =	vperm.xlane v24, v5;
	[tilespmem:s13+$0x60] =	vst v63;
	v9 =	vmul.f32 v55, v9  }
0x218: {  	p0 =	sne.s32 s22, $0x28;
	v61 =	vperm.xlane v12, v5;
	[tilespmem:s16+$0xB0] =	vst v19;
	v7 =	vmul.f32 v56, v59  }
.Ltmp3:
0x219: {  	[tilespmem:s11+$0x60] =	vst v9;
	v62 =	vmul.f32 v57, v60;
	(pc) =	sbr.rel @p0 .LBB2_4-.Ltmp3, $4  }
0x21a: {  	[tilespmem:s16+$0xFFFFFFC0] =	vst v7;
	v6 =	vmul.f32 v6, v61  }
0x21b: {  	[tilespmem:s16+$0x10] =	vst v62  }
0x21c: {  	[tilespmem:s16+$0x60] =	vst v6  }
0x21d: {  	[spmem:s3] =	stream.indirect.scatter.add.f32 [tilespmem:s31], [sflag:$0x6], $0x50, s23, s21, $0xb8;
	[tilespmem:$0x1E640] =	vst v63  }
0x21e: {  	s1 =	simm.s32 $0x5  }
0x21f: {  	_ =	swait.ge [sflag:s1], $0x2710  }
0x220: {  	[sflag:s1] =	ssyncset.done $0x0  }
0x221: {  	[sflag:s1] =	ssyncadd.s32 $0xFFFFD8F0  }
0x222: {  	_ =	swait.ge [sflag:s0], $0x2710  }
0x223: {  	[sflag:s0] =	ssyncset.done $0x0  }
0x224: {  	[sflag:s0] =	ssyncadd.s32 $0xFFFFD8F0  }
0x225: {  	[bflag:$0x0] =	sbarrier.arrive $0xFFFF  }
0x226: {  	s22 =	sshrl.u32 s8, $0x3;
	s6 =	rddreg [dreg:$0xb]  }
0x227: {  	[hbm:s6], [sflag:s7] =	dma.local [spmem:s22], $0x186A  }
0x228: {  	_ =	swait.ge [sflag:s18], $0x186A  }
0x229: {  	s4 =	sadd.s32 $0x1, s4;
	s23 =	rddreg [dreg:$0xc]  }
0x22a: {  	p0 =	sne.s32 s4, s23  }
.Ltmp4:
0x22b: {  	_ = 	snop;
	(pc) =	sbr.rel @p0 .LBB2_1-.Ltmp4, $3  }
0x22c: {  	_ =	sdelay $0x1  }
0x22d: {  	[sflag:s18] =	ssyncset.done $0x0  }
0x22e: {  	[sflag:s18] =	ssyncadd.s32 $0xFFFFE796  }
0x22f: {  	_ =	sfence.sel $0x180000  }
0x230: {  	[bflag:$0x0] =	sbarrier.arrive $0xFFFF  }
0x231: {  	_ =	strace $0x90000047  }
0x232: {  	s0 =	stileid.u32;
	[bflag:$0x2] =	sbarrier.arrive $0xFFFF  }
0x233: {  	p0 =	sne.s32 s0, $0x0;
	s0 =	rddreg [dreg:$0x3]  }
0x234: {  	s0 =	sadd.s32 @!p0 $0x100000, s0  }
0x235: {  	[sflag:s0] =	ssyncadd.tile.s32 @!p0 $0x1;
	_ =	shalt  }
.Lfunc_end2:
_tile_overlayer_lowered:
.L_overlay_start_2:
0x236: {  	(tag) =	ssettag $0x2  }
0x237: {  	s0 =	rddreg [dreg:$0x0];
	s2 =	stileid.u32  }
0x238: {  	s1 =	rddreg [dreg:$0x1];
	p0 =	sne.s32 s2, $0x0  }
0x239: {  	s3 =	rddreg [dreg:$0x2];
	[bflag:$0x3] =	sbarrier.arrive $0xFFFF;
	s2 =	simm.s32 @!p0 $0x1C07  }
0x23a: {  	[timem:s3], [sflag:s2] =	dma.local @!p0 [hbm:s0], s1  }
0x23b: {  	s0 =	simm.s32 @!p0 $0x7  }
0x23c: {  	_ =	swait.ge @!p0 [sflag:s0], s1  }
0x23d: {  	s1 =	ssub.s32 @!p0 $0x0, s1;
	[sflag:s0] =	ssyncset.done @!p0 $0x0  }
0x23e: {  	[sflag:s0] =	ssyncadd.s32 @!p0 s1  }
0x23f: {  	[bflag:$0x3] =	sbarrier.arrive $0xFFFF  }
0x240: {  	_ =	shalt  }

</sc_bundles>
